<compile_context>
chip_gen: v7x
topology: tpu7x:2x2x1
jax: 0.10.2.dev20260603
libtpu: 0.0.44.dev20260713+nightly
codegen_flags: <defaults>
</compile_context>

<pallas_src>
import functools

import jax
import jax.numpy as jnp
from jax import lax
from jax.experimental import pallas as pl
from jax.experimental.pallas import tpu as pltpu
from jax.experimental.pallas import tpu_sc as plsc

F = 26
V = 100000
D = 32
B = 4096
EPS = 1e-5

NC = 2
NS = 16
NW = NC * NS
KPW = (F * D) // NW
NB16 = B // 16
H0 = 50048
H1 = V - H0


def _rsqrt(x):
    i = plsc.bitcast(x, jnp.int32)
    i = jnp.int32(0x5F3759DF) - (i >> 1)
    y = plsc.bitcast(i, jnp.float32)
    for _ in range(3):
        y = y * (1.5 - 0.5 * x * y * y)
    return y


@functools.partial(
    pl.kernel,
    out_type=(
        jax.ShapeDtypeStruct((F, D, B), jnp.float32),
        jax.ShapeDtypeStruct((NW, 2, 2, B), jnp.float32),
    ),
    mesh=plsc.VectorSubcoreMesh(
        core_axis_name="c", subcore_axis_name="s", num_cores=NC, num_subcores=NS
    ),
    compiler_params=pltpu.CompilerParams(
        use_tc_tiling_on_sc=True, needs_layout_passes=False
    ),
    scratch_types=[
        pltpu.VMEM((H0,), jnp.float32),
        pltpu.VMEM((H1,), jnp.float32),
        pltpu.VMEM((B,), jnp.int32),
        pltpu.VMEM((B,), jnp.float32),
        pltpu.VMEM((B,), jnp.float32),
        pltpu.VMEM((B,), jnp.float32),
        pltpu.VMEM((D,), jnp.float32),
        pltpu.VMEM((D,), jnp.float32),
        pltpu.SemaphoreType.DMA,
        pltpu.SemaphoreType.DMA,
    ],
)
def _sc_embed_ln(xt_hbm, tab_hbm, gamma_hbm, beta_hbm, out_hbm, part_hbm,
                 win0_v, win1_v, xcol_v, col_v, acc_v, acc2_v, g_v, b_v,
                 sem0, sem1):
    cid = lax.axis_index("c")
    sid = lax.axis_index("s")
    wid = cid * NS + sid
    f0 = (wid * KPW) // D

    zeros = jnp.zeros((16,), jnp.float32)

    def zero_acc(j, carry):
        s = pl.ds(j * 16, 16)
        acc_v[s] = zeros
        acc2_v[s] = zeros
        return carry

    lax.fori_loop(0, NB16, zero_acc, 0)

    def publish(fprev):
        sl = fprev - f0
        pltpu.sync_copy(acc_v, part_hbm.at[wid, 0, sl])
        pltpu.sync_copy(acc2_v, part_hbm.at[wid, 1, sl])

    def _fd(k):
        w = wid * KPW + k
        return w // D, w % D

    def fire0(k):
        fp, dp = _fd(k)
        pltpu.async_copy(tab_hbm.at[fp, dp, pl.ds(0, H0)], win0_v, sem0)

    def fire1(k):
        fp, dp = _fd(k)
        pltpu.async_copy(tab_hbm.at[fp, dp, pl.ds(H0, H1)], win1_v, sem1)

    def wait0(k):
        fp, dp = _fd(k)
        pltpu.make_async_copy(
            tab_hbm.at[fp, dp, pl.ds(0, H0)], win0_v, sem0
        ).wait()

    def wait1(k):
        fp, dp = _fd(k)
        pltpu.make_async_copy(
            tab_hbm.at[fp, dp, pl.ds(H0, H1)], win1_v, sem1
        ).wait()

    pltpu.sync_copy(xt_hbm.at[f0], xcol_v)
    fire0(0)
    fire1(0)

    def pass1(k, fprev):
        fp, dp = _fd(k)

        @pl.when(fp != fprev)
        def _switch():
            publish(fprev)
            pltpu.sync_copy(xt_hbm.at[fp], xcol_v)

            def zero_again(j, c):
                s = pl.ds(j * 16, 16)
                acc_v[s] = zeros
                acc2_v[s] = zeros
                return c

            lax.fori_loop(0, NB16, zero_again, 0)

        wait0(k)

        def inner0(j, c):
            for u in range(4):
                s = pl.ds(j * 64 + u * 16, 16)
                idx = xcol_v[s]
                m = idx < H0
                w = jnp.where(m, plsc.load_gather(win0_v, [idx], mask=m), 0.0)
                acc_v[s] = acc_v[s] + w
                acc2_v[s] = acc2_v[s] + w * w
                col_v[s] = w
            return c

        lax.fori_loop(0, NB16 // 4, inner0, 0)

        @pl.when(k < KPW - 1)
        def _prefetch0():
            fire0(k + 1)

        wait1(k)

        def inner1(j, c):
            for u in range(4):
                s = pl.ds(j * 64 + u * 16, 16)
                idx = xcol_v[s]
                m = idx >= H0
                w = jnp.where(
                    m, plsc.load_gather(win1_v, [idx - H0], mask=m), 0.0
                )
                acc_v[s] = acc_v[s] + w
                acc2_v[s] = acc2_v[s] + w * w
                col_v[s] = col_v[s] + w
            return c

        lax.fori_loop(0, NB16 // 4, inner1, 0)

        @pl.when(k < KPW - 1)
        def _prefetch1():
            fire1(k + 1)

        pltpu.sync_copy(col_v, out_hbm.at[fp, dp])
        return fp

    flast = lax.fori_loop(0, KPW, pass1, f0)

    publish(flast)
    plsc.subcore_barrier()

    @pl.when(sid < F // NC)
    def _owner():
        f = cid * (F // NC) + sid
        t0 = (f * D) // KPW

        def zero_own(j, carry):
            s = pl.ds(j * 16, 16)
            acc_v[s] = zeros
            acc2_v[s] = zeros
            return carry

        lax.fori_loop(0, NB16, zero_own, 0)

        for dt in range(3):
            t = t0 + dt
            fl = (t * KPW) // D
            sl = f - fl
            valid = (t < NW) & (t * KPW < f * D + D) & (sl >= 0) & (sl < 2)

            @pl.when(valid)
            def _combine():
                tc = jnp.minimum(t, NW - 1)
                slc = jnp.clip(sl, 0, 1)
                pltpu.sync_copy(part_hbm.at[tc, 0, slc], col_v)

                def add_m(j, c):
                    s = pl.ds(j * 16, 16)
                    acc_v[s] = acc_v[s] + col_v[s]
                    return c

                lax.fori_loop(0, NB16, add_m, 0)
                pltpu.sync_copy(part_hbm.at[tc, 1, slc], col_v)

                def add_m2(j, c):
                    s = pl.ds(j * 16, 16)
                    acc2_v[s] = acc2_v[s] + col_v[s]
                    return c

                lax.fori_loop(0, NB16, add_m2, 0)

        pltpu.sync_copy(gamma_hbm, g_v)
        pltpu.sync_copy(beta_hbm, b_v)

        def fin(j, carry):
            s = pl.ds(j * 16, 16)
            m = acc_v[s] * (1.0 / D)
            var = acc2_v[s] * (1.0 / D) - m * m
            acc_v[s] = m
            acc2_v[s] = _rsqrt(var + EPS)
            return carry

        lax.fori_loop(0, NB16, fin, 0)

        colA = win0_v.at[pl.ds(0, B)]
        colB = win1_v.at[pl.ds(0, B)]

        def rd(d, buf, sem):
            pltpu.async_copy(out_hbm.at[f, d], buf, sem)

        def wr(d, buf, sem):
            pltpu.async_copy(buf, out_hbm.at[f, d], sem)

        def wt(buf, sem):
            pltpu.make_async_copy(out_hbm.at[f, 0], buf, sem).wait()

        def normalize(buf, d):
            dcol = jnp.zeros((16,), jnp.int32) + d
            g = plsc.load_gather(g_v, [dcol])
            b = plsc.load_gather(b_v, [dcol])

            def inner(j, c):
                for u in range(4):
                    s = pl.ds(j * 64 + u * 16, 16)
                    buf[s] = (buf[s] - acc_v[s]) * acc2_v[s] * g + b
                return c

            lax.fori_loop(0, NB16 // 4, inner, 0)

        rd(0, colA, sem0)
        rd(1, colB, sem1)

        def pass2(i, carry):
            d0 = i * 2
            wt(colA, sem0)
            normalize(colA, d0)
            wr(d0, colA, sem0)
            wt(colB, sem1)
            normalize(colB, d0 + 1)
            wr(d0 + 1, colB, sem1)

            @pl.when(i < D // 2 - 1)
            def _next():
                wt(colA, sem0)
                rd(d0 + 2, colA, sem0)
                wt(colB, sem1)
                rd(d0 + 3, colB, sem1)

            return carry

        lax.fori_loop(0, D // 2, pass2, 0)
        wt(colA, sem0)
        wt(colB, sem1)


def kernel(x, tables, gamma, beta):
    xt = x.T.astype(jnp.int32)
    tab_t = jnp.transpose(tables, (0, 2, 1))
    out, _ = _sc_embed_ln(xt, tab_t,
                          gamma.astype(jnp.float32), beta.astype(jnp.float32))
    return jnp.transpose(out, (2, 0, 1))

# --- scband reference (transcript-rebuilt; emitter-appended) ---
"""Pipeline reference for scband-feature-embeddings-9131100471797 (READ-ONLY COPY).

The authoritative reference and input builder live on the scoring server;
editing this copy changes nothing except your own understanding.
"""

import jax, jax.numpy as jnp
import numpy as np

N_FEATURES = 26
VOCAB = 100000
EMBED_DIM = 32
BATCH = 4096
LN_EPS = 1e-5


def setup_inputs(seed: int = 0) -> dict:
    key = jax.random.key(seed)
    k_idx, k_tab = jax.random.split(key, 2)
    x = jax.random.randint(k_idx, (BATCH, N_FEATURES), 0, VOCAB, dtype=jnp.int64 if jax.config.jax_enable_x64 else jnp.int32)
    # per-feature embedding tables, init normal(0, 0.02), padding_idx=0 row zeroed
    tables = jax.random.normal(k_tab, (N_FEATURES, VOCAB, EMBED_DIM), dtype=jnp.float32) * 0.02
    tables = tables.at[:, 0, :].set(0.0)
    gamma = jnp.ones((EMBED_DIM,), dtype=jnp.float32)
    beta = jnp.zeros((EMBED_DIM,), dtype=jnp.float32)
    return {"x": x, "tables": tables, "gamma": gamma, "beta": beta}


def reference(x, tables, gamma, beta):
    # Per-feature embedding lookup: for each feature i, tables[i][x[:, i]].
    # Vectorized gather over (feature, row) pairs; identical math to the torch loop + stack.
    feat_ids = jnp.arange(N_FEATURES)[None, :]  # [1, F]
    emb = tables[feat_ids, x]  # [B, F, D]
    # LayerNorm over last dim (embed_dim), elementwise affine
    mean = jnp.mean(emb, axis=-1, keepdims=True)
    var = jnp.var(emb, axis=-1, keepdims=True)
    normed = (emb - mean) / jnp.sqrt(var + LN_EPS)
    out = normed * gamma + beta
    # dropout is identity in eval mode
    return out

if __name__ == "__main__":
    import jax
    _d = setup_inputs()
    print(jax.jit(kernel)(*tuple(_d.values())))

</pallas_src>

<mosaic_0001>
#map = affine_map<(d0, d1) -> (0, 0)>
#map1 = affine_map<(d0, d1) -> (0, 0, 0)>
#map2 = affine_map<(d0, d1) -> (0)>
#map3 = affine_map<(d0, d1) -> (0, 0, 0, 0)>
module attributes {stable_mosaic.version = 14 : i64} {
  func.func @_sc_embed_ln(%arg0: i32, %arg1: i32, %arg2: memref<26x4096xi32, #tpu.memory_space<hbm>>, %arg3: memref<26x32x100000xf32, #tpu.memory_space<hbm>>, %arg4: memref<32xf32, #tpu.memory_space<hbm>>, %arg5: memref<32xf32, #tpu.memory_space<hbm>>, %arg6: memref<26x32x4096xf32, #tpu.memory_space<hbm>>, %arg7: memref<32x2x2x4096xf32, #tpu.memory_space<hbm>>, %arg8: memref<50048xf32, #tpu.memory_space<vmem>>, %arg9: memref<49952xf32, #tpu.memory_space<vmem>>, %arg10: memref<4096xi32, #tpu.memory_space<vmem>>, %arg11: memref<4096xf32, #tpu.memory_space<vmem>>, %arg12: memref<4096xf32, #tpu.memory_space<vmem>>, %arg13: memref<4096xf32, #tpu.memory_space<vmem>>, %arg14: memref<32xf32, #tpu.memory_space<vmem>>, %arg15: memref<32xf32, #tpu.memory_space<vmem>>, %arg16: memref<!tpu.dma_semaphore, #tpu.memory_space<semaphore_mem>>, %arg17: memref<!tpu.dma_semaphore, #tpu.memory_space<semaphore_mem>>) attributes {dimension_semantics = [#tpu.dimension_semantics<core_parallel>, #tpu.dimension_semantics<subcore_parallel>], iteration_bounds = array<i64: 2, 16>, scalar_prefetch = 0 : i64, scratch_operands = 10 : i64, tpu.core_type = #tpu.core_type<sc_vector_subcore>, window_params = [{transform_indices = #map}, {transform_indices = #map1}, {transform_indices = #map2}, {transform_indices = #map2}, {transform_indices = #map1}, {transform_indices = #map3}]} {
    %mul3A = arith.constant 16 : i32
    %mul3A_0 = arith.muli %arg0, %mul3A : i32
    %add3A = arith.addi %mul3A_0, %arg1 : i32
    %mul3A_1 = arith.constant 26 : i32
    %mul3A_2 = arith.muli %add3A, %mul3A_1 : i32
    %jit3A = arith.constant 32 : i32
    %div3A = arith.divsi %mul3A_2, %jit3A : i32
    %sign3A = arith.constant 0 : i32
    %sign3A_3 = arith.cmpi sgt, %mul3A_2, %sign3A : i32
    %sign3A_4 = arith.extui %sign3A_3 : i1 to i32
    %sign3A_5 = arith.constant 0 : i32
    %sign3A_6 = arith.cmpi slt, %mul3A_2, %sign3A_5 : i32
    %sign3A_7 = arith.extui %sign3A_6 : i1 to i32
    %sign3A_8 = arith.subi %sign3A_4, %sign3A_7 : i32
    %sign3A_9 = arith.constant 0 : i32
    %sign3A_10 = arith.cmpi sgt, %jit3A, %sign3A_9 : i32
    %sign3A_11 = arith.extui %sign3A_10 : i1 to i32
    %sign3A_12 = arith.constant 0 : i32
    %sign3A_13 = arith.cmpi slt, %jit3A, %sign3A_12 : i32
    %sign3A_14 = arith.extui %sign3A_13 : i1 to i32
    %sign3A_15 = arith.subi %sign3A_11, %sign3A_14 : i32
    %ne3A = arith.cmpi ne, %sign3A_8, %sign3A_15 : i32
    %rem3A = arith.remsi %mul3A_2, %jit3A : i32
    %ne3A_16 = arith.constant 0 : i32
    %ne3A_17 = arith.cmpi ne, %rem3A, %ne3A_16 : i32
    %and3A = arith.andi %ne3A, %ne3A_17 : i1
    %sub3A = arith.constant 1 : i32
    %sub3A_18 = arith.subi %div3A, %sub3A : i32
    %select_n3A = arith.select %and3A, %sub3A_18, %div3A : i32
    %broadcast_in_dim3A = arith.constant 0.000000e+00 : f32
    %broadcast_in_dim3A_19 = vector.broadcast %broadcast_in_dim3A : f32 to vector<16xf32>
    %scan3A = arith.constant 0 : i32
    %scan3A_20 = arith.constant 0 : i32
    %scan3A_21 = arith.constant 256 : i32
    %scan3A_22 = arith.addi %scan3A_20, %scan3A_21 : i32
    %scan3A_23 = arith.constant 1 : i32
    scf.for %scan3A_133 = %scan3A_20 to %scan3A_22 step %scan3A_23  : i32 {
      %mul3A_134 = arith.constant 16 : i32
      %mul3A_135 = arith.muli %scan3A_133, %mul3A_134 : i32
      %swap3A = arith.index_cast %mul3A_135 : i32 to index
      %swap3A_136 = tpu.vector_load %arg12[%swap3A] {strides = array<i32>} : memref<4096xf32, #tpu.memory_space<vmem>>, vector<16xf32>,
      tpu.vector_store %arg12[%swap3A], %broadcast_in_dim3A_19 {strides = array<i32>} : memref<4096xf32, #tpu.memory_space<vmem>>, vector<16xf32>,
      %swap3A_137 = arith.index_cast %mul3A_135 : i32 to index
      %swap3A_138 = tpu.vector_load %arg13[%swap3A_137] {strides = array<i32>} : memref<4096xf32, #tpu.memory_space<vmem>>, vector<16xf32>,
      tpu.vector_store %arg13[%swap3A_137], %broadcast_in_dim3A_19 {strides = array<i32>} : memref<4096xf32, #tpu.memory_space<vmem>>, vector<16xf32>,
    }
    %scan3A_24 = arith.constant 256 : i32
    "tpu.region"() ({
      %run_scoped3A_133 = tpu.sem_alloc : memref<!tpu.dma_semaphore, #tpu.memory_space<semaphore_mem>>
      %dma_start3A_134 = arith.constant 0 : i32
      %dma_start3A_135 = tpu.memref_slice %arg2[%select_n3A, %dma_start3A_134] : memref<26x4096xi32, #tpu.memory_space<hbm>> -> memref<1x4096xi32, #tpu.memory_space<hbm>>
      %dma_start3A_136 = tpu.memref_squeeze %dma_start3A_135 : memref<1x4096xi32, #tpu.memory_space<hbm>> -> memref<4096xi32, #tpu.memory_space<hbm>>
      %dma_start3A_137 = arith.constant 0 : i32
      %dma_start3A_138 = tpu.memref_slice %arg2[%select_n3A, %dma_start3A_137] : memref<26x4096xi32, #tpu.memory_space<hbm>> -> memref<1x4096xi32, #tpu.memory_space<hbm>>
      %dma_start3A_139 = tpu.memref_squeeze %dma_start3A_138 : memref<1x4096xi32, #tpu.memory_space<hbm>> -> memref<4096xi32, #tpu.memory_space<hbm>>
      tpu.enqueue_dma source(%dma_start3A_139 : memref<4096xi32, #tpu.memory_space<hbm>>) target(%arg10 : memref<4096xi32, #tpu.memory_space<vmem>>) target_semaphore(%run_scoped3A_133 : memref<!tpu.dma_semaphore, #tpu.memory_space<semaphore_mem>>)
      %dma_wait3A = arith.constant 0 : i32
      %dma_wait3A_140 = tpu.memref_slice %arg2[%select_n3A, %dma_wait3A] : memref<26x4096xi32, #tpu.memory_space<hbm>> -> memref<1x4096xi32, #tpu.memory_space<hbm>>
      %dma_wait3A_141 = tpu.memref_squeeze %dma_wait3A_140 : memref<1x4096xi32, #tpu.memory_space<hbm>> -> memref<4096xi32, #tpu.memory_space<hbm>>
      %dma_wait3A_142 = arith.constant 0 : i32
      %dma_wait3A_143 = tpu.memref_slice %arg2[%select_n3A, %dma_wait3A_142] : memref<26x4096xi32, #tpu.memory_space<hbm>> -> memref<1x4096xi32, #tpu.memory_space<hbm>>
      %dma_wait3A_144 = tpu.memref_squeeze %dma_wait3A_143 : memref<1x4096xi32, #tpu.memory_space<hbm>> -> memref<4096xi32, #tpu.memory_space<hbm>>
      tpu.wait_dma2 semaphore(%run_scoped3A_133 : memref<!tpu.dma_semaphore, #tpu.memory_space<semaphore_mem>>) src(%dma_wait3A_144 : memref<4096xi32, #tpu.memory_space<hbm>>) dst(%arg10 : memref<4096xi32, #tpu.memory_space<vmem>>)
      tpu.yield
    }) : () -> ()
    %mul3A_25 = arith.constant 26 : i32
    %mul3A_26 = arith.muli %add3A, %mul3A_25 : i32
    %add3A_27 = arith.constant 0 : i32
    %add3A_28 = arith.addi %mul3A_26, %add3A_27 : i32
    %jit3A_29 = arith.constant 32 : i32
    %div3A_30 = arith.divsi %add3A_28, %jit3A_29 : i32
    %sign3A_31 = arith.constant 0 : i32
    %sign3A_32 = arith.cmpi sgt, %add3A_28, %sign3A_31 : i32
    %sign3A_33 = arith.extui %sign3A_32 : i1 to i32
    %sign3A_34 = arith.constant 0 : i32
    %sign3A_35 = arith.cmpi slt, %add3A_28, %sign3A_34 : i32
    %sign3A_36 = arith.extui %sign3A_35 : i1 to i32
    %sign3A_37 = arith.subi %sign3A_33, %sign3A_36 : i32
    %sign3A_38 = arith.constant 0 : i32
    %sign3A_39 = arith.cmpi sgt, %jit3A_29, %sign3A_38 : i32
    %sign3A_40 = arith.extui %sign3A_39 : i1 to i32
    %sign3A_41 = arith.constant 0 : i32
    %sign3A_42 = arith.cmpi slt, %jit3A_29, %sign3A_41 : i32
    %sign3A_43 = arith.extui %sign3A_42 : i1 to i32
    %sign3A_44 = arith.subi %sign3A_40, %sign3A_43 : i32
    %ne3A_45 = arith.cmpi ne, %sign3A_37, %sign3A_44 : i32
    %rem3A_46 = arith.remsi %add3A_28, %jit3A_29 : i32
    %ne3A_47 = arith.constant 0 : i32
    %ne3A_48 = arith.cmpi ne, %rem3A_46, %ne3A_47 : i32
    %and3A_49 = arith.andi %ne3A_45, %ne3A_48 : i1
    %sub3A_50 = arith.constant 1 : i32
    %sub3A_51 = arith.subi %div3A_30, %sub3A_50 : i32
    %select_n3A_52 = arith.select %and3A_49, %sub3A_51, %div3A_30 : i32
    %jit3A_53 = arith.constant 32 : i32
    %eq3A = arith.constant 0 : i32
    %eq3A_54 = arith.cmpi eq, %jit3A_53, %eq3A : i32
    %jit3A_55 = arith.constant 1 : i32
    %select_n3A_56 = arith.select %eq3A_54, %jit3A_55, %jit3A_53 : i32
    %rem3A_57 = arith.remsi %add3A_28, %select_n3A_56 : i32
    %ne3A_58 = arith.constant 0 : i32
    %ne3A_59 = arith.cmpi ne, %rem3A_57, %ne3A_58 : i32
    %lt3A = arith.constant 0 : i32
    %lt3A_60 = arith.cmpi slt, %rem3A_57, %lt3A : i32
    %lt3A_61 = arith.constant 0 : i32
    %lt3A_62 = arith.cmpi slt, %select_n3A_56, %lt3A_61 : i32
    %ne3A_63 = arith.xori %lt3A_60, %lt3A_62 : i1
    %and3A_64 = arith.andi %ne3A_63, %ne3A_59 : i1
    %add3A_65 = arith.addi %rem3A_57, %select_n3A_56 : i32
    %select_n3A_66 = arith.select %and3A_64, %add3A_65, %rem3A_57 : i32
    %dma_start3A = arith.constant 0 : i32
    %dma_start3A_67 = tpu.memref_slice %arg3[%select_n3A_52, %select_n3A_66, %dma_start3A] : memref<26x32x100000xf32, #tpu.memory_space<hbm>> -> memref<1x1x50048xf32, #tpu.memory_space<hbm>>
    %dma_start3A_68 = tpu.memref_squeeze %dma_start3A_67 : memref<1x1x50048xf32, #tpu.memory_space<hbm>> -> memref<50048xf32, #tpu.memory_space<hbm>>
    %dma_start3A_69 = arith.constant 0 : i32
    %dma_start3A_70 = tpu.memref_slice %arg3[%select_n3A_52, %select_n3A_66, %dma_start3A_69] : memref<26x32x100000xf32, #tpu.memory_space<hbm>> -> memref<1x1x50048xf32, #tpu.memory_space<hbm>>
    %dma_start3A_71 = tpu.memref_squeeze %dma_start3A_70 : memref<1x1x50048xf32, #tpu.memory_space<hbm>> -> memref<50048xf32, #tpu.memory_space<hbm>>
    tpu.enqueue_dma source(%dma_start3A_71 : memref<50048xf32, #tpu.memory_space<hbm>>) target(%arg8 : memref<50048xf32, #tpu.memory_space<vmem>>) target_semaphore(%arg16 : memref<!tpu.dma_semaphore, #tpu.memory_space<semaphore_mem>>)
    %mul3A_72 = arith.constant 26 : i32
    %mul3A_73 = arith.muli %add3A, %mul3A_72 : i32
    %add3A_74 = arith.constant 0 : i32
    %add3A_75 = arith.addi %mul3A_73, %add3A_74 : i32
    %jit3A_76 = arith.constant 32 : i32
    %div3A_77 = arith.divsi %add3A_75, %jit3A_76 : i32
    %sign3A_78 = arith.constant 0 : i32
    %sign3A_79 = arith.cmpi sgt, %add3A_75, %sign3A_78 : i32
    %sign3A_80 = arith.extui %sign3A_79 : i1 to i32
    %sign3A_81 = arith.constant 0 : i32
    %sign3A_82 = arith.cmpi slt, %add3A_75, %sign3A_81 : i32
    %sign3A_83 = arith.extui %sign3A_82 : i1 to i32
    %sign3A_84 = arith.subi %sign3A_80, %sign3A_83 : i32
    %sign3A_85 = arith.constant 0 : i32
    %sign3A_86 = arith.cmpi sgt, %jit3A_76, %sign3A_85 : i32
    %sign3A_87 = arith.extui %sign3A_86 : i1 to i32
    %sign3A_88 = arith.constant 0 : i32
    %sign3A_89 = arith.cmpi slt, %jit3A_76, %sign3A_88 : i32
    %sign3A_90 = arith.extui %sign3A_89 : i1 to i32
    %sign3A_91 = arith.subi %sign3A_87, %sign3A_90 : i32
    %ne3A_92 = arith.cmpi ne, %sign3A_84, %sign3A_91 : i32
    %rem3A_93 = arith.remsi %add3A_75, %jit3A_76 : i32
    %ne3A_94 = arith.constant 0 : i32
    %ne3A_95 = arith.cmpi ne, %rem3A_93, %ne3A_94 : i32
    %and3A_96 = arith.andi %ne3A_92, %ne3A_95 : i1
    %sub3A_97 = arith.constant 1 : i32
    %sub3A_98 = arith.subi %div3A_77, %sub3A_97 : i32
    %select_n3A_99 = arith.select %and3A_96, %sub3A_98, %div3A_77 : i32
    %jit3A_100 = arith.constant 32 : i32
    %eq3A_101 = arith.constant 0 : i32
    %eq3A_102 = arith.cmpi eq, %jit3A_100, %eq3A_101 : i32
    %jit3A_103 = arith.constant 1 : i32
    %select_n3A_104 = arith.select %eq3A_102, %jit3A_103, %jit3A_100 : i32
    %rem3A_105 = arith.remsi %add3A_75, %select_n3A_104 : i32
    %ne3A_106 = arith.constant 0 : i32
    %ne3A_107 = arith.cmpi ne, %rem3A_105, %ne3A_106 : i32
    %lt3A_108 = arith.constant 0 : i32
    %lt3A_109 = arith.cmpi slt, %rem3A_105, %lt3A_108 : i32
    %lt3A_110 = arith.constant 0 : i32
    %lt3A_111 = arith.cmpi slt, %select_n3A_104, %lt3A_110 : i32
    %ne3A_112 = arith.xori %lt3A_109, %lt3A_111 : i1
    %and3A_113 = arith.andi %ne3A_112, %ne3A_107 : i1
    %add3A_114 = arith.addi %rem3A_105, %select_n3A_104 : i32
    %select_n3A_115 = arith.select %and3A_113, %add3A_114, %rem3A_105 : i32
    %dma_start3A_116 = arith.constant 50048 : i32
    %dma_start3A_117 = tpu.memref_slice %arg3[%select_n3A_99, %select_n3A_115, %dma_start3A_116] : memref<26x32x100000xf32, #tpu.memory_space<hbm>> -> memref<1x1x49952xf32, #tpu.memory_space<hbm>>
    %dma_start3A_118 = tpu.memref_squeeze %dma_start3A_117 : memref<1x1x49952xf32, #tpu.memory_space<hbm>> -> memref<49952xf32, #tpu.memory_space<hbm>>
    %dma_start3A_119 = arith.constant 50048 : i32
    %dma_start3A_120 = tpu.memref_slice %arg3[%select_n3A_99, %select_n3A_115, %dma_start3A_119] : memref<26x32x100000xf32, #tpu.memory_space<hbm>> -> memref<1x1x49952xf32, #tpu.memory_space<hbm>>
    %dma_start3A_121 = tpu.memref_squeeze %dma_start3A_120 : memref<1x1x49952xf32, #tpu.memory_space<hbm>> -> memref<49952xf32, #tpu.memory_space<hbm>>
    tpu.enqueue_dma source(%dma_start3A_121 : memref<49952xf32, #tpu.memory_space<hbm>>) target(%arg9 : memref<49952xf32, #tpu.memory_space<vmem>>) target_semaphore(%arg17 : memref<!tpu.dma_semaphore, #tpu.memory_space<semaphore_mem>>)
    %scan3A_122 = arith.constant 0 : i32
    %scan3A_123 = arith.constant 26 : i32
    %scan3A_124 = arith.addi %scan3A_122, %scan3A_123 : i32
    %scan3A_125 = arith.constant 1 : i32
    %scan3A_126 = scf.for %scan3A_133 = %scan3A_122 to %scan3A_124 step %scan3A_125 iter_args(%scan3A_134 = %select_n3A) -> (i32)  : i32 {
      %mul3A_135 = arith.constant 26 : i32
      %mul3A_136 = arith.muli %add3A, %mul3A_135 : i32
      %add3A_137 = arith.addi %mul3A_136, %scan3A_133 : i32
      %jit3A_138 = arith.constant 32 : i32
      %div3A_139 = arith.divsi %add3A_137, %jit3A_138 : i32
      %sign3A_140 = arith.constant 0 : i32
      %sign3A_141 = arith.cmpi sgt, %add3A_137, %sign3A_140 : i32
      %sign3A_142 = arith.extui %sign3A_141 : i1 to i32
      %sign3A_143 = arith.constant 0 : i32
      %sign3A_144 = arith.cmpi slt, %add3A_137, %sign3A_143 : i32
      %sign3A_145 = arith.extui %sign3A_144 : i1 to i32
      %sign3A_146 = arith.subi %sign3A_142, %sign3A_145 : i32
      %sign3A_147 = arith.constant 0 : i32
      %sign3A_148 = arith.cmpi sgt, %jit3A_138, %sign3A_147 : i32
      %sign3A_149 = arith.extui %sign3A_148 : i1 to i32
      %sign3A_150 = arith.constant 0 : i32
      %sign3A_151 = arith.cmpi slt, %jit3A_138, %sign3A_150 : i32
      %sign3A_152 = arith.extui %sign3A_151 : i1 to i32
      %sign3A_153 = arith.subi %sign3A_149, %sign3A_152 : i32
      %ne3A_154 = arith.cmpi ne, %sign3A_146, %sign3A_153 : i32
      %rem3A_155 = arith.remsi %add3A_137, %jit3A_138 : i32
      %ne3A_156 = arith.constant 0 : i32
      %ne3A_157 = arith.cmpi ne, %rem3A_155, %ne3A_156 : i32
      %and3A_158 = arith.andi %ne3A_154, %ne3A_157 : i1
      %sub3A_159 = arith.constant 1 : i32
      %sub3A_160 = arith.subi %div3A_139, %sub3A_159 : i32
      %select_n3A_161 = arith.select %and3A_158, %sub3A_160, %div3A_139 : i32
      %jit3A_162 = arith.constant 32 : i32
      %eq3A_163 = arith.constant 0 : i32
      %eq3A_164 = arith.cmpi eq, %jit3A_162, %eq3A_163 : i32
      %jit3A_165 = arith.constant 1 : i32
      %select_n3A_166 = arith.select %eq3A_164, %jit3A_165, %jit3A_162 : i32
      %rem3A_167 = arith.remsi %add3A_137, %select_n3A_166 : i32
      %ne3A_168 = arith.constant 0 : i32
      %ne3A_169 = arith.cmpi ne, %rem3A_167, %ne3A_168 : i32
      %lt3A_170 = arith.constant 0 : i32
      %lt3A_171 = arith.cmpi slt, %rem3A_167, %lt3A_170 : i32
      %lt3A_172 = arith.constant 0 : i32
      %lt3A_173 = arith.cmpi slt, %select_n3A_166, %lt3A_172 : i32
      %ne3A_174 = arith.xori %lt3A_171, %lt3A_173 : i1
      %and3A_175 = arith.andi %ne3A_174, %ne3A_169 : i1
      %add3A_176 = arith.addi %rem3A_167, %select_n3A_166 : i32
      %select_n3A_177 = arith.select %and3A_175, %add3A_176, %rem3A_167 : i32
      %ne3A_178 = arith.cmpi ne, %select_n3A_161, %scan3A_134 : i32
      %convert_element_type3A_179 = arith.extui %ne3A_178 : i1 to i32
      %cond3A_180 = arith.constant 0 : i32
      %cond3A_181 = arith.cmpi ne, %convert_element_type3A_179, %cond3A_180 : i32
      scf.if %cond3A_181 {
        %sub3A_301 = arith.subi %scan3A_134, %select_n3A : i32
        %run_scoped3A_302 = arith.constant 0 : i32
        "tpu.region"() ({
          %run_scoped3A_310 = tpu.sem_alloc : memref<!tpu.dma_semaphore, #tpu.memory_space<semaphore_mem>>
          %dma_start3A_311 = arith.constant 0 : i32
          %dma_start3A_312 = tpu.memref_slice %arg7[%add3A, %run_scoped3A_302, %sub3A_301, %dma_start3A_311] : memref<32x2x2x4096xf32, #tpu.memory_space<hbm>> -> memref<1x1x1x4096xf32, #tpu.memory_space<hbm>>
          %dma_start3A_313 = tpu.memref_squeeze %dma_start3A_312 : memref<1x1x1x4096xf32, #tpu.memory_space<hbm>> -> memref<4096xf32, #tpu.memory_space<hbm>>
          %dma_start3A_314 = arith.constant 0 : i32
          %dma_start3A_315 = tpu.memref_slice %arg7[%add3A, %run_scoped3A_302, %sub3A_301, %dma_start3A_314] : memref<32x2x2x4096xf32, #tpu.memory_space<hbm>> -> memref<1x1x1x4096xf32, #tpu.memory_space<hbm>>
          %dma_start3A_316 = tpu.memref_squeeze %dma_start3A_315 : memref<1x1x1x4096xf32, #tpu.memory_space<hbm>> -> memref<4096xf32, #tpu.memory_space<hbm>>
          tpu.enqueue_dma source(%arg12 : memref<4096xf32, #tpu.memory_space<vmem>>) target(%dma_start3A_316 : memref<4096xf32, #tpu.memory_space<hbm>>) target_semaphore(%run_scoped3A_310 : memref<!tpu.dma_semaphore, #tpu.memory_space<semaphore_mem>>)
          %dma_wait3A_317 = arith.constant 0 : i32
          %dma_wait3A_318 = tpu.memref_slice %arg7[%add3A, %run_scoped3A_302, %sub3A_301, %dma_wait3A_317] : memref<32x2x2x4096xf32, #tpu.memory_space<hbm>> -> memref<1x1x1x4096xf32, #tpu.memory_space<hbm>>
          %dma_wait3A_319 = tpu.memref_squeeze %dma_wait3A_318 : memref<1x1x1x4096xf32, #tpu.memory_space<hbm>> -> memref<4096xf32, #tpu.memory_space<hbm>>
          %dma_wait3A_320 = arith.constant 0 : i32
          %dma_wait3A_321 = tpu.memref_slice %arg7[%add3A, %run_scoped3A_302, %sub3A_301, %dma_wait3A_320] : memref<32x2x2x4096xf32, #tpu.memory_space<hbm>> -> memref<1x1x1x4096xf32, #tpu.memory_space<hbm>>
          %dma_wait3A_322 = tpu.memref_squeeze %dma_wait3A_321 : memref<1x1x1x4096xf32, #tpu.memory_space<hbm>> -> memref<4096xf32, #tpu.memory_space<hbm>>
          tpu.wait_dma2 semaphore(%run_scoped3A_310 : memref<!tpu.dma_semaphore, #tpu.memory_space<semaphore_mem>>) src(%arg12 : memref<4096xf32, #tpu.memory_space<vmem>>) dst(%dma_wait3A_322 : memref<4096xf32, #tpu.memory_space<hbm>>)
          tpu.yield
        }) : () -> ()
        %run_scoped3A_303 = arith.constant 1 : i32
        "tpu.region"() ({
          %run_scoped3A_310 = tpu.sem_alloc : memref<!tpu.dma_semaphore, #tpu.memory_space<semaphore_mem>>
          %dma_start3A_311 = arith.constant 0 : i32
          %dma_start3A_312 = tpu.memref_slice %arg7[%add3A, %run_scoped3A_303, %sub3A_301, %dma_start3A_311] : memref<32x2x2x4096xf32, #tpu.memory_space<hbm>> -> memref<1x1x1x4096xf32, #tpu.memory_space<hbm>>
          %dma_start3A_313 = tpu.memref_squeeze %dma_start3A_312 : memref<1x1x1x4096xf32, #tpu.memory_space<hbm>> -> memref<4096xf32, #tpu.memory_space<hbm>>
          %dma_start3A_314 = arith.constant 0 : i32
          %dma_start3A_315 = tpu.memref_slice %arg7[%add3A, %run_scoped3A_303, %sub3A_301, %dma_start3A_314] : memref<32x2x2x4096xf32, #tpu.memory_space<hbm>> -> memref<1x1x1x4096xf32, #tpu.memory_space<hbm>>
          %dma_start3A_316 = tpu.memref_squeeze %dma_start3A_315 : memref<1x1x1x4096xf32, #tpu.memory_space<hbm>> -> memref<4096xf32, #tpu.memory_space<hbm>>
          tpu.enqueue_dma source(%arg13 : memref<4096xf32, #tpu.memory_space<vmem>>) target(%dma_start3A_316 : memref<4096xf32, #tpu.memory_space<hbm>>) target_semaphore(%run_scoped3A_310 : memref<!tpu.dma_semaphore, #tpu.memory_space<semaphore_mem>>)
          %dma_wait3A_317 = arith.constant 0 : i32
          %dma_wait3A_318 = tpu.memref_slice %arg7[%add3A, %run_scoped3A_303, %sub3A_301, %dma_wait3A_317] : memref<32x2x2x4096xf32, #tpu.memory_space<hbm>> -> memref<1x1x1x4096xf32, #tpu.memory_space<hbm>>
          %dma_wait3A_319 = tpu.memref_squeeze %dma_wait3A_318 : memref<1x1x1x4096xf32, #tpu.memory_space<hbm>> -> memref<4096xf32, #tpu.memory_space<hbm>>
          %dma_wait3A_320 = arith.constant 0 : i32
          %dma_wait3A_321 = tpu.memref_slice %arg7[%add3A, %run_scoped3A_303, %sub3A_301, %dma_wait3A_320] : memref<32x2x2x4096xf32, #tpu.memory_space<hbm>> -> memref<1x1x1x4096xf32, #tpu.memory_space<hbm>>
          %dma_wait3A_322 = tpu.memref_squeeze %dma_wait3A_321 : memref<1x1x1x4096xf32, #tpu.memory_space<hbm>> -> memref<4096xf32, #tpu.memory_space<hbm>>
          tpu.wait_dma2 semaphore(%run_scoped3A_310 : memref<!tpu.dma_semaphore, #tpu.memory_space<semaphore_mem>>) src(%arg13 : memref<4096xf32, #tpu.memory_space<vmem>>) dst(%dma_wait3A_322 : memref<4096xf32, #tpu.memory_space<hbm>>)
          tpu.yield
        }) : () -> ()
        "tpu.region"() ({
          %run_scoped3A_310 = tpu.sem_alloc : memref<!tpu.dma_semaphore, #tpu.memory_space<semaphore_mem>>
          %dma_start3A_311 = arith.constant 0 : i32
          %dma_start3A_312 = tpu.memref_slice %arg2[%select_n3A_161, %dma_start3A_311] : memref<26x4096xi32, #tpu.memory_space<hbm>> -> memref<1x4096xi32, #tpu.memory_space<hbm>>
          %dma_start3A_313 = tpu.memref_squeeze %dma_start3A_312 : memref<1x4096xi32, #tpu.memory_space<hbm>> -> memref<4096xi32, #tpu.memory_space<hbm>>
          %dma_start3A_314 = arith.constant 0 : i32
          %dma_start3A_315 = tpu.memref_slice %arg2[%select_n3A_161, %dma_start3A_314] : memref<26x4096xi32, #tpu.memory_space<hbm>> -> memref<1x4096xi32, #tpu.memory_space<hbm>>
          %dma_start3A_316 = tpu.memref_squeeze %dma_start3A_315 : memref<1x4096xi32, #tpu.memory_space<hbm>> -> memref<4096xi32, #tpu.memory_space<hbm>>
          tpu.enqueue_dma source(%dma_start3A_316 : memref<4096xi32, #tpu.memory_space<hbm>>) target(%arg10 : memref<4096xi32, #tpu.memory_space<vmem>>) target_semaphore(%run_scoped3A_310 : memref<!tpu.dma_semaphore, #tpu.memory_space<semaphore_mem>>)
          %dma_wait3A_317 = arith.constant 0 : i32
          %dma_wait3A_318 = tpu.memref_slice %arg2[%select_n3A_161, %dma_wait3A_317] : memref<26x4096xi32, #tpu.memory_space<hbm>> -> memref<1x4096xi32, #tpu.memory_space<hbm>>
          %dma_wait3A_319 = tpu.memref_squeeze %dma_wait3A_318 : memref<1x4096xi32, #tpu.memory_space<hbm>> -> memref<4096xi32, #tpu.memory_space<hbm>>
          %dma_wait3A_320 = arith.constant 0 : i32
          %dma_wait3A_321 = tpu.memref_slice %arg2[%select_n3A_161, %dma_wait3A_320] : memref<26x4096xi32, #tpu.memory_space<hbm>> -> memref<1x4096xi32, #tpu.memory_space<hbm>>
          %dma_wait3A_322 = tpu.memref_squeeze %dma_wait3A_321 : memref<1x4096xi32, #tpu.memory_space<hbm>> -> memref<4096xi32, #tpu.memory_space<hbm>>
          tpu.wait_dma2 semaphore(%run_scoped3A_310 : memref<!tpu.dma_semaphore, #tpu.memory_space<semaphore_mem>>) src(%dma_wait3A_322 : memref<4096xi32, #tpu.memory_space<hbm>>) dst(%arg10 : memref<4096xi32, #tpu.memory_space<vmem>>)
          tpu.yield
        }) : () -> ()
        %scan3A_304 = arith.constant 0 : i32
        %scan3A_305 = arith.constant 0 : i32
        %scan3A_306 = arith.constant 256 : i32
        %scan3A_307 = arith.addi %scan3A_305, %scan3A_306 : i32
        %scan3A_308 = arith.constant 1 : i32
        scf.for %scan3A_310 = %scan3A_305 to %scan3A_307 step %scan3A_308  : i32 {
          %mul3A_311 = arith.constant 16 : i32
          %mul3A_312 = arith.muli %scan3A_310, %mul3A_311 : i32
          %swap3A = arith.index_cast %mul3A_312 : i32 to index
          %swap3A_313 = tpu.vector_load %arg12[%swap3A] {strides = array<i32>} : memref<4096xf32, #tpu.memory_space<vmem>>, vector<16xf32>,
          tpu.vector_store %arg12[%swap3A], %broadcast_in_dim3A_19 {strides = array<i32>} : memref<4096xf32, #tpu.memory_space<vmem>>, vector<16xf32>,
          %swap3A_314 = arith.index_cast %mul3A_312 : i32 to index
          %swap3A_315 = tpu.vector_load %arg13[%swap3A_314] {strides = array<i32>} : memref<4096xf32, #tpu.memory_space<vmem>>, vector<16xf32>,
          tpu.vector_store %arg13[%swap3A_314], %broadcast_in_dim3A_19 {strides = array<i32>} : memref<4096xf32, #tpu.memory_space<vmem>>, vector<16xf32>,
        }
        %scan3A_309 = arith.constant 256 : i32
      } else {
      }
      %mul3A_182 = arith.constant 26 : i32
      %mul3A_183 = arith.muli %add3A, %mul3A_182 : i32
      %add3A_184 = arith.addi %mul3A_183, %scan3A_133 : i32
      %jit3A_185 = arith.constant 32 : i32
      %div3A_186 = arith.divsi %add3A_184, %jit3A_185 : i32
      %sign3A_187 = arith.constant 0 : i32
      %sign3A_188 = arith.cmpi sgt, %add3A_184, %sign3A_187 : i32
      %sign3A_189 = arith.extui %sign3A_188 : i1 to i32
      %sign3A_190 = arith.constant 0 : i32
      %sign3A_191 = arith.cmpi slt, %add3A_184, %sign3A_190 : i32
      %sign3A_192 = arith.extui %sign3A_191 : i1 to i32
      %sign3A_193 = arith.subi %sign3A_189, %sign3A_192 : i32
      %sign3A_194 = arith.constant 0 : i32
      %sign3A_195 = arith.cmpi sgt, %jit3A_185, %sign3A_194 : i32
      %sign3A_196 = arith.extui %sign3A_195 : i1 to i32
      %sign3A_197 = arith.constant 0 : i32
      %sign3A_198 = arith.cmpi slt, %jit3A_185, %sign3A_197 : i32
      %sign3A_199 = arith.extui %sign3A_198 : i1 to i32
      %sign3A_200 = arith.subi %sign3A_196, %sign3A_199 : i32
      %ne3A_201 = arith.cmpi ne, %sign3A_193, %sign3A_200 : i32
      %rem3A_202 = arith.remsi %add3A_184, %jit3A_185 : i32
      %ne3A_203 = arith.constant 0 : i32
      %ne3A_204 = arith.cmpi ne, %rem3A_202, %ne3A_203 : i32
      %and3A_205 = arith.andi %ne3A_201, %ne3A_204 : i1
      %sub3A_206 = arith.constant 1 : i32
      %sub3A_207 = arith.subi %div3A_186, %sub3A_206 : i32
      %select_n3A_208 = arith.select %and3A_205, %sub3A_207, %div3A_186 : i32
      %jit3A_209 = arith.constant 32 : i32
      %eq3A_210 = arith.constant 0 : i32
      %eq3A_211 = arith.cmpi eq, %jit3A_209, %eq3A_210 : i32
      %jit3A_212 = arith.constant 1 : i32
      %select_n3A_213 = arith.select %eq3A_211, %jit3A_212, %jit3A_209 : i32
      %rem3A_214 = arith.remsi %add3A_184, %select_n3A_213 : i32
      %ne3A_215 = arith.constant 0 : i32
      %ne3A_216 = arith.cmpi ne, %rem3A_214, %ne3A_215 : i32
      %lt3A_217 = arith.constant 0 : i32
      %lt3A_218 = arith.cmpi slt, %rem3A_214, %lt3A_217 : i32
      %lt3A_219 = arith.constant 0 : i32
      %lt3A_220 = arith.cmpi slt, %select_n3A_213, %lt3A_219 : i32
      %ne3A_221 = arith.xori %lt3A_218, %lt3A_220 : i1
      %and3A_222 = arith.andi %ne3A_221, %ne3A_216 : i1
      %add3A_223 = arith.addi %rem3A_214, %select_n3A_213 : i32
      %select_n3A_224 = arith.select %and3A_222, %add3A_223, %rem3A_214 : i32
      %dma_wait3A = arith.constant 0 : i32
      %dma_wait3A_225 = tpu.memref_slice %arg3[%select_n3A_208, %select_n3A_224, %dma_wait3A] : memref<26x32x100000xf32, #tpu.memory_space<hbm>> -> memref<1x1x50048xf32, #tpu.memory_space<hbm>>
      %dma_wait3A_226 = tpu.memref_squeeze %dma_wait3A_225 : memref<1x1x50048xf32, #tpu.memory_space<hbm>> -> memref<50048xf32, #tpu.memory_space<hbm>>
      %dma_wait3A_227 = arith.constant 0 : i32
      %dma_wait3A_228 = tpu.memref_slice %arg3[%select_n3A_208, %select_n3A_224, %dma_wait3A_227] : memref<26x32x100000xf32, #tpu.memory_space<hbm>> -> memref<1x1x50048xf32, #tpu.memory_space<hbm>>
      %dma_wait3A_229 = tpu.memref_squeeze %dma_wait3A_228 : memref<1x1x50048xf32, #tpu.memory_space<hbm>> -> memref<50048xf32, #tpu.memory_space<hbm>>
      tpu.wait_dma2 semaphore(%arg16 : memref<!tpu.dma_semaphore, #tpu.memory_space<semaphore_mem>>) src(%dma_wait3A_229 : memref<50048xf32, #tpu.memory_space<hbm>>) dst(%arg8 : memref<50048xf32, #tpu.memory_space<vmem>>)
      %scan3A_230 = arith.constant 0 : i32
      %scan3A_231 = arith.constant 0 : i32
      %scan3A_232 = arith.constant 64 : i32
      %scan3A_233 = arith.addi %scan3A_231, %scan3A_232 : i32
      %scan3A_234 = arith.constant 1 : i32
      scf.for %scan3A_301 = %scan3A_231 to %scan3A_233 step %scan3A_234  : i32 {
        %mul3A_302 = arith.constant 64 : i32
        %mul3A_303 = arith.muli %scan3A_301, %mul3A_302 : i32
        %add3A_304 = arith.constant 0 : i32
        %add3A_305 = arith.addi %mul3A_303, %add3A_304 : i32
        %get3A = arith.index_cast %add3A_305 : i32 to index
        %get3A_306 = tpu.vector_load %arg10[%get3A] {strides = array<i32>} : memref<4096xi32, #tpu.memory_space<vmem>>, vector<16xi32>,
        %lt3A_307 = arith.constant 50048 : i32
        %lt3A_308 = vector.broadcast %lt3A_307 : i32 to vector<16xi32>
        %lt3A_309 = arith.cmpi slt, %get3A_306, %lt3A_308 : vector<16xi32>
        %gather3A = tpu.vector_load_idx %arg8[%get3A_306] masked %lt3A_309 : memref<50048xf32, #tpu.memory_space<vmem>>[vector<16xi32>], vector<16xf32>, vector<16xi1>
        %jit3A_310 = arith.constant 0.000000e+00 : f32
        %broadcast_in_dim3A_311 = vector.broadcast %jit3A_310 : f32 to vector<16xf32>
        %select_n3A_312 = arith.select %lt3A_309, %gather3A, %broadcast_in_dim3A_311 : vector<16xi1>, vector<16xf32>
        %get3A_313 = arith.index_cast %add3A_305 : i32 to index
        %get3A_314 = tpu.vector_load %arg12[%get3A_313] {strides = array<i32>} : memref<4096xf32, #tpu.memory_space<vmem>>, vector<16xf32>,
        %add3A_315 = arith.addf %get3A_314, %select_n3A_312 : vector<16xf32>
        %swap3A = arith.index_cast %add3A_305 : i32 to index
        %swap3A_316 = tpu.vector_load %arg12[%swap3A] {strides = array<i32>} : memref<4096xf32, #tpu.memory_space<vmem>>, vector<16xf32>,
        tpu.vector_store %arg12[%swap3A], %add3A_315 {strides = array<i32>} : memref<4096xf32, #tpu.memory_space<vmem>>, vector<16xf32>,
        %get3A_317 = arith.index_cast %add3A_305 : i32 to index
        %get3A_318 = tpu.vector_load %arg13[%get3A_317] {strides = array<i32>} : memref<4096xf32, #tpu.memory_space<vmem>>, vector<16xf32>,
        %mul3A_319 = arith.mulf %select_n3A_312, %select_n3A_312 : vector<16xf32>
        %add3A_320 = arith.addf %get3A_318, %mul3A_319 : vector<16xf32>
        %swap3A_321 = arith.index_cast %add3A_305 : i32 to index
        %swap3A_322 = tpu.vector_load %arg13[%swap3A_321] {strides = array<i32>} : memref<4096xf32, #tpu.memory_space<vmem>>, vector<16xf32>,
        tpu.vector_store %arg13[%swap3A_321], %add3A_320 {strides = array<i32>} : memref<4096xf32, #tpu.memory_space<vmem>>, vector<16xf32>,
        %swap3A_323 = arith.index_cast %add3A_305 : i32 to index
        %swap3A_324 = tpu.vector_load %arg11[%swap3A_323] {strides = array<i32>} : memref<4096xf32, #tpu.memory_space<vmem>>, vector<16xf32>,
        tpu.vector_store %arg11[%swap3A_323], %select_n3A_312 {strides = array<i32>} : memref<4096xf32, #tpu.memory_space<vmem>>, vector<16xf32>,
        %mul3A_325 = arith.constant 64 : i32
        %mul3A_326 = arith.muli %scan3A_301, %mul3A_325 : i32
        %add3A_327 = arith.constant 16 : i32
        %add3A_328 = arith.addi %mul3A_326, %add3A_327 : i32
        %get3A_329 = arith.index_cast %add3A_328 : i32 to index
        %get3A_330 = tpu.vector_load %arg10[%get3A_329] {strides = array<i32>} : memref<4096xi32, #tpu.memory_space<vmem>>, vector<16xi32>,
        %lt3A_331 = arith.constant 50048 : i32
        %lt3A_332 = vector.broadcast %lt3A_331 : i32 to vector<16xi32>
        %lt3A_333 = arith.cmpi slt, %get3A_330, %lt3A_332 : vector<16xi32>
        %gather3A_334 = tpu.vector_load_idx %arg8[%get3A_330] masked %lt3A_333 : memref<50048xf32, #tpu.memory_space<vmem>>[vector<16xi32>], vector<16xf32>, vector<16xi1>
        %jit3A_335 = arith.constant 0.000000e+00 : f32
        %broadcast_in_dim3A_336 = vector.broadcast %jit3A_335 : f32 to vector<16xf32>
        %select_n3A_337 = arith.select %lt3A_333, %gather3A_334, %broadcast_in_dim3A_336 : vector<16xi1>, vector<16xf32>
        %get3A_338 = arith.index_cast %add3A_328 : i32 to index
        %get3A_339 = tpu.vector_load %arg12[%get3A_338] {strides = array<i32>} : memref<4096xf32, #tpu.memory_space<vmem>>, vector<16xf32>,
        %add3A_340 = arith.addf %get3A_339, %select_n3A_337 : vector<16xf32>
        %swap3A_341 = arith.index_cast %add3A_328 : i32 to index
        %swap3A_342 = tpu.vector_load %arg12[%swap3A_341] {strides = array<i32>} : memref<4096xf32, #tpu.memory_space<vmem>>, vector<16xf32>,
        tpu.vector_store %arg12[%swap3A_341], %add3A_340 {strides = array<i32>} : memref<4096xf32, #tpu.memory_space<vmem>>, vector<16xf32>,
        %get3A_343 = arith.index_cast %add3A_328 : i32 to index
        %get3A_344 = tpu.vector_load %arg13[%get3A_343] {strides = array<i32>} : memref<4096xf32, #tpu.memory_space<vmem>>, vector<16xf32>,
        %mul3A_345 = arith.mulf %select_n3A_337, %select_n3A_337 : vector<16xf32>
        %add3A_346 = arith.addf %get3A_344, %mul3A_345 : vector<16xf32>
        %swap3A_347 = arith.index_cast %add3A_328 : i32 to index
        %swap3A_348 = tpu.vector_load %arg13[%swap3A_347] {strides = array<i32>} : memref<4096xf32, #tpu.memory_space<vmem>>, vector<16xf32>,
        tpu.vector_store %arg13[%swap3A_347], %add3A_346 {strides = array<i32>} : memref<4096xf32, #tpu.memory_space<vmem>>, vector<16xf32>,
        %swap3A_349 = arith.index_cast %add3A_328 : i32 to index
        %swap3A_350 = tpu.vector_load %arg11[%swap3A_349] {strides = array<i32>} : memref<4096xf32, #tpu.memory_space<vmem>>, vector<16xf32>,
        tpu.vector_store %arg11[%swap3A_349], %select_n3A_337 {strides = array<i32>} : memref<4096xf32, #tpu.memory_space<vmem>>, vector<16xf32>,
        %mul3A_351 = arith.constant 64 : i32
        %mul3A_352 = arith.muli %scan3A_301, %mul3A_351 : i32
        %add3A_353 = arith.constant 32 : i32
        %add3A_354 = arith.addi %mul3A_352, %add3A_353 : i32
        %get3A_355 = arith.index_cast %add3A_354 : i32 to index
        %get3A_356 = tpu.vector_load %arg10[%get3A_355] {strides = array<i32>} : memref<4096xi32, #tpu.memory_space<vmem>>, vector<16xi32>,
        %lt3A_357 = arith.constant 50048 : i32
        %lt3A_358 = vector.broadcast %lt3A_357 : i32 to vector<16xi32>
        %lt3A_359 = arith.cmpi slt, %get3A_356, %lt3A_358 : vector<16xi32>
        %gather3A_360 = tpu.vector_load_idx %arg8[%get3A_356] masked %lt3A_359 : memref<50048xf32, #tpu.memory_space<vmem>>[vector<16xi32>], vector<16xf32>, vector<16xi1>
        %jit3A_361 = arith.constant 0.000000e+00 : f32
        %broadcast_in_dim3A_362 = vector.broadcast %jit3A_361 : f32 to vector<16xf32>
        %select_n3A_363 = arith.select %lt3A_359, %gather3A_360, %broadcast_in_dim3A_362 : vector<16xi1>, vector<16xf32>
        %get3A_364 = arith.index_cast %add3A_354 : i32 to index
        %get3A_365 = tpu.vector_load %arg12[%get3A_364] {strides = array<i32>} : memref<4096xf32, #tpu.memory_space<vmem>>, vector<16xf32>,
        %add3A_366 = arith.addf %get3A_365, %select_n3A_363 : vector<16xf32>
        %swap3A_367 = arith.index_cast %add3A_354 : i32 to index
        %swap3A_368 = tpu.vector_load %arg12[%swap3A_367] {strides = array<i32>} : memref<4096xf32, #tpu.memory_space<vmem>>, vector<16xf32>,
        tpu.vector_store %arg12[%swap3A_367], %add3A_366 {strides = array<i32>} : memref<4096xf32, #tpu.memory_space<vmem>>, vector<16xf32>,
        %get3A_369 = arith.index_cast %add3A_354 : i32 to index
        %get3A_370 = tpu.vector_load %arg13[%get3A_369] {strides = array<i32>} : memref<4096xf32, #tpu.memory_space<vmem>>, vector<16xf32>,
        %mul3A_371 = arith.mulf %select_n3A_363, %select_n3A_363 : vector<16xf32>
        %add3A_372 = arith.addf %get3A_370, %mul3A_371 : vector<16xf32>
        %swap3A_373 = arith.index_cast %add3A_354 : i32 to index
        %swap3A_374 = tpu.vector_load %arg13[%swap3A_373] {strides = array<i32>} : memref<4096xf32, #tpu.memory_space<vmem>>, vector<16xf32>,
        tpu.vector_store %arg13[%swap3A_373], %add3A_372 {strides = array<i32>} : memref<4096xf32, #tpu.memory_space<vmem>>, vector<16xf32>,
        %swap3A_375 = arith.index_cast %add3A_354 : i32 to index
        %swap3A_376 = tpu.vector_load %arg11[%swap3A_375] {strides = array<i32>} : memref<4096xf32, #tpu.memory_space<vmem>>, vector<16xf32>,
        tpu.vector_store %arg11[%swap3A_375], %select_n3A_363 {strides = array<i32>} : memref<4096xf32, #tpu.memory_space<vmem>>, vector<16xf32>,
        %mul3A_377 = arith.constant 64 : i32
        %mul3A_378 = arith.muli %scan3A_301, %mul3A_377 : i32
        %add3A_379 = arith.constant 48 : i32
        %add3A_380 = arith.addi %mul3A_378, %add3A_379 : i32
        %get3A_381 = arith.index_cast %add3A_380 : i32 to index
        %get3A_382 = tpu.vector_load %arg10[%get3A_381] {strides = array<i32>} : memref<4096xi32, #tpu.memory_space<vmem>>, vector<16xi32>,
        %lt3A_383 = arith.constant 50048 : i32
        %lt3A_384 = vector.broadcast %lt3A_383 : i32 to vector<16xi32>
        %lt3A_385 = arith.cmpi slt, %get3A_382, %lt3A_384 : vector<16xi32>
        %gather3A_386 = tpu.vector_load_idx %arg8[%get3A_382] masked %lt3A_385 : memref<50048xf32, #tpu.memory_space<vmem>>[vector<16xi32>], vector<16xf32>, vector<16xi1>
        %jit3A_387 = arith.constant 0.000000e+00 : f32
        %broadcast_in_dim3A_388 = vector.broadcast %jit3A_387 : f32 to vector<16xf32>
        %select_n3A_389 = arith.select %lt3A_385, %gather3A_386, %broadcast_in_dim3A_388 : vector<16xi1>, vector<16xf32>
        %get3A_390 = arith.index_cast %add3A_380 : i32 to index
        %get3A_391 = tpu.vector_load %arg12[%get3A_390] {strides = array<i32>} : memref<4096xf32, #tpu.memory_space<vmem>>, vector<16xf32>,
        %add3A_392 = arith.addf %get3A_391, %select_n3A_389 : vector<16xf32>
        %swap3A_393 = arith.index_cast %add3A_380 : i32 to index
        %swap3A_394 = tpu.vector_load %arg12[%swap3A_393] {strides = array<i32>} : memref<4096xf32, #tpu.memory_space<vmem>>, vector<16xf32>,
        tpu.vector_store %arg12[%swap3A_393], %add3A_392 {strides = array<i32>} : memref<4096xf32, #tpu.memory_space<vmem>>, vector<16xf32>,
        %get3A_395 = arith.index_cast %add3A_380 : i32 to index
        %get3A_396 = tpu.vector_load %arg13[%get3A_395] {strides = array<i32>} : memref<4096xf32, #tpu.memory_space<vmem>>, vector<16xf32>,
        %mul3A_397 = arith.mulf %select_n3A_389, %select_n3A_389 : vector<16xf32>
        %add3A_398 = arith.addf %get3A_396, %mul3A_397 : vector<16xf32>
        %swap3A_399 = arith.index_cast %add3A_380 : i32 to index
        %swap3A_400 = tpu.vector_load %arg13[%swap3A_399] {strides = array<i32>} : memref<4096xf32, #tpu.memory_space<vmem>>, vector<16xf32>,
        tpu.vector_store %arg13[%swap3A_399], %add3A_398 {strides = array<i32>} : memref<4096xf32, #tpu.memory_space<vmem>>, vector<16xf32>,
        %swap3A_401 = arith.index_cast %add3A_380 : i32 to index
        %swap3A_402 = tpu.vector_load %arg11[%swap3A_401] {strides = array<i32>} : memref<4096xf32, #tpu.memory_space<vmem>>, vector<16xf32>,
        tpu.vector_store %arg11[%swap3A_401], %select_n3A_389 {strides = array<i32>} : memref<4096xf32, #tpu.memory_space<vmem>>, vector<16xf32>,
      }
      %scan3A_235 = arith.constant 64 : i32
      %lt3A_236 = arith.constant 25 : i32
      %lt3A_237 = arith.cmpi slt, %scan3A_133, %lt3A_236 : i32
      %convert_element_type3A_238 = arith.extui %lt3A_237 : i1 to i32
      %cond3A_239 = arith.constant 0 : i32
      %cond3A_240 = arith.cmpi ne, %convert_element_type3A_238, %cond3A_239 : i32
      scf.if %cond3A_240 {
        %add3A_301 = arith.constant 1 : i32
        %add3A_302 = arith.addi %scan3A_133, %add3A_301 : i32
        %mul3A_303 = arith.constant 26 : i32
        %mul3A_304 = arith.muli %add3A, %mul3A_303 : i32
        %add3A_305 = arith.addi %mul3A_304, %add3A_302 : i32
        %jit3A_306 = arith.constant 32 : i32
        %div3A_307 = arith.divsi %add3A_305, %jit3A_306 : i32
        %sign3A_308 = arith.constant 0 : i32
        %sign3A_309 = arith.cmpi sgt, %add3A_305, %sign3A_308 : i32
        %sign3A_310 = arith.extui %sign3A_309 : i1 to i32
        %sign3A_311 = arith.constant 0 : i32
        %sign3A_312 = arith.cmpi slt, %add3A_305, %sign3A_311 : i32
        %sign3A_313 = arith.extui %sign3A_312 : i1 to i32
        %sign3A_314 = arith.subi %sign3A_310, %sign3A_313 : i32
        %sign3A_315 = arith.constant 0 : i32
        %sign3A_316 = arith.cmpi sgt, %jit3A_306, %sign3A_315 : i32
        %sign3A_317 = arith.extui %sign3A_316 : i1 to i32
        %sign3A_318 = arith.constant 0 : i32
        %sign3A_319 = arith.cmpi slt, %jit3A_306, %sign3A_318 : i32
        %sign3A_320 = arith.extui %sign3A_319 : i1 to i32
        %sign3A_321 = arith.subi %sign3A_317, %sign3A_320 : i32
        %ne3A_322 = arith.cmpi ne, %sign3A_314, %sign3A_321 : i32
        %rem3A_323 = arith.remsi %add3A_305, %jit3A_306 : i32
        %ne3A_324 = arith.constant 0 : i32
        %ne3A_325 = arith.cmpi ne, %rem3A_323, %ne3A_324 : i32
        %and3A_326 = arith.andi %ne3A_322, %ne3A_325 : i1
        %sub3A_327 = arith.constant 1 : i32
        %sub3A_328 = arith.subi %div3A_307, %sub3A_327 : i32
        %select_n3A_329 = arith.select %and3A_326, %sub3A_328, %div3A_307 : i32
        %jit3A_330 = arith.constant 32 : i32
        %eq3A_331 = arith.constant 0 : i32
        %eq3A_332 = arith.cmpi eq, %jit3A_330, %eq3A_331 : i32
        %jit3A_333 = arith.constant 1 : i32
        %select_n3A_334 = arith.select %eq3A_332, %jit3A_333, %jit3A_330 : i32
        %rem3A_335 = arith.remsi %add3A_305, %select_n3A_334 : i32
        %ne3A_336 = arith.constant 0 : i32
        %ne3A_337 = arith.cmpi ne, %rem3A_335, %ne3A_336 : i32
        %lt3A_338 = arith.constant 0 : i32
        %lt3A_339 = arith.cmpi slt, %rem3A_335, %lt3A_338 : i32
        %lt3A_340 = arith.constant 0 : i32
        %lt3A_341 = arith.cmpi slt, %select_n3A_334, %lt3A_340 : i32
        %ne3A_342 = arith.xori %lt3A_339, %lt3A_341 : i1
        %and3A_343 = arith.andi %ne3A_342, %ne3A_337 : i1
        %add3A_344 = arith.addi %rem3A_335, %select_n3A_334 : i32
        %select_n3A_345 = arith.select %and3A_343, %add3A_344, %rem3A_335 : i32
        %dma_start3A_346 = arith.constant 0 : i32
        %dma_start3A_347 = tpu.memref_slice %arg3[%select_n3A_329, %select_n3A_345, %dma_start3A_346] : memref<26x32x100000xf32, #tpu.memory_space<hbm>> -> memref<1x1x50048xf32, #tpu.memory_space<hbm>>
        %dma_start3A_348 = tpu.memref_squeeze %dma_start3A_347 : memref<1x1x50048xf32, #tpu.memory_space<hbm>> -> memref<50048xf32, #tpu.memory_space<hbm>>
        %dma_start3A_349 = arith.constant 0 : i32
        %dma_start3A_350 = tpu.memref_slice %arg3[%select_n3A_329, %select_n3A_345, %dma_start3A_349] : memref<26x32x100000xf32, #tpu.memory_space<hbm>> -> memref<1x1x50048xf32, #tpu.memory_space<hbm>>
        %dma_start3A_351 = tpu.memref_squeeze %dma_start3A_350 : memref<1x1x50048xf32, #tpu.memory_space<hbm>> -> memref<50048xf32, #tpu.memory_space<hbm>>
        tpu.enqueue_dma source(%dma_start3A_351 : memref<50048xf32, #tpu.memory_space<hbm>>) target(%arg8 : memref<50048xf32, #tpu.memory_space<vmem>>) target_semaphore(%arg16 : memref<!tpu.dma_semaphore, #tpu.memory_space<semaphore_mem>>)
      } else {
      }
      %mul3A_241 = arith.constant 26 : i32
      %mul3A_242 = arith.muli %add3A, %mul3A_241 : i32
      %add3A_243 = arith.addi %mul3A_242, %scan3A_133 : i32
      %jit3A_244 = arith.constant 32 : i32
      %div3A_245 = arith.divsi %add3A_243, %jit3A_244 : i32
      %sign3A_246 = arith.constant 0 : i32
      %sign3A_247 = arith.cmpi sgt, %add3A_243, %sign3A_246 : i32
      %sign3A_248 = arith.extui %sign3A_247 : i1 to i32
      %sign3A_249 = arith.constant 0 : i32
      %sign3A_250 = arith.cmpi slt, %add3A_243, %sign3A_249 : i32
      %sign3A_251 = arith.extui %sign3A_250 : i1 to i32
      %sign3A_252 = arith.subi %sign3A_248, %sign3A_251 : i32
      %sign3A_253 = arith.constant 0 : i32
      %sign3A_254 = arith.cmpi sgt, %jit3A_244, %sign3A_253 : i32
      %sign3A_255 = arith.extui %sign3A_254 : i1 to i32
      %sign3A_256 = arith.constant 0 : i32
      %sign3A_257 = arith.cmpi slt, %jit3A_244, %sign3A_256 : i32
      %sign3A_258 = arith.extui %sign3A_257 : i1 to i32
      %sign3A_259 = arith.subi %sign3A_255, %sign3A_258 : i32
      %ne3A_260 = arith.cmpi ne, %sign3A_252, %sign3A_259 : i32
      %rem3A_261 = arith.remsi %add3A_243, %jit3A_244 : i32
      %ne3A_262 = arith.constant 0 : i32
      %ne3A_263 = arith.cmpi ne, %rem3A_261, %ne3A_262 : i32
      %and3A_264 = arith.andi %ne3A_260, %ne3A_263 : i1
      %sub3A_265 = arith.constant 1 : i32
      %sub3A_266 = arith.subi %div3A_245, %sub3A_265 : i32
      %select_n3A_267 = arith.select %and3A_264, %sub3A_266, %div3A_245 : i32
      %jit3A_268 = arith.constant 32 : i32
      %eq3A_269 = arith.constant 0 : i32
      %eq3A_270 = arith.cmpi eq, %jit3A_268, %eq3A_269 : i32
      %jit3A_271 = arith.constant 1 : i32
      %select_n3A_272 = arith.select %eq3A_270, %jit3A_271, %jit3A_268 : i32
      %rem3A_273 = arith.remsi %add3A_243, %select_n3A_272 : i32
      %ne3A_274 = arith.constant 0 : i32
      %ne3A_275 = arith.cmpi ne, %rem3A_273, %ne3A_274 : i32
      %lt3A_276 = arith.constant 0 : i32
      %lt3A_277 = arith.cmpi slt, %rem3A_273, %lt3A_276 : i32
      %lt3A_278 = arith.constant 0 : i32
      %lt3A_279 = arith.cmpi slt, %select_n3A_272, %lt3A_278 : i32
      %ne3A_280 = arith.xori %lt3A_277, %lt3A_279 : i1
      %and3A_281 = arith.andi %ne3A_280, %ne3A_275 : i1
      %add3A_282 = arith.addi %rem3A_273, %select_n3A_272 : i32
      %select_n3A_283 = arith.select %and3A_281, %add3A_282, %rem3A_273 : i32
      %dma_wait3A_284 = arith.constant 50048 : i32
      %dma_wait3A_285 = tpu.memref_slice %arg3[%select_n3A_267, %select_n3A_283, %dma_wait3A_284] : memref<26x32x100000xf32, #tpu.memory_space<hbm>> -> memref<1x1x49952xf32, #tpu.memory_space<hbm>>
      %dma_wait3A_286 = tpu.memref_squeeze %dma_wait3A_285 : memref<1x1x49952xf32, #tpu.memory_space<hbm>> -> memref<49952xf32, #tpu.memory_space<hbm>>
      %dma_wait3A_287 = arith.constant 50048 : i32
      %dma_wait3A_288 = tpu.memref_slice %arg3[%select_n3A_267, %select_n3A_283, %dma_wait3A_287] : memref<26x32x100000xf32, #tpu.memory_space<hbm>> -> memref<1x1x49952xf32, #tpu.memory_space<hbm>>
      %dma_wait3A_289 = tpu.memref_squeeze %dma_wait3A_288 : memref<1x1x49952xf32, #tpu.memory_space<hbm>> -> memref<49952xf32, #tpu.memory_space<hbm>>
      tpu.wait_dma2 semaphore(%arg17 : memref<!tpu.dma_semaphore, #tpu.memory_space<semaphore_mem>>) src(%dma_wait3A_289 : memref<49952xf32, #tpu.memory_space<hbm>>) dst(%arg9 : memref<49952xf32, #tpu.memory_space<vmem>>)
      %scan3A_290 = arith.constant 0 : i32
      %scan3A_291 = arith.constant 0 : i32
      %scan3A_292 = arith.constant 64 : i32
      %scan3A_293 = arith.addi %scan3A_291, %scan3A_292 : i32
      %scan3A_294 = arith.constant 1 : i32
      scf.for %scan3A_301 = %scan3A_291 to %scan3A_293 step %scan3A_294  : i32 {
        %mul3A_302 = arith.constant 64 : i32
        %mul3A_303 = arith.muli %scan3A_301, %mul3A_302 : i32
        %add3A_304 = arith.constant 0 : i32
        %add3A_305 = arith.addi %mul3A_303, %add3A_304 : i32
        %get3A = arith.index_cast %add3A_305 : i32 to index
        %get3A_306 = tpu.vector_load %arg10[%get3A] {strides = array<i32>} : memref<4096xi32, #tpu.memory_space<vmem>>, vector<16xi32>,
        %ge3A = arith.constant 50048 : i32
        %ge3A_307 = vector.broadcast %ge3A : i32 to vector<16xi32>
        %ge3A_308 = arith.cmpi sge, %get3A_306, %ge3A_307 : vector<16xi32>
        %sub3A_309 = arith.constant 50048 : i32
        %sub3A_310 = vector.broadcast %sub3A_309 : i32 to vector<16xi32>
        %sub3A_311 = arith.subi %get3A_306, %sub3A_310 : vector<16xi32>
        %gather3A = tpu.vector_load_idx %arg9[%sub3A_311] masked %ge3A_308 : memref<49952xf32, #tpu.memory_space<vmem>>[vector<16xi32>], vector<16xf32>, vector<16xi1>
        %jit3A_312 = arith.constant 0.000000e+00 : f32
        %broadcast_in_dim3A_313 = vector.broadcast %jit3A_312 : f32 to vector<16xf32>
        %select_n3A_314 = arith.select %ge3A_308, %gather3A, %broadcast_in_dim3A_313 : vector<16xi1>, vector<16xf32>
        %get3A_315 = arith.index_cast %add3A_305 : i32 to index
        %get3A_316 = tpu.vector_load %arg12[%get3A_315] {strides = array<i32>} : memref<4096xf32, #tpu.memory_space<vmem>>, vector<16xf32>,
        %add3A_317 = arith.addf %get3A_316, %select_n3A_314 : vector<16xf32>
        %swap3A = arith.index_cast %add3A_305 : i32 to index
        %swap3A_318 = tpu.vector_load %arg12[%swap3A] {strides = array<i32>} : memref<4096xf32, #tpu.memory_space<vmem>>, vector<16xf32>,
        tpu.vector_store %arg12[%swap3A], %add3A_317 {strides = array<i32>} : memref<4096xf32, #tpu.memory_space<vmem>>, vector<16xf32>,
        %get3A_319 = arith.index_cast %add3A_305 : i32 to index
        %get3A_320 = tpu.vector_load %arg13[%get3A_319] {strides = array<i32>} : memref<4096xf32, #tpu.memory_space<vmem>>, vector<16xf32>,
        %mul3A_321 = arith.mulf %select_n3A_314, %select_n3A_314 : vector<16xf32>
        %add3A_322 = arith.addf %get3A_320, %mul3A_321 : vector<16xf32>
        %swap3A_323 = arith.index_cast %add3A_305 : i32 to index
        %swap3A_324 = tpu.vector_load %arg13[%swap3A_323] {strides = array<i32>} : memref<4096xf32, #tpu.memory_space<vmem>>, vector<16xf32>,
        tpu.vector_store %arg13[%swap3A_323], %add3A_322 {strides = array<i32>} : memref<4096xf32, #tpu.memory_space<vmem>>, vector<16xf32>,
        %get3A_325 = arith.index_cast %add3A_305 : i32 to index
        %get3A_326 = tpu.vector_load %arg11[%get3A_325] {strides = array<i32>} : memref<4096xf32, #tpu.memory_space<vmem>>, vector<16xf32>,
        %add3A_327 = arith.addf %get3A_326, %select_n3A_314 : vector<16xf32>
        %swap3A_328 = arith.index_cast %add3A_305 : i32 to index
        %swap3A_329 = tpu.vector_load %arg11[%swap3A_328] {strides = array<i32>} : memref<4096xf32, #tpu.memory_space<vmem>>, vector<16xf32>,
        tpu.vector_store %arg11[%swap3A_328], %add3A_327 {strides = array<i32>} : memref<4096xf32, #tpu.memory_space<vmem>>, vector<16xf32>,
        %mul3A_330 = arith.constant 64 : i32
        %mul3A_331 = arith.muli %scan3A_301, %mul3A_330 : i32
        %add3A_332 = arith.constant 16 : i32
        %add3A_333 = arith.addi %mul3A_331, %add3A_332 : i32
        %get3A_334 = arith.index_cast %add3A_333 : i32 to index
        %get3A_335 = tpu.vector_load %arg10[%get3A_334] {strides = array<i32>} : memref<4096xi32, #tpu.memory_space<vmem>>, vector<16xi32>,
        %ge3A_336 = arith.constant 50048 : i32
        %ge3A_337 = vector.broadcast %ge3A_336 : i32 to vector<16xi32>
        %ge3A_338 = arith.cmpi sge, %get3A_335, %ge3A_337 : vector<16xi32>
        %sub3A_339 = arith.constant 50048 : i32
        %sub3A_340 = vector.broadcast %sub3A_339 : i32 to vector<16xi32>
        %sub3A_341 = arith.subi %get3A_335, %sub3A_340 : vector<16xi32>
        %gather3A_342 = tpu.vector_load_idx %arg9[%sub3A_341] masked %ge3A_338 : memref<49952xf32, #tpu.memory_space<vmem>>[vector<16xi32>], vector<16xf32>, vector<16xi1>
        %jit3A_343 = arith.constant 0.000000e+00 : f32
        %broadcast_in_dim3A_344 = vector.broadcast %jit3A_343 : f32 to vector<16xf32>
        %select_n3A_345 = arith.select %ge3A_338, %gather3A_342, %broadcast_in_dim3A_344 : vector<16xi1>, vector<16xf32>
        %get3A_346 = arith.index_cast %add3A_333 : i32 to index
        %get3A_347 = tpu.vector_load %arg12[%get3A_346] {strides = array<i32>} : memref<4096xf32, #tpu.memory_space<vmem>>, vector<16xf32>,
        %add3A_348 = arith.addf %get3A_347, %select_n3A_345 : vector<16xf32>
        %swap3A_349 = arith.index_cast %add3A_333 : i32 to index
        %swap3A_350 = tpu.vector_load %arg12[%swap3A_349] {strides = array<i32>} : memref<4096xf32, #tpu.memory_space<vmem>>, vector<16xf32>,
        tpu.vector_store %arg12[%swap3A_349], %add3A_348 {strides = array<i32>} : memref<4096xf32, #tpu.memory_space<vmem>>, vector<16xf32>,
        %get3A_351 = arith.index_cast %add3A_333 : i32 to index
        %get3A_352 = tpu.vector_load %arg13[%get3A_351] {strides = array<i32>} : memref<4096xf32, #tpu.memory_space<vmem>>, vector<16xf32>,
        %mul3A_353 = arith.mulf %select_n3A_345, %select_n3A_345 : vector<16xf32>
        %add3A_354 = arith.addf %get3A_352, %mul3A_353 : vector<16xf32>
        %swap3A_355 = arith.index_cast %add3A_333 : i32 to index
        %swap3A_356 = tpu.vector_load %arg13[%swap3A_355] {strides = array<i32>} : memref<4096xf32, #tpu.memory_space<vmem>>, vector<16xf32>,
        tpu.vector_store %arg13[%swap3A_355], %add3A_354 {strides = array<i32>} : memref<4096xf32, #tpu.memory_space<vmem>>, vector<16xf32>,
        %get3A_357 = arith.index_cast %add3A_333 : i32 to index
        %get3A_358 = tpu.vector_load %arg11[%get3A_357] {strides = array<i32>} : memref<4096xf32, #tpu.memory_space<vmem>>, vector<16xf32>,
        %add3A_359 = arith.addf %get3A_358, %select_n3A_345 : vector<16xf32>
        %swap3A_360 = arith.index_cast %add3A_333 : i32 to index
        %swap3A_361 = tpu.vector_load %arg11[%swap3A_360] {strides = array<i32>} : memref<4096xf32, #tpu.memory_space<vmem>>, vector<16xf32>,
        tpu.vector_store %arg11[%swap3A_360], %add3A_359 {strides = array<i32>} : memref<4096xf32, #tpu.memory_space<vmem>>, vector<16xf32>,
        %mul3A_362 = arith.constant 64 : i32
        %mul3A_363 = arith.muli %scan3A_301, %mul3A_362 : i32
        %add3A_364 = arith.constant 32 : i32
        %add3A_365 = arith.addi %mul3A_363, %add3A_364 : i32
        %get3A_366 = arith.index_cast %add3A_365 : i32 to index
        %get3A_367 = tpu.vector_load %arg10[%get3A_366] {strides = array<i32>} : memref<4096xi32, #tpu.memory_space<vmem>>, vector<16xi32>,
        %ge3A_368 = arith.constant 50048 : i32
        %ge3A_369 = vector.broadcast %ge3A_368 : i32 to vector<16xi32>
        %ge3A_370 = arith.cmpi sge, %get3A_367, %ge3A_369 : vector<16xi32>
        %sub3A_371 = arith.constant 50048 : i32
        %sub3A_372 = vector.broadcast %sub3A_371 : i32 to vector<16xi32>
        %sub3A_373 = arith.subi %get3A_367, %sub3A_372 : vector<16xi32>
        %gather3A_374 = tpu.vector_load_idx %arg9[%sub3A_373] masked %ge3A_370 : memref<49952xf32, #tpu.memory_space<vmem>>[vector<16xi32>], vector<16xf32>, vector<16xi1>
        %jit3A_375 = arith.constant 0.000000e+00 : f32
        %broadcast_in_dim3A_376 = vector.broadcast %jit3A_375 : f32 to vector<16xf32>
        %select_n3A_377 = arith.select %ge3A_370, %gather3A_374, %broadcast_in_dim3A_376 : vector<16xi1>, vector<16xf32>
        %get3A_378 = arith.index_cast %add3A_365 : i32 to index
        %get3A_379 = tpu.vector_load %arg12[%get3A_378] {strides = array<i32>} : memref<4096xf32, #tpu.memory_space<vmem>>, vector<16xf32>,
        %add3A_380 = arith.addf %get3A_379, %select_n3A_377 : vector<16xf32>
        %swap3A_381 = arith.index_cast %add3A_365 : i32 to index
        %swap3A_382 = tpu.vector_load %arg12[%swap3A_381] {strides = array<i32>} : memref<4096xf32, #tpu.memory_space<vmem>>, vector<16xf32>,
        tpu.vector_store %arg12[%swap3A_381], %add3A_380 {strides = array<i32>} : memref<4096xf32, #tpu.memory_space<vmem>>, vector<16xf32>,
        %get3A_383 = arith.index_cast %add3A_365 : i32 to index
        %get3A_384 = tpu.vector_load %arg13[%get3A_383] {strides = array<i32>} : memref<4096xf32, #tpu.memory_space<vmem>>, vector<16xf32>,
        %mul3A_385 = arith.mulf %select_n3A_377, %select_n3A_377 : vector<16xf32>
        %add3A_386 = arith.addf %get3A_384, %mul3A_385 : vector<16xf32>
        %swap3A_387 = arith.index_cast %add3A_365 : i32 to index
        %swap3A_388 = tpu.vector_load %arg13[%swap3A_387] {strides = array<i32>} : memref<4096xf32, #tpu.memory_space<vmem>>, vector<16xf32>,
        tpu.vector_store %arg13[%swap3A_387], %add3A_386 {strides = array<i32>} : memref<4096xf32, #tpu.memory_space<vmem>>, vector<16xf32>,
        %get3A_389 = arith.index_cast %add3A_365 : i32 to index
        %get3A_390 = tpu.vector_load %arg11[%get3A_389] {strides = array<i32>} : memref<4096xf32, #tpu.memory_space<vmem>>, vector<16xf32>,
        %add3A_391 = arith.addf %get3A_390, %select_n3A_377 : vector<16xf32>
        %swap3A_392 = arith.index_cast %add3A_365 : i32 to index
        %swap3A_393 = tpu.vector_load %arg11[%swap3A_392] {strides = array<i32>} : memref<4096xf32, #tpu.memory_space<vmem>>, vector<16xf32>,
        tpu.vector_store %arg11[%swap3A_392], %add3A_391 {strides = array<i32>} : memref<4096xf32, #tpu.memory_space<vmem>>, vector<16xf32>,
        %mul3A_394 = arith.constant 64 : i32
        %mul3A_395 = arith.muli %scan3A_301, %mul3A_394 : i32
        %add3A_396 = arith.constant 48 : i32
        %add3A_397 = arith.addi %mul3A_395, %add3A_396 : i32
        %get3A_398 = arith.index_cast %add3A_397 : i32 to index
        %get3A_399 = tpu.vector_load %arg10[%get3A_398] {strides = array<i32>} : memref<4096xi32, #tpu.memory_space<vmem>>, vector<16xi32>,
        %ge3A_400 = arith.constant 50048 : i32
        %ge3A_401 = vector.broadcast %ge3A_400 : i32 to vector<16xi32>
        %ge3A_402 = arith.cmpi sge, %get3A_399, %ge3A_401 : vector<16xi32>
        %sub3A_403 = arith.constant 50048 : i32
        %sub3A_404 = vector.broadcast %sub3A_403 : i32 to vector<16xi32>
        %sub3A_405 = arith.subi %get3A_399, %sub3A_404 : vector<16xi32>
        %gather3A_406 = tpu.vector_load_idx %arg9[%sub3A_405] masked %ge3A_402 : memref<49952xf32, #tpu.memory_space<vmem>>[vector<16xi32>], vector<16xf32>, vector<16xi1>
        %jit3A_407 = arith.constant 0.000000e+00 : f32
        %broadcast_in_dim3A_408 = vector.broadcast %jit3A_407 : f32 to vector<16xf32>
        %select_n3A_409 = arith.select %ge3A_402, %gather3A_406, %broadcast_in_dim3A_408 : vector<16xi1>, vector<16xf32>
        %get3A_410 = arith.index_cast %add3A_397 : i32 to index
        %get3A_411 = tpu.vector_load %arg12[%get3A_410] {strides = array<i32>} : memref<4096xf32, #tpu.memory_space<vmem>>, vector<16xf32>,
        %add3A_412 = arith.addf %get3A_411, %select_n3A_409 : vector<16xf32>
        %swap3A_413 = arith.index_cast %add3A_397 : i32 to index
        %swap3A_414 = tpu.vector_load %arg12[%swap3A_413] {strides = array<i32>} : memref<4096xf32, #tpu.memory_space<vmem>>, vector<16xf32>,
        tpu.vector_store %arg12[%swap3A_413], %add3A_412 {strides = array<i32>} : memref<4096xf32, #tpu.memory_space<vmem>>, vector<16xf32>,
        %get3A_415 = arith.index_cast %add3A_397 : i32 to index
        %get3A_416 = tpu.vector_load %arg13[%get3A_415] {strides = array<i32>} : memref<4096xf32, #tpu.memory_space<vmem>>, vector<16xf32>,
        %mul3A_417 = arith.mulf %select_n3A_409, %select_n3A_409 : vector<16xf32>
        %add3A_418 = arith.addf %get3A_416, %mul3A_417 : vector<16xf32>
        %swap3A_419 = arith.index_cast %add3A_397 : i32 to index
        %swap3A_420 = tpu.vector_load %arg13[%swap3A_419] {strides = array<i32>} : memref<4096xf32, #tpu.memory_space<vmem>>, vector<16xf32>,
        tpu.vector_store %arg13[%swap3A_419], %add3A_418 {strides = array<i32>} : memref<4096xf32, #tpu.memory_space<vmem>>, vector<16xf32>,
        %get3A_421 = arith.index_cast %add3A_397 : i32 to index
        %get3A_422 = tpu.vector_load %arg11[%get3A_421] {strides = array<i32>} : memref<4096xf32, #tpu.memory_space<vmem>>, vector<16xf32>,
        %add3A_423 = arith.addf %get3A_422, %select_n3A_409 : vector<16xf32>
        %swap3A_424 = arith.index_cast %add3A_397 : i32 to index
        %swap3A_425 = tpu.vector_load %arg11[%swap3A_424] {strides = array<i32>} : memref<4096xf32, #tpu.memory_space<vmem>>, vector<16xf32>,
        tpu.vector_store %arg11[%swap3A_424], %add3A_423 {strides = array<i32>} : memref<4096xf32, #tpu.memory_space<vmem>>, vector<16xf32>,
      }
      %scan3A_295 = arith.constant 64 : i32
      %lt3A_296 = arith.constant 25 : i32
      %lt3A_297 = arith.cmpi slt, %scan3A_133, %lt3A_296 : i32
      %convert_element_type3A_298 = arith.extui %lt3A_297 : i1 to i32
      %cond3A_299 = arith.constant 0 : i32
      %cond3A_300 = arith.cmpi ne, %convert_element_type3A_298, %cond3A_299 : i32
      scf.if %cond3A_300 {
        %add3A_301 = arith.constant 1 : i32
        %add3A_302 = arith.addi %scan3A_133, %add3A_301 : i32
        %mul3A_303 = arith.constant 26 : i32
        %mul3A_304 = arith.muli %add3A, %mul3A_303 : i32
        %add3A_305 = arith.addi %mul3A_304, %add3A_302 : i32
        %jit3A_306 = arith.constant 32 : i32
        %div3A_307 = arith.divsi %add3A_305, %jit3A_306 : i32
        %sign3A_308 = arith.constant 0 : i32
        %sign3A_309 = arith.cmpi sgt, %add3A_305, %sign3A_308 : i32
        %sign3A_310 = arith.extui %sign3A_309 : i1 to i32
        %sign3A_311 = arith.constant 0 : i32
        %sign3A_312 = arith.cmpi slt, %add3A_305, %sign3A_311 : i32
        %sign3A_313 = arith.extui %sign3A_312 : i1 to i32
        %sign3A_314 = arith.subi %sign3A_310, %sign3A_313 : i32
        %sign3A_315 = arith.constant 0 : i32
        %sign3A_316 = arith.cmpi sgt, %jit3A_306, %sign3A_315 : i32
        %sign3A_317 = arith.extui %sign3A_316 : i1 to i32
        %sign3A_318 = arith.constant 0 : i32
        %sign3A_319 = arith.cmpi slt, %jit3A_306, %sign3A_318 : i32
        %sign3A_320 = arith.extui %sign3A_319 : i1 to i32
        %sign3A_321 = arith.subi %sign3A_317, %sign3A_320 : i32
        %ne3A_322 = arith.cmpi ne, %sign3A_314, %sign3A_321 : i32
        %rem3A_323 = arith.remsi %add3A_305, %jit3A_306 : i32
        %ne3A_324 = arith.constant 0 : i32
        %ne3A_325 = arith.cmpi ne, %rem3A_323, %ne3A_324 : i32
        %and3A_326 = arith.andi %ne3A_322, %ne3A_325 : i1
        %sub3A_327 = arith.constant 1 : i32
        %sub3A_328 = arith.subi %div3A_307, %sub3A_327 : i32
        %select_n3A_329 = arith.select %and3A_326, %sub3A_328, %div3A_307 : i32
        %jit3A_330 = arith.constant 32 : i32
        %eq3A_331 = arith.constant 0 : i32
        %eq3A_332 = arith.cmpi eq, %jit3A_330, %eq3A_331 : i32
        %jit3A_333 = arith.constant 1 : i32
        %select_n3A_334 = arith.select %eq3A_332, %jit3A_333, %jit3A_330 : i32
        %rem3A_335 = arith.remsi %add3A_305, %select_n3A_334 : i32
        %ne3A_336 = arith.constant 0 : i32
        %ne3A_337 = arith.cmpi ne, %rem3A_335, %ne3A_336 : i32
        %lt3A_338 = arith.constant 0 : i32
        %lt3A_339 = arith.cmpi slt, %rem3A_335, %lt3A_338 : i32
        %lt3A_340 = arith.constant 0 : i32
        %lt3A_341 = arith.cmpi slt, %select_n3A_334, %lt3A_340 : i32
        %ne3A_342 = arith.xori %lt3A_339, %lt3A_341 : i1
        %and3A_343 = arith.andi %ne3A_342, %ne3A_337 : i1
        %add3A_344 = arith.addi %rem3A_335, %select_n3A_334 : i32
        %select_n3A_345 = arith.select %and3A_343, %add3A_344, %rem3A_335 : i32
        %dma_start3A_346 = arith.constant 50048 : i32
        %dma_start3A_347 = tpu.memref_slice %arg3[%select_n3A_329, %select_n3A_345, %dma_start3A_346] : memref<26x32x100000xf32, #tpu.memory_space<hbm>> -> memref<1x1x49952xf32, #tpu.memory_space<hbm>>
        %dma_start3A_348 = tpu.memref_squeeze %dma_start3A_347 : memref<1x1x49952xf32, #tpu.memory_space<hbm>> -> memref<49952xf32, #tpu.memory_space<hbm>>
        %dma_start3A_349 = arith.constant 50048 : i32
        %dma_start3A_350 = tpu.memref_slice %arg3[%select_n3A_329, %select_n3A_345, %dma_start3A_349] : memref<26x32x100000xf32, #tpu.memory_space<hbm>> -> memref<1x1x49952xf32, #tpu.memory_space<hbm>>
        %dma_start3A_351 = tpu.memref_squeeze %dma_start3A_350 : memref<1x1x49952xf32, #tpu.memory_space<hbm>> -> memref<49952xf32, #tpu.memory_space<hbm>>
        tpu.enqueue_dma source(%dma_start3A_351 : memref<49952xf32, #tpu.memory_space<hbm>>) target(%arg9 : memref<49952xf32, #tpu.memory_space<vmem>>) target_semaphore(%arg17 : memref<!tpu.dma_semaphore, #tpu.memory_space<semaphore_mem>>)
      } else {
      }
      "tpu.region"() ({
        %run_scoped3A_301 = tpu.sem_alloc : memref<!tpu.dma_semaphore, #tpu.memory_space<semaphore_mem>>
        %dma_start3A_302 = arith.constant 0 : i32
        %dma_start3A_303 = tpu.memref_slice %arg6[%select_n3A_161, %select_n3A_177, %dma_start3A_302] : memref<26x32x4096xf32, #tpu.memory_space<hbm>> -> memref<1x1x4096xf32, #tpu.memory_space<hbm>>
        %dma_start3A_304 = tpu.memref_squeeze %dma_start3A_303 : memref<1x1x4096xf32, #tpu.memory_space<hbm>> -> memref<4096xf32, #tpu.memory_space<hbm>>
        %dma_start3A_305 = arith.constant 0 : i32
        %dma_start3A_306 = tpu.memref_slice %arg6[%select_n3A_161, %select_n3A_177, %dma_start3A_305] : memref<26x32x4096xf32, #tpu.memory_space<hbm>> -> memref<1x1x4096xf32, #tpu.memory_space<hbm>>
        %dma_start3A_307 = tpu.memref_squeeze %dma_start3A_306 : memref<1x1x4096xf32, #tpu.memory_space<hbm>> -> memref<4096xf32, #tpu.memory_space<hbm>>
        tpu.enqueue_dma source(%arg11 : memref<4096xf32, #tpu.memory_space<vmem>>) target(%dma_start3A_307 : memref<4096xf32, #tpu.memory_space<hbm>>) target_semaphore(%run_scoped3A_301 : memref<!tpu.dma_semaphore, #tpu.memory_space<semaphore_mem>>)
        %dma_wait3A_308 = arith.constant 0 : i32
        %dma_wait3A_309 = tpu.memref_slice %arg6[%select_n3A_161, %select_n3A_177, %dma_wait3A_308] : memref<26x32x4096xf32, #tpu.memory_space<hbm>> -> memref<1x1x4096xf32, #tpu.memory_space<hbm>>
        %dma_wait3A_310 = tpu.memref_squeeze %dma_wait3A_309 : memref<1x1x4096xf32, #tpu.memory_space<hbm>> -> memref<4096xf32, #tpu.memory_space<hbm>>
        %dma_wait3A_311 = arith.constant 0 : i32
        %dma_wait3A_312 = tpu.memref_slice %arg6[%select_n3A_161, %select_n3A_177, %dma_wait3A_311] : memref<26x32x4096xf32, #tpu.memory_space<hbm>> -> memref<1x1x4096xf32, #tpu.memory_space<hbm>>
        %dma_wait3A_313 = tpu.memref_squeeze %dma_wait3A_312 : memref<1x1x4096xf32, #tpu.memory_space<hbm>> -> memref<4096xf32, #tpu.memory_space<hbm>>
        tpu.wait_dma2 semaphore(%run_scoped3A_301 : memref<!tpu.dma_semaphore, #tpu.memory_space<semaphore_mem>>) src(%arg11 : memref<4096xf32, #tpu.memory_space<vmem>>) dst(%dma_wait3A_313 : memref<4096xf32, #tpu.memory_space<hbm>>)
        tpu.yield
      }) : () -> ()
      scf.yield %select_n3A_161 : i32
    }
    %scan3A_127 = arith.constant 26 : i32
    %sub3A_128 = arith.subi %scan3A_126, %select_n3A : i32
    %run_scoped3A = arith.constant 0 : i32
    "tpu.region"() ({
      %run_scoped3A_133 = tpu.sem_alloc : memref<!tpu.dma_semaphore, #tpu.memory_space<semaphore_mem>>
      %dma_start3A_134 = arith.constant 0 : i32
      %dma_start3A_135 = tpu.memref_slice %arg7[%add3A, %run_scoped3A, %sub3A_128, %dma_start3A_134] : memref<32x2x2x4096xf32, #tpu.memory_space<hbm>> -> memref<1x1x1x4096xf32, #tpu.memory_space<hbm>>
      %dma_start3A_136 = tpu.memref_squeeze %dma_start3A_135 : memref<1x1x1x4096xf32, #tpu.memory_space<hbm>> -> memref<4096xf32, #tpu.memory_space<hbm>>
      %dma_start3A_137 = arith.constant 0 : i32
      %dma_start3A_138 = tpu.memref_slice %arg7[%add3A, %run_scoped3A, %sub3A_128, %dma_start3A_137] : memref<32x2x2x4096xf32, #tpu.memory_space<hbm>> -> memref<1x1x1x4096xf32, #tpu.memory_space<hbm>>
      %dma_start3A_139 = tpu.memref_squeeze %dma_start3A_138 : memref<1x1x1x4096xf32, #tpu.memory_space<hbm>> -> memref<4096xf32, #tpu.memory_space<hbm>>
      tpu.enqueue_dma source(%arg12 : memref<4096xf32, #tpu.memory_space<vmem>>) target(%dma_start3A_139 : memref<4096xf32, #tpu.memory_space<hbm>>) target_semaphore(%run_scoped3A_133 : memref<!tpu.dma_semaphore, #tpu.memory_space<semaphore_mem>>)
      %dma_wait3A = arith.constant 0 : i32
      %dma_wait3A_140 = tpu.memref_slice %arg7[%add3A, %run_scoped3A, %sub3A_128, %dma_wait3A] : memref<32x2x2x4096xf32, #tpu.memory_space<hbm>> -> memref<1x1x1x4096xf32, #tpu.memory_space<hbm>>
      %dma_wait3A_141 = tpu.memref_squeeze %dma_wait3A_140 : memref<1x1x1x4096xf32, #tpu.memory_space<hbm>> -> memref<4096xf32, #tpu.memory_space<hbm>>
      %dma_wait3A_142 = arith.constant 0 : i32
      %dma_wait3A_143 = tpu.memref_slice %arg7[%add3A, %run_scoped3A, %sub3A_128, %dma_wait3A_142] : memref<32x2x2x4096xf32, #tpu.memory_space<hbm>> -> memref<1x1x1x4096xf32, #tpu.memory_space<hbm>>
      %dma_wait3A_144 = tpu.memref_squeeze %dma_wait3A_143 : memref<1x1x1x4096xf32, #tpu.memory_space<hbm>> -> memref<4096xf32, #tpu.memory_space<hbm>>
      tpu.wait_dma2 semaphore(%run_scoped3A_133 : memref<!tpu.dma_semaphore, #tpu.memory_space<semaphore_mem>>) src(%arg12 : memref<4096xf32, #tpu.memory_space<vmem>>) dst(%dma_wait3A_144 : memref<4096xf32, #tpu.memory_space<hbm>>)
      tpu.yield
    }) : () -> ()
    %run_scoped3A_129 = arith.constant 1 : i32
    "tpu.region"() ({
      %run_scoped3A_133 = tpu.sem_alloc : memref<!tpu.dma_semaphore, #tpu.memory_space<semaphore_mem>>
      %dma_start3A_134 = arith.constant 0 : i32
      %dma_start3A_135 = tpu.memref_slice %arg7[%add3A, %run_scoped3A_129, %sub3A_128, %dma_start3A_134] : memref<32x2x2x4096xf32, #tpu.memory_space<hbm>> -> memref<1x1x1x4096xf32, #tpu.memory_space<hbm>>
      %dma_start3A_136 = tpu.memref_squeeze %dma_start3A_135 : memref<1x1x1x4096xf32, #tpu.memory_space<hbm>> -> memref<4096xf32, #tpu.memory_space<hbm>>
      %dma_start3A_137 = arith.constant 0 : i32
      %dma_start3A_138 = tpu.memref_slice %arg7[%add3A, %run_scoped3A_129, %sub3A_128, %dma_start3A_137] : memref<32x2x2x4096xf32, #tpu.memory_space<hbm>> -> memref<1x1x1x4096xf32, #tpu.memory_space<hbm>>
      %dma_start3A_139 = tpu.memref_squeeze %dma_start3A_138 : memref<1x1x1x4096xf32, #tpu.memory_space<hbm>> -> memref<4096xf32, #tpu.memory_space<hbm>>
      tpu.enqueue_dma source(%arg13 : memref<4096xf32, #tpu.memory_space<vmem>>) target(%dma_start3A_139 : memref<4096xf32, #tpu.memory_space<hbm>>) target_semaphore(%run_scoped3A_133 : memref<!tpu.dma_semaphore, #tpu.memory_space<semaphore_mem>>)
      %dma_wait3A = arith.constant 0 : i32
      %dma_wait3A_140 = tpu.memref_slice %arg7[%add3A, %run_scoped3A_129, %sub3A_128, %dma_wait3A] : memref<32x2x2x4096xf32, #tpu.memory_space<hbm>> -> memref<1x1x1x4096xf32, #tpu.memory_space<hbm>>
      %dma_wait3A_141 = tpu.memref_squeeze %dma_wait3A_140 : memref<1x1x1x4096xf32, #tpu.memory_space<hbm>> -> memref<4096xf32, #tpu.memory_space<hbm>>
      %dma_wait3A_142 = arith.constant 0 : i32
      %dma_wait3A_143 = tpu.memref_slice %arg7[%add3A, %run_scoped3A_129, %sub3A_128, %dma_wait3A_142] : memref<32x2x2x4096xf32, #tpu.memory_space<hbm>> -> memref<1x1x1x4096xf32, #tpu.memory_space<hbm>>
      %dma_wait3A_144 = tpu.memref_squeeze %dma_wait3A_143 : memref<1x1x1x4096xf32, #tpu.memory_space<hbm>> -> memref<4096xf32, #tpu.memory_space<hbm>>
      tpu.wait_dma2 semaphore(%run_scoped3A_133 : memref<!tpu.dma_semaphore, #tpu.memory_space<semaphore_mem>>) src(%arg13 : memref<4096xf32, #tpu.memory_space<vmem>>) dst(%dma_wait3A_144 : memref<4096xf32, #tpu.memory_space<hbm>>)
      tpu.yield
    }) : () -> ()
    %barrier3A = arith.constant 0 : index
    tpu.barrier barrier_id(%barrier3A)
    %lt3A_130 = arith.constant 13 : i32
    %lt3A_131 = arith.cmpi slt, %arg1, %lt3A_130 : i32
    %convert_element_type3A = arith.extui %lt3A_131 : i1 to i32
    %cond3A = arith.constant 0 : i32
    %cond3A_132 = arith.cmpi ne, %convert_element_type3A, %cond3A : i32
    scf.if %cond3A_132 {
      %mul3A_133 = arith.constant 13 : i32
      %mul3A_134 = arith.muli %arg0, %mul3A_133 : i32
      %add3A_135 = arith.addi %mul3A_134, %arg1 : i32
      %mul3A_136 = arith.constant 32 : i32
      %mul3A_137 = arith.muli %add3A_135, %mul3A_136 : i32
      %jit3A_138 = arith.constant 26 : i32
      %div3A_139 = arith.divsi %mul3A_137, %jit3A_138 : i32
      %sign3A_140 = arith.constant 0 : i32
      %sign3A_141 = arith.cmpi sgt, %mul3A_137, %sign3A_140 : i32
      %sign3A_142 = arith.extui %sign3A_141 : i1 to i32
      %sign3A_143 = arith.constant 0 : i32
      %sign3A_144 = arith.cmpi slt, %mul3A_137, %sign3A_143 : i32
      %sign3A_145 = arith.extui %sign3A_144 : i1 to i32
      %sign3A_146 = arith.subi %sign3A_142, %sign3A_145 : i32
      %sign3A_147 = arith.constant 0 : i32
      %sign3A_148 = arith.cmpi sgt, %jit3A_138, %sign3A_147 : i32
      %sign3A_149 = arith.extui %sign3A_148 : i1 to i32
      %sign3A_150 = arith.constant 0 : i32
      %sign3A_151 = arith.cmpi slt, %jit3A_138, %sign3A_150 : i32
      %sign3A_152 = arith.extui %sign3A_151 : i1 to i32
      %sign3A_153 = arith.subi %sign3A_149, %sign3A_152 : i32
      %ne3A_154 = arith.cmpi ne, %sign3A_146, %sign3A_153 : i32
      %rem3A_155 = arith.remsi %mul3A_137, %jit3A_138 : i32
      %ne3A_156 = arith.constant 0 : i32
      %ne3A_157 = arith.cmpi ne, %rem3A_155, %ne3A_156 : i32
      %and3A_158 = arith.andi %ne3A_154, %ne3A_157 : i1
      %sub3A_159 = arith.constant 1 : i32
      %sub3A_160 = arith.subi %div3A_139, %sub3A_159 : i32
      %select_n3A_161 = arith.select %and3A_158, %sub3A_160, %div3A_139 : i32
      %scan3A_162 = arith.constant 0 : i32
      %scan3A_163 = arith.constant 0 : i32
      %scan3A_164 = arith.constant 256 : i32
      %scan3A_165 = arith.addi %scan3A_163, %scan3A_164 : i32
      %scan3A_166 = arith.constant 1 : i32
      scf.for %scan3A_366 = %scan3A_163 to %scan3A_165 step %scan3A_166  : i32 {
        %mul3A_367 = arith.constant 16 : i32
        %mul3A_368 = arith.muli %scan3A_366, %mul3A_367 : i32
        %swap3A = arith.index_cast %mul3A_368 : i32 to index
        %swap3A_369 = tpu.vector_load %arg12[%swap3A] {strides = array<i32>} : memref<4096xf32, #tpu.memory_space<vmem>>, vector<16xf32>,
        tpu.vector_store %arg12[%swap3A], %broadcast_in_dim3A_19 {strides = array<i32>} : memref<4096xf32, #tpu.memory_space<vmem>>, vector<16xf32>,
        %swap3A_370 = arith.index_cast %mul3A_368 : i32 to index
        %swap3A_371 = tpu.vector_load %arg13[%swap3A_370] {strides = array<i32>} : memref<4096xf32, #tpu.memory_space<vmem>>, vector<16xf32>,
        tpu.vector_store %arg13[%swap3A_370], %broadcast_in_dim3A_19 {strides = array<i32>} : memref<4096xf32, #tpu.memory_space<vmem>>, vector<16xf32>,
      }
      %scan3A_167 = arith.constant 256 : i32
      %add3A_168 = arith.constant 0 : i32
      %add3A_169 = arith.addi %select_n3A_161, %add3A_168 : i32
      %mul3A_170 = arith.constant 26 : i32
      %mul3A_171 = arith.muli %add3A_169, %mul3A_170 : i32
      %jit3A_172 = arith.constant 32 : i32
      %div3A_173 = arith.divsi %mul3A_171, %jit3A_172 : i32
      %sign3A_174 = arith.constant 0 : i32
      %sign3A_175 = arith.cmpi sgt, %mul3A_171, %sign3A_174 : i32
      %sign3A_176 = arith.extui %sign3A_175 : i1 to i32
      %sign3A_177 = arith.constant 0 : i32
      %sign3A_178 = arith.cmpi slt, %mul3A_171, %sign3A_177 : i32
      %sign3A_179 = arith.extui %sign3A_178 : i1 to i32
      %sign3A_180 = arith.subi %sign3A_176, %sign3A_179 : i32
      %sign3A_181 = arith.constant 0 : i32
      %sign3A_182 = arith.cmpi sgt, %jit3A_172, %sign3A_181 : i32
      %sign3A_183 = arith.extui %sign3A_182 : i1 to i32
      %sign3A_184 = arith.constant 0 : i32
      %sign3A_185 = arith.cmpi slt, %jit3A_172, %sign3A_184 : i32
      %sign3A_186 = arith.extui %sign3A_185 : i1 to i32
      %sign3A_187 = arith.subi %sign3A_183, %sign3A_186 : i32
      %ne3A_188 = arith.cmpi ne, %sign3A_180, %sign3A_187 : i32
      %rem3A_189 = arith.remsi %mul3A_171, %jit3A_172 : i32
      %ne3A_190 = arith.constant 0 : i32
      %ne3A_191 = arith.cmpi ne, %rem3A_189, %ne3A_190 : i32
      %and3A_192 = arith.andi %ne3A_188, %ne3A_191 : i1
      %sub3A_193 = arith.constant 1 : i32
      %sub3A_194 = arith.subi %div3A_173, %sub3A_193 : i32
      %select_n3A_195 = arith.select %and3A_192, %sub3A_194, %div3A_173 : i32
      %sub3A_196 = arith.subi %add3A_135, %select_n3A_195 : i32
      %lt3A_197 = arith.constant 32 : i32
      %lt3A_198 = arith.cmpi slt, %add3A_169, %lt3A_197 : i32
      %mul3A_199 = arith.constant 26 : i32
      %mul3A_200 = arith.muli %add3A_169, %mul3A_199 : i32
      %mul3A_201 = arith.constant 32 : i32
      %mul3A_202 = arith.muli %add3A_135, %mul3A_201 : i32
      %add3A_203 = arith.constant 32 : i32
      %add3A_204 = arith.addi %mul3A_202, %add3A_203 : i32
      %lt3A_205 = arith.cmpi slt, %mul3A_200, %add3A_204 : i32
      %and3A_206 = arith.andi %lt3A_198, %lt3A_205 : i1
      %ge3A = arith.constant 0 : i32
      %ge3A_207 = arith.cmpi sge, %sub3A_196, %ge3A : i32
      %and3A_208 = arith.andi %and3A_206, %ge3A_207 : i1
      %lt3A_209 = arith.constant 2 : i32
      %lt3A_210 = arith.cmpi slt, %sub3A_196, %lt3A_209 : i32
      %and3A_211 = arith.andi %and3A_208, %lt3A_210 : i1
      %convert_element_type3A_212 = arith.extui %and3A_211 : i1 to i32
      %cond3A_213 = arith.constant 0 : i32
      %cond3A_214 = arith.cmpi ne, %convert_element_type3A_212, %cond3A_213 : i32
      scf.if %cond3A_214 {
        %min3A = arith.constant 31 : i32
        %min3A_366 = arith.minsi %add3A_169, %min3A : i32
        %jit3A_367 = arith.constant 0 : i32
        %jit3A_368 = arith.constant 1 : i32
        %max3A = arith.maxsi %jit3A_367, %sub3A_196 : i32
        %min3A_369 = arith.minsi %jit3A_368, %max3A : i32
        %run_scoped3A_370 = arith.constant 0 : i32
        "tpu.region"() ({
          %run_scoped3A_384 = tpu.sem_alloc : memref<!tpu.dma_semaphore, #tpu.memory_space<semaphore_mem>>
          %dma_start3A_385 = arith.constant 0 : i32
          %dma_start3A_386 = tpu.memref_slice %arg7[%min3A_366, %run_scoped3A_370, %min3A_369, %dma_start3A_385] : memref<32x2x2x4096xf32, #tpu.memory_space<hbm>> -> memref<1x1x1x4096xf32, #tpu.memory_space<hbm>>
          %dma_start3A_387 = tpu.memref_squeeze %dma_start3A_386 : memref<1x1x1x4096xf32, #tpu.memory_space<hbm>> -> memref<4096xf32, #tpu.memory_space<hbm>>
          %dma_start3A_388 = arith.constant 0 : i32
          %dma_start3A_389 = tpu.memref_slice %arg7[%min3A_366, %run_scoped3A_370, %min3A_369, %dma_start3A_388] : memref<32x2x2x4096xf32, #tpu.memory_space<hbm>> -> memref<1x1x1x4096xf32, #tpu.memory_space<hbm>>
          %dma_start3A_390 = tpu.memref_squeeze %dma_start3A_389 : memref<1x1x1x4096xf32, #tpu.memory_space<hbm>> -> memref<4096xf32, #tpu.memory_space<hbm>>
          tpu.enqueue_dma source(%dma_start3A_390 : memref<4096xf32, #tpu.memory_space<hbm>>) target(%arg11 : memref<4096xf32, #tpu.memory_space<vmem>>) target_semaphore(%run_scoped3A_384 : memref<!tpu.dma_semaphore, #tpu.memory_space<semaphore_mem>>)
          %dma_wait3A_391 = arith.constant 0 : i32
          %dma_wait3A_392 = tpu.memref_slice %arg7[%min3A_366, %run_scoped3A_370, %min3A_369, %dma_wait3A_391] : memref<32x2x2x4096xf32, #tpu.memory_space<hbm>> -> memref<1x1x1x4096xf32, #tpu.memory_space<hbm>>
          %dma_wait3A_393 = tpu.memref_squeeze %dma_wait3A_392 : memref<1x1x1x4096xf32, #tpu.memory_space<hbm>> -> memref<4096xf32, #tpu.memory_space<hbm>>
          %dma_wait3A_394 = arith.constant 0 : i32
          %dma_wait3A_395 = tpu.memref_slice %arg7[%min3A_366, %run_scoped3A_370, %min3A_369, %dma_wait3A_394] : memref<32x2x2x4096xf32, #tpu.memory_space<hbm>> -> memref<1x1x1x4096xf32, #tpu.memory_space<hbm>>
          %dma_wait3A_396 = tpu.memref_squeeze %dma_wait3A_395 : memref<1x1x1x4096xf32, #tpu.memory_space<hbm>> -> memref<4096xf32, #tpu.memory_space<hbm>>
          tpu.wait_dma2 semaphore(%run_scoped3A_384 : memref<!tpu.dma_semaphore, #tpu.memory_space<semaphore_mem>>) src(%dma_wait3A_396 : memref<4096xf32, #tpu.memory_space<hbm>>) dst(%arg11 : memref<4096xf32, #tpu.memory_space<vmem>>)
          tpu.yield
        }) : () -> ()
        %scan3A_371 = arith.constant 0 : i32
        %scan3A_372 = arith.constant 0 : i32
        %scan3A_373 = arith.constant 256 : i32
        %scan3A_374 = arith.addi %scan3A_372, %scan3A_373 : i32
        %scan3A_375 = arith.constant 1 : i32
        scf.for %scan3A_384 = %scan3A_372 to %scan3A_374 step %scan3A_375  : i32 {
          %mul3A_385 = arith.constant 16 : i32
          %mul3A_386 = arith.muli %scan3A_384, %mul3A_385 : i32
          %get3A = arith.index_cast %mul3A_386 : i32 to index
          %get3A_387 = tpu.vector_load %arg12[%get3A] {strides = array<i32>} : memref<4096xf32, #tpu.memory_space<vmem>>, vector<16xf32>,
          %get3A_388 = arith.index_cast %mul3A_386 : i32 to index
          %get3A_389 = tpu.vector_load %arg11[%get3A_388] {strides = array<i32>} : memref<4096xf32, #tpu.memory_space<vmem>>, vector<16xf32>,
          %add3A_390 = arith.addf %get3A_387, %get3A_389 : vector<16xf32>
          %swap3A = arith.index_cast %mul3A_386 : i32 to index
          %swap3A_391 = tpu.vector_load %arg12[%swap3A] {strides = array<i32>} : memref<4096xf32, #tpu.memory_space<vmem>>, vector<16xf32>,
          tpu.vector_store %arg12[%swap3A], %add3A_390 {strides = array<i32>} : memref<4096xf32, #tpu.memory_space<vmem>>, vector<16xf32>,
        }
        %scan3A_376 = arith.constant 256 : i32
        %run_scoped3A_377 = arith.constant 1 : i32
        "tpu.region"() ({
          %run_scoped3A_384 = tpu.sem_alloc : memref<!tpu.dma_semaphore, #tpu.memory_space<semaphore_mem>>
          %dma_start3A_385 = arith.constant 0 : i32
          %dma_start3A_386 = tpu.memref_slice %arg7[%min3A_366, %run_scoped3A_377, %min3A_369, %dma_start3A_385] : memref<32x2x2x4096xf32, #tpu.memory_space<hbm>> -> memref<1x1x1x4096xf32, #tpu.memory_space<hbm>>
          %dma_start3A_387 = tpu.memref_squeeze %dma_start3A_386 : memref<1x1x1x4096xf32, #tpu.memory_space<hbm>> -> memref<4096xf32, #tpu.memory_space<hbm>>
          %dma_start3A_388 = arith.constant 0 : i32
          %dma_start3A_389 = tpu.memref_slice %arg7[%min3A_366, %run_scoped3A_377, %min3A_369, %dma_start3A_388] : memref<32x2x2x4096xf32, #tpu.memory_space<hbm>> -> memref<1x1x1x4096xf32, #tpu.memory_space<hbm>>
          %dma_start3A_390 = tpu.memref_squeeze %dma_start3A_389 : memref<1x1x1x4096xf32, #tpu.memory_space<hbm>> -> memref<4096xf32, #tpu.memory_space<hbm>>
          tpu.enqueue_dma source(%dma_start3A_390 : memref<4096xf32, #tpu.memory_space<hbm>>) target(%arg11 : memref<4096xf32, #tpu.memory_space<vmem>>) target_semaphore(%run_scoped3A_384 : memref<!tpu.dma_semaphore, #tpu.memory_space<semaphore_mem>>)
          %dma_wait3A_391 = arith.constant 0 : i32
          %dma_wait3A_392 = tpu.memref_slice %arg7[%min3A_366, %run_scoped3A_377, %min3A_369, %dma_wait3A_391] : memref<32x2x2x4096xf32, #tpu.memory_space<hbm>> -> memref<1x1x1x4096xf32, #tpu.memory_space<hbm>>
          %dma_wait3A_393 = tpu.memref_squeeze %dma_wait3A_392 : memref<1x1x1x4096xf32, #tpu.memory_space<hbm>> -> memref<4096xf32, #tpu.memory_space<hbm>>
          %dma_wait3A_394 = arith.constant 0 : i32
          %dma_wait3A_395 = tpu.memref_slice %arg7[%min3A_366, %run_scoped3A_377, %min3A_369, %dma_wait3A_394] : memref<32x2x2x4096xf32, #tpu.memory_space<hbm>> -> memref<1x1x1x4096xf32, #tpu.memory_space<hbm>>
          %dma_wait3A_396 = tpu.memref_squeeze %dma_wait3A_395 : memref<1x1x1x4096xf32, #tpu.memory_space<hbm>> -> memref<4096xf32, #tpu.memory_space<hbm>>
          tpu.wait_dma2 semaphore(%run_scoped3A_384 : memref<!tpu.dma_semaphore, #tpu.memory_space<semaphore_mem>>) src(%dma_wait3A_396 : memref<4096xf32, #tpu.memory_space<hbm>>) dst(%arg11 : memref<4096xf32, #tpu.memory_space<vmem>>)
          tpu.yield
        }) : () -> ()
        %scan3A_378 = arith.constant 0 : i32
        %scan3A_379 = arith.constant 0 : i32
        %scan3A_380 = arith.constant 256 : i32
        %scan3A_381 = arith.addi %scan3A_379, %scan3A_380 : i32
        %scan3A_382 = arith.constant 1 : i32
        scf.for %scan3A_384 = %scan3A_379 to %scan3A_381 step %scan3A_382  : i32 {
          %mul3A_385 = arith.constant 16 : i32
          %mul3A_386 = arith.muli %scan3A_384, %mul3A_385 : i32
          %get3A = arith.index_cast %mul3A_386 : i32 to index
          %get3A_387 = tpu.vector_load %arg13[%get3A] {strides = array<i32>} : memref<4096xf32, #tpu.memory_space<vmem>>, vector<16xf32>,
          %get3A_388 = arith.index_cast %mul3A_386 : i32 to index
          %get3A_389 = tpu.vector_load %arg11[%get3A_388] {strides = array<i32>} : memref<4096xf32, #tpu.memory_space<vmem>>, vector<16xf32>,
          %add3A_390 = arith.addf %get3A_387, %get3A_389 : vector<16xf32>
          %swap3A = arith.index_cast %mul3A_386 : i32 to index
          %swap3A_391 = tpu.vector_load %arg13[%swap3A] {strides = array<i32>} : memref<4096xf32, #tpu.memory_space<vmem>>, vector<16xf32>,
          tpu.vector_store %arg13[%swap3A], %add3A_390 {strides = array<i32>} : memref<4096xf32, #tpu.memory_space<vmem>>, vector<16xf32>,
        }
        %scan3A_383 = arith.constant 256 : i32
      } else {
      }
      %add3A_215 = arith.constant 1 : i32
      %add3A_216 = arith.addi %select_n3A_161, %add3A_215 : i32
      %mul3A_217 = arith.constant 26 : i32
      %mul3A_218 = arith.muli %add3A_216, %mul3A_217 : i32
      %jit3A_219 = arith.constant 32 : i32
      %div3A_220 = arith.divsi %mul3A_218, %jit3A_219 : i32
      %sign3A_221 = arith.constant 0 : i32
      %sign3A_222 = arith.cmpi sgt, %mul3A_218, %sign3A_221 : i32
      %sign3A_223 = arith.extui %sign3A_222 : i1 to i32
      %sign3A_224 = arith.constant 0 : i32
      %sign3A_225 = arith.cmpi slt, %mul3A_218, %sign3A_224 : i32
      %sign3A_226 = arith.extui %sign3A_225 : i1 to i32
      %sign3A_227 = arith.subi %sign3A_223, %sign3A_226 : i32
      %sign3A_228 = arith.constant 0 : i32
      %sign3A_229 = arith.cmpi sgt, %jit3A_219, %sign3A_228 : i32
      %sign3A_230 = arith.extui %sign3A_229 : i1 to i32
      %sign3A_231 = arith.constant 0 : i32
      %sign3A_232 = arith.cmpi slt, %jit3A_219, %sign3A_231 : i32
      %sign3A_233 = arith.extui %sign3A_232 : i1 to i32
      %sign3A_234 = arith.subi %sign3A_230, %sign3A_233 : i32
      %ne3A_235 = arith.cmpi ne, %sign3A_227, %sign3A_234 : i32
      %rem3A_236 = arith.remsi %mul3A_218, %jit3A_219 : i32
      %ne3A_237 = arith.constant 0 : i32
      %ne3A_238 = arith.cmpi ne, %rem3A_236, %ne3A_237 : i32
      %and3A_239 = arith.andi %ne3A_235, %ne3A_238 : i1
      %sub3A_240 = arith.constant 1 : i32
      %sub3A_241 = arith.subi %div3A_220, %sub3A_240 : i32
      %select_n3A_242 = arith.select %and3A_239, %sub3A_241, %div3A_220 : i32
      %sub3A_243 = arith.subi %add3A_135, %select_n3A_242 : i32
      %lt3A_244 = arith.constant 32 : i32
      %lt3A_245 = arith.cmpi slt, %add3A_216, %lt3A_244 : i32
      %mul3A_246 = arith.constant 26 : i32
      %mul3A_247 = arith.muli %add3A_216, %mul3A_246 : i32
      %mul3A_248 = arith.constant 32 : i32
      %mul3A_249 = arith.muli %add3A_135, %mul3A_248 : i32
      %add3A_250 = arith.constant 32 : i32
      %add3A_251 = arith.addi %mul3A_249, %add3A_250 : i32
      %lt3A_252 = arith.cmpi slt, %mul3A_247, %add3A_251 : i32
      %and3A_253 = arith.andi %lt3A_245, %lt3A_252 : i1
      %ge3A_254 = arith.constant 0 : i32
      %ge3A_255 = arith.cmpi sge, %sub3A_243, %ge3A_254 : i32
      %and3A_256 = arith.andi %and3A_253, %ge3A_255 : i1
      %lt3A_257 = arith.constant 2 : i32
      %lt3A_258 = arith.cmpi slt, %sub3A_243, %lt3A_257 : i32
      %and3A_259 = arith.andi %and3A_256, %lt3A_258 : i1
      %convert_element_type3A_260 = arith.extui %and3A_259 : i1 to i32
      %cond3A_261 = arith.constant 0 : i32
      %cond3A_262 = arith.cmpi ne, %convert_element_type3A_260, %cond3A_261 : i32
      scf.if %cond3A_262 {
        %min3A = arith.constant 31 : i32
        %min3A_366 = arith.minsi %add3A_216, %min3A : i32
        %jit3A_367 = arith.constant 0 : i32
        %jit3A_368 = arith.constant 1 : i32
        %max3A = arith.maxsi %jit3A_367, %sub3A_243 : i32
        %min3A_369 = arith.minsi %jit3A_368, %max3A : i32
        %run_scoped3A_370 = arith.constant 0 : i32
        "tpu.region"() ({
          %run_scoped3A_384 = tpu.sem_alloc : memref<!tpu.dma_semaphore, #tpu.memory_space<semaphore_mem>>
          %dma_start3A_385 = arith.constant 0 : i32
          %dma_start3A_386 = tpu.memref_slice %arg7[%min3A_366, %run_scoped3A_370, %min3A_369, %dma_start3A_385] : memref<32x2x2x4096xf32, #tpu.memory_space<hbm>> -> memref<1x1x1x4096xf32, #tpu.memory_space<hbm>>
          %dma_start3A_387 = tpu.memref_squeeze %dma_start3A_386 : memref<1x1x1x4096xf32, #tpu.memory_space<hbm>> -> memref<4096xf32, #tpu.memory_space<hbm>>
          %dma_start3A_388 = arith.constant 0 : i32
          %dma_start3A_389 = tpu.memref_slice %arg7[%min3A_366, %run_scoped3A_370, %min3A_369, %dma_start3A_388] : memref<32x2x2x4096xf32, #tpu.memory_space<hbm>> -> memref<1x1x1x4096xf32, #tpu.memory_space<hbm>>
          %dma_start3A_390 = tpu.memref_squeeze %dma_start3A_389 : memref<1x1x1x4096xf32, #tpu.memory_space<hbm>> -> memref<4096xf32, #tpu.memory_space<hbm>>
          tpu.enqueue_dma source(%dma_start3A_390 : memref<4096xf32, #tpu.memory_space<hbm>>) target(%arg11 : memref<4096xf32, #tpu.memory_space<vmem>>) target_semaphore(%run_scoped3A_384 : memref<!tpu.dma_semaphore, #tpu.memory_space<semaphore_mem>>)
          %dma_wait3A_391 = arith.constant 0 : i32
          %dma_wait3A_392 = tpu.memref_slice %arg7[%min3A_366, %run_scoped3A_370, %min3A_369, %dma_wait3A_391] : memref<32x2x2x4096xf32, #tpu.memory_space<hbm>> -> memref<1x1x1x4096xf32, #tpu.memory_space<hbm>>
          %dma_wait3A_393 = tpu.memref_squeeze %dma_wait3A_392 : memref<1x1x1x4096xf32, #tpu.memory_space<hbm>> -> memref<4096xf32, #tpu.memory_space<hbm>>
          %dma_wait3A_394 = arith.constant 0 : i32
          %dma_wait3A_395 = tpu.memref_slice %arg7[%min3A_366, %run_scoped3A_370, %min3A_369, %dma_wait3A_394] : memref<32x2x2x4096xf32, #tpu.memory_space<hbm>> -> memref<1x1x1x4096xf32, #tpu.memory_space<hbm>>
          %dma_wait3A_396 = tpu.memref_squeeze %dma_wait3A_395 : memref<1x1x1x4096xf32, #tpu.memory_space<hbm>> -> memref<4096xf32, #tpu.memory_space<hbm>>
          tpu.wait_dma2 semaphore(%run_scoped3A_384 : memref<!tpu.dma_semaphore, #tpu.memory_space<semaphore_mem>>) src(%dma_wait3A_396 : memref<4096xf32, #tpu.memory_space<hbm>>) dst(%arg11 : memref<4096xf32, #tpu.memory_space<vmem>>)
          tpu.yield
        }) : () -> ()
        %scan3A_371 = arith.constant 0 : i32
        %scan3A_372 = arith.constant 0 : i32
        %scan3A_373 = arith.constant 256 : i32
        %scan3A_374 = arith.addi %scan3A_372, %scan3A_373 : i32
        %scan3A_375 = arith.constant 1 : i32
        scf.for %scan3A_384 = %scan3A_372 to %scan3A_374 step %scan3A_375  : i32 {
          %mul3A_385 = arith.constant 16 : i32
          %mul3A_386 = arith.muli %scan3A_384, %mul3A_385 : i32
          %get3A = arith.index_cast %mul3A_386 : i32 to index
          %get3A_387 = tpu.vector_load %arg12[%get3A] {strides = array<i32>} : memref<4096xf32, #tpu.memory_space<vmem>>, vector<16xf32>,
          %get3A_388 = arith.index_cast %mul3A_386 : i32 to index
          %get3A_389 = tpu.vector_load %arg11[%get3A_388] {strides = array<i32>} : memref<4096xf32, #tpu.memory_space<vmem>>, vector<16xf32>,
          %add3A_390 = arith.addf %get3A_387, %get3A_389 : vector<16xf32>
          %swap3A = arith.index_cast %mul3A_386 : i32 to index
          %swap3A_391 = tpu.vector_load %arg12[%swap3A] {strides = array<i32>} : memref<4096xf32, #tpu.memory_space<vmem>>, vector<16xf32>,
          tpu.vector_store %arg12[%swap3A], %add3A_390 {strides = array<i32>} : memref<4096xf32, #tpu.memory_space<vmem>>, vector<16xf32>,
        }
        %scan3A_376 = arith.constant 256 : i32
        %run_scoped3A_377 = arith.constant 1 : i32
        "tpu.region"() ({
          %run_scoped3A_384 = tpu.sem_alloc : memref<!tpu.dma_semaphore, #tpu.memory_space<semaphore_mem>>
          %dma_start3A_385 = arith.constant 0 : i32
          %dma_start3A_386 = tpu.memref_slice %arg7[%min3A_366, %run_scoped3A_377, %min3A_369, %dma_start3A_385] : memref<32x2x2x4096xf32, #tpu.memory_space<hbm>> -> memref<1x1x1x4096xf32, #tpu.memory_space<hbm>>
          %dma_start3A_387 = tpu.memref_squeeze %dma_start3A_386 : memref<1x1x1x4096xf32, #tpu.memory_space<hbm>> -> memref<4096xf32, #tpu.memory_space<hbm>>
          %dma_start3A_388 = arith.constant 0 : i32
          %dma_start3A_389 = tpu.memref_slice %arg7[%min3A_366, %run_scoped3A_377, %min3A_369, %dma_start3A_388] : memref<32x2x2x4096xf32, #tpu.memory_space<hbm>> -> memref<1x1x1x4096xf32, #tpu.memory_space<hbm>>
          %dma_start3A_390 = tpu.memref_squeeze %dma_start3A_389 : memref<1x1x1x4096xf32, #tpu.memory_space<hbm>> -> memref<4096xf32, #tpu.memory_space<hbm>>
          tpu.enqueue_dma source(%dma_start3A_390 : memref<4096xf32, #tpu.memory_space<hbm>>) target(%arg11 : memref<4096xf32, #tpu.memory_space<vmem>>) target_semaphore(%run_scoped3A_384 : memref<!tpu.dma_semaphore, #tpu.memory_space<semaphore_mem>>)
          %dma_wait3A_391 = arith.constant 0 : i32
          %dma_wait3A_392 = tpu.memref_slice %arg7[%min3A_366, %run_scoped3A_377, %min3A_369, %dma_wait3A_391] : memref<32x2x2x4096xf32, #tpu.memory_space<hbm>> -> memref<1x1x1x4096xf32, #tpu.memory_space<hbm>>
          %dma_wait3A_393 = tpu.memref_squeeze %dma_wait3A_392 : memref<1x1x1x4096xf32, #tpu.memory_space<hbm>> -> memref<4096xf32, #tpu.memory_space<hbm>>
          %dma_wait3A_394 = arith.constant 0 : i32
          %dma_wait3A_395 = tpu.memref_slice %arg7[%min3A_366, %run_scoped3A_377, %min3A_369, %dma_wait3A_394] : memref<32x2x2x4096xf32, #tpu.memory_space<hbm>> -> memref<1x1x1x4096xf32, #tpu.memory_space<hbm>>
          %dma_wait3A_396 = tpu.memref_squeeze %dma_wait3A_395 : memref<1x1x1x4096xf32, #tpu.memory_space<hbm>> -> memref<4096xf32, #tpu.memory_space<hbm>>
          tpu.wait_dma2 semaphore(%run_scoped3A_384 : memref<!tpu.dma_semaphore, #tpu.memory_space<semaphore_mem>>) src(%dma_wait3A_396 : memref<4096xf32, #tpu.memory_space<hbm>>) dst(%arg11 : memref<4096xf32, #tpu.memory_space<vmem>>)
          tpu.yield
        }) : () -> ()
        %scan3A_378 = arith.constant 0 : i32
        %scan3A_379 = arith.constant 0 : i32
        %scan3A_380 = arith.constant 256 : i32
        %scan3A_381 = arith.addi %scan3A_379, %scan3A_380 : i32
        %scan3A_382 = arith.constant 1 : i32
        scf.for %scan3A_384 = %scan3A_379 to %scan3A_381 step %scan3A_382  : i32 {
          %mul3A_385 = arith.constant 16 : i32
          %mul3A_386 = arith.muli %scan3A_384, %mul3A_385 : i32
          %get3A = arith.index_cast %mul3A_386 : i32 to index
          %get3A_387 = tpu.vector_load %arg13[%get3A] {strides = array<i32>} : memref<4096xf32, #tpu.memory_space<vmem>>, vector<16xf32>,
          %get3A_388 = arith.index_cast %mul3A_386 : i32 to index
          %get3A_389 = tpu.vector_load %arg11[%get3A_388] {strides = array<i32>} : memref<4096xf32, #tpu.memory_space<vmem>>, vector<16xf32>,
          %add3A_390 = arith.addf %get3A_387, %get3A_389 : vector<16xf32>
          %swap3A = arith.index_cast %mul3A_386 : i32 to index
          %swap3A_391 = tpu.vector_load %arg13[%swap3A] {strides = array<i32>} : memref<4096xf32, #tpu.memory_space<vmem>>, vector<16xf32>,
          tpu.vector_store %arg13[%swap3A], %add3A_390 {strides = array<i32>} : memref<4096xf32, #tpu.memory_space<vmem>>, vector<16xf32>,
        }
        %scan3A_383 = arith.constant 256 : i32
      } else {
      }
      %add3A_263 = arith.constant 2 : i32
      %add3A_264 = arith.addi %select_n3A_161, %add3A_263 : i32
      %mul3A_265 = arith.constant 26 : i32
      %mul3A_266 = arith.muli %add3A_264, %mul3A_265 : i32
      %jit3A_267 = arith.constant 32 : i32
      %div3A_268 = arith.divsi %mul3A_266, %jit3A_267 : i32
      %sign3A_269 = arith.constant 0 : i32
      %sign3A_270 = arith.cmpi sgt, %mul3A_266, %sign3A_269 : i32
      %sign3A_271 = arith.extui %sign3A_270 : i1 to i32
      %sign3A_272 = arith.constant 0 : i32
      %sign3A_273 = arith.cmpi slt, %mul3A_266, %sign3A_272 : i32
      %sign3A_274 = arith.extui %sign3A_273 : i1 to i32
      %sign3A_275 = arith.subi %sign3A_271, %sign3A_274 : i32
      %sign3A_276 = arith.constant 0 : i32
      %sign3A_277 = arith.cmpi sgt, %jit3A_267, %sign3A_276 : i32
      %sign3A_278 = arith.extui %sign3A_277 : i1 to i32
      %sign3A_279 = arith.constant 0 : i32
      %sign3A_280 = arith.cmpi slt, %jit3A_267, %sign3A_279 : i32
      %sign3A_281 = arith.extui %sign3A_280 : i1 to i32
      %sign3A_282 = arith.subi %sign3A_278, %sign3A_281 : i32
      %ne3A_283 = arith.cmpi ne, %sign3A_275, %sign3A_282 : i32
      %rem3A_284 = arith.remsi %mul3A_266, %jit3A_267 : i32
      %ne3A_285 = arith.constant 0 : i32
      %ne3A_286 = arith.cmpi ne, %rem3A_284, %ne3A_285 : i32
      %and3A_287 = arith.andi %ne3A_283, %ne3A_286 : i1
      %sub3A_288 = arith.constant 1 : i32
      %sub3A_289 = arith.subi %div3A_268, %sub3A_288 : i32
      %select_n3A_290 = arith.select %and3A_287, %sub3A_289, %div3A_268 : i32
      %sub3A_291 = arith.subi %add3A_135, %select_n3A_290 : i32
      %lt3A_292 = arith.constant 32 : i32
      %lt3A_293 = arith.cmpi slt, %add3A_264, %lt3A_292 : i32
      %mul3A_294 = arith.constant 26 : i32
      %mul3A_295 = arith.muli %add3A_264, %mul3A_294 : i32
      %mul3A_296 = arith.constant 32 : i32
      %mul3A_297 = arith.muli %add3A_135, %mul3A_296 : i32
      %add3A_298 = arith.constant 32 : i32
      %add3A_299 = arith.addi %mul3A_297, %add3A_298 : i32
      %lt3A_300 = arith.cmpi slt, %mul3A_295, %add3A_299 : i32
      %and3A_301 = arith.andi %lt3A_293, %lt3A_300 : i1
      %ge3A_302 = arith.constant 0 : i32
      %ge3A_303 = arith.cmpi sge, %sub3A_291, %ge3A_302 : i32
      %and3A_304 = arith.andi %and3A_301, %ge3A_303 : i1
      %lt3A_305 = arith.constant 2 : i32
      %lt3A_306 = arith.cmpi slt, %sub3A_291, %lt3A_305 : i32
      %and3A_307 = arith.andi %and3A_304, %lt3A_306 : i1
      %convert_element_type3A_308 = arith.extui %and3A_307 : i1 to i32
      %cond3A_309 = arith.constant 0 : i32
      %cond3A_310 = arith.cmpi ne, %convert_element_type3A_308, %cond3A_309 : i32
      scf.if %cond3A_310 {
        %min3A = arith.constant 31 : i32
        %min3A_366 = arith.minsi %add3A_264, %min3A : i32
        %jit3A_367 = arith.constant 0 : i32
        %jit3A_368 = arith.constant 1 : i32
        %max3A = arith.maxsi %jit3A_367, %sub3A_291 : i32
        %min3A_369 = arith.minsi %jit3A_368, %max3A : i32
        %run_scoped3A_370 = arith.constant 0 : i32
        "tpu.region"() ({
          %run_scoped3A_384 = tpu.sem_alloc : memref<!tpu.dma_semaphore, #tpu.memory_space<semaphore_mem>>
          %dma_start3A_385 = arith.constant 0 : i32
          %dma_start3A_386 = tpu.memref_slice %arg7[%min3A_366, %run_scoped3A_370, %min3A_369, %dma_start3A_385] : memref<32x2x2x4096xf32, #tpu.memory_space<hbm>> -> memref<1x1x1x4096xf32, #tpu.memory_space<hbm>>
          %dma_start3A_387 = tpu.memref_squeeze %dma_start3A_386 : memref<1x1x1x4096xf32, #tpu.memory_space<hbm>> -> memref<4096xf32, #tpu.memory_space<hbm>>
          %dma_start3A_388 = arith.constant 0 : i32
          %dma_start3A_389 = tpu.memref_slice %arg7[%min3A_366, %run_scoped3A_370, %min3A_369, %dma_start3A_388] : memref<32x2x2x4096xf32, #tpu.memory_space<hbm>> -> memref<1x1x1x4096xf32, #tpu.memory_space<hbm>>
          %dma_start3A_390 = tpu.memref_squeeze %dma_start3A_389 : memref<1x1x1x4096xf32, #tpu.memory_space<hbm>> -> memref<4096xf32, #tpu.memory_space<hbm>>
          tpu.enqueue_dma source(%dma_start3A_390 : memref<4096xf32, #tpu.memory_space<hbm>>) target(%arg11 : memref<4096xf32, #tpu.memory_space<vmem>>) target_semaphore(%run_scoped3A_384 : memref<!tpu.dma_semaphore, #tpu.memory_space<semaphore_mem>>)
          %dma_wait3A_391 = arith.constant 0 : i32
          %dma_wait3A_392 = tpu.memref_slice %arg7[%min3A_366, %run_scoped3A_370, %min3A_369, %dma_wait3A_391] : memref<32x2x2x4096xf32, #tpu.memory_space<hbm>> -> memref<1x1x1x4096xf32, #tpu.memory_space<hbm>>
          %dma_wait3A_393 = tpu.memref_squeeze %dma_wait3A_392 : memref<1x1x1x4096xf32, #tpu.memory_space<hbm>> -> memref<4096xf32, #tpu.memory_space<hbm>>
          %dma_wait3A_394 = arith.constant 0 : i32
          %dma_wait3A_395 = tpu.memref_slice %arg7[%min3A_366, %run_scoped3A_370, %min3A_369, %dma_wait3A_394] : memref<32x2x2x4096xf32, #tpu.memory_space<hbm>> -> memref<1x1x1x4096xf32, #tpu.memory_space<hbm>>
          %dma_wait3A_396 = tpu.memref_squeeze %dma_wait3A_395 : memref<1x1x1x4096xf32, #tpu.memory_space<hbm>> -> memref<4096xf32, #tpu.memory_space<hbm>>
          tpu.wait_dma2 semaphore(%run_scoped3A_384 : memref<!tpu.dma_semaphore, #tpu.memory_space<semaphore_mem>>) src(%dma_wait3A_396 : memref<4096xf32, #tpu.memory_space<hbm>>) dst(%arg11 : memref<4096xf32, #tpu.memory_space<vmem>>)
          tpu.yield
        }) : () -> ()
        %scan3A_371 = arith.constant 0 : i32
        %scan3A_372 = arith.constant 0 : i32
        %scan3A_373 = arith.constant 256 : i32
        %scan3A_374 = arith.addi %scan3A_372, %scan3A_373 : i32
        %scan3A_375 = arith.constant 1 : i32
        scf.for %scan3A_384 = %scan3A_372 to %scan3A_374 step %scan3A_375  : i32 {
          %mul3A_385 = arith.constant 16 : i32
          %mul3A_386 = arith.muli %scan3A_384, %mul3A_385 : i32
          %get3A = arith.index_cast %mul3A_386 : i32 to index
          %get3A_387 = tpu.vector_load %arg12[%get3A] {strides = array<i32>} : memref<4096xf32, #tpu.memory_space<vmem>>, vector<16xf32>,
          %get3A_388 = arith.index_cast %mul3A_386 : i32 to index
          %get3A_389 = tpu.vector_load %arg11[%get3A_388] {strides = array<i32>} : memref<4096xf32, #tpu.memory_space<vmem>>, vector<16xf32>,
          %add3A_390 = arith.addf %get3A_387, %get3A_389 : vector<16xf32>
          %swap3A = arith.index_cast %mul3A_386 : i32 to index
          %swap3A_391 = tpu.vector_load %arg12[%swap3A] {strides = array<i32>} : memref<4096xf32, #tpu.memory_space<vmem>>, vector<16xf32>,
          tpu.vector_store %arg12[%swap3A], %add3A_390 {strides = array<i32>} : memref<4096xf32, #tpu.memory_space<vmem>>, vector<16xf32>,
        }
        %scan3A_376 = arith.constant 256 : i32
        %run_scoped3A_377 = arith.constant 1 : i32
        "tpu.region"() ({
          %run_scoped3A_384 = tpu.sem_alloc : memref<!tpu.dma_semaphore, #tpu.memory_space<semaphore_mem>>
          %dma_start3A_385 = arith.constant 0 : i32
          %dma_start3A_386 = tpu.memref_slice %arg7[%min3A_366, %run_scoped3A_377, %min3A_369, %dma_start3A_385] : memref<32x2x2x4096xf32, #tpu.memory_space<hbm>> -> memref<1x1x1x4096xf32, #tpu.memory_space<hbm>>
          %dma_start3A_387 = tpu.memref_squeeze %dma_start3A_386 : memref<1x1x1x4096xf32, #tpu.memory_space<hbm>> -> memref<4096xf32, #tpu.memory_space<hbm>>
          %dma_start3A_388 = arith.constant 0 : i32
          %dma_start3A_389 = tpu.memref_slice %arg7[%min3A_366, %run_scoped3A_377, %min3A_369, %dma_start3A_388] : memref<32x2x2x4096xf32, #tpu.memory_space<hbm>> -> memref<1x1x1x4096xf32, #tpu.memory_space<hbm>>
          %dma_start3A_390 = tpu.memref_squeeze %dma_start3A_389 : memref<1x1x1x4096xf32, #tpu.memory_space<hbm>> -> memref<4096xf32, #tpu.memory_space<hbm>>
          tpu.enqueue_dma source(%dma_start3A_390 : memref<4096xf32, #tpu.memory_space<hbm>>) target(%arg11 : memref<4096xf32, #tpu.memory_space<vmem>>) target_semaphore(%run_scoped3A_384 : memref<!tpu.dma_semaphore, #tpu.memory_space<semaphore_mem>>)
          %dma_wait3A_391 = arith.constant 0 : i32
          %dma_wait3A_392 = tpu.memref_slice %arg7[%min3A_366, %run_scoped3A_377, %min3A_369, %dma_wait3A_391] : memref<32x2x2x4096xf32, #tpu.memory_space<hbm>> -> memref<1x1x1x4096xf32, #tpu.memory_space<hbm>>
          %dma_wait3A_393 = tpu.memref_squeeze %dma_wait3A_392 : memref<1x1x1x4096xf32, #tpu.memory_space<hbm>> -> memref<4096xf32, #tpu.memory_space<hbm>>
          %dma_wait3A_394 = arith.constant 0 : i32
          %dma_wait3A_395 = tpu.memref_slice %arg7[%min3A_366, %run_scoped3A_377, %min3A_369, %dma_wait3A_394] : memref<32x2x2x4096xf32, #tpu.memory_space<hbm>> -> memref<1x1x1x4096xf32, #tpu.memory_space<hbm>>
          %dma_wait3A_396 = tpu.memref_squeeze %dma_wait3A_395 : memref<1x1x1x4096xf32, #tpu.memory_space<hbm>> -> memref<4096xf32, #tpu.memory_space<hbm>>
          tpu.wait_dma2 semaphore(%run_scoped3A_384 : memref<!tpu.dma_semaphore, #tpu.memory_space<semaphore_mem>>) src(%dma_wait3A_396 : memref<4096xf32, #tpu.memory_space<hbm>>) dst(%arg11 : memref<4096xf32, #tpu.memory_space<vmem>>)
          tpu.yield
        }) : () -> ()
        %scan3A_378 = arith.constant 0 : i32
        %scan3A_379 = arith.constant 0 : i32
        %scan3A_380 = arith.constant 256 : i32
        %scan3A_381 = arith.addi %scan3A_379, %scan3A_380 : i32
        %scan3A_382 = arith.constant 1 : i32
        scf.for %scan3A_384 = %scan3A_379 to %scan3A_381 step %scan3A_382  : i32 {
          %mul3A_385 = arith.constant 16 : i32
          %mul3A_386 = arith.muli %scan3A_384, %mul3A_385 : i32
          %get3A = arith.index_cast %mul3A_386 : i32 to index
          %get3A_387 = tpu.vector_load %arg13[%get3A] {strides = array<i32>} : memref<4096xf32, #tpu.memory_space<vmem>>, vector<16xf32>,
          %get3A_388 = arith.index_cast %mul3A_386 : i32 to index
          %get3A_389 = tpu.vector_load %arg11[%get3A_388] {strides = array<i32>} : memref<4096xf32, #tpu.memory_space<vmem>>, vector<16xf32>,
          %add3A_390 = arith.addf %get3A_387, %get3A_389 : vector<16xf32>
          %swap3A = arith.index_cast %mul3A_386 : i32 to index
          %swap3A_391 = tpu.vector_load %arg13[%swap3A] {strides = array<i32>} : memref<4096xf32, #tpu.memory_space<vmem>>, vector<16xf32>,
          tpu.vector_store %arg13[%swap3A], %add3A_390 {strides = array<i32>} : memref<4096xf32, #tpu.memory_space<vmem>>, vector<16xf32>,
        }
        %scan3A_383 = arith.constant 256 : i32
      } else {
      }
      "tpu.region"() ({
        %run_scoped3A_366 = tpu.sem_alloc : memref<!tpu.dma_semaphore, #tpu.memory_space<semaphore_mem>>
        tpu.enqueue_dma source(%arg4 : memref<32xf32, #tpu.memory_space<hbm>>) target(%arg14 : memref<32xf32, #tpu.memory_space<vmem>>) target_semaphore(%run_scoped3A_366 : memref<!tpu.dma_semaphore, #tpu.memory_space<semaphore_mem>>)
        tpu.wait_dma2 semaphore(%run_scoped3A_366 : memref<!tpu.dma_semaphore, #tpu.memory_space<semaphore_mem>>) src(%arg4 : memref<32xf32, #tpu.memory_space<hbm>>) dst(%arg14 : memref<32xf32, #tpu.memory_space<vmem>>)
        tpu.yield
      }) : () -> ()
      "tpu.region"() ({
        %run_scoped3A_366 = tpu.sem_alloc : memref<!tpu.dma_semaphore, #tpu.memory_space<semaphore_mem>>
        tpu.enqueue_dma source(%arg5 : memref<32xf32, #tpu.memory_space<hbm>>) target(%arg15 : memref<32xf32, #tpu.memory_space<vmem>>) target_semaphore(%run_scoped3A_366 : memref<!tpu.dma_semaphore, #tpu.memory_space<semaphore_mem>>)
        tpu.wait_dma2 semaphore(%run_scoped3A_366 : memref<!tpu.dma_semaphore, #tpu.memory_space<semaphore_mem>>) src(%arg5 : memref<32xf32, #tpu.memory_space<hbm>>) dst(%arg15 : memref<32xf32, #tpu.memory_space<vmem>>)
        tpu.yield
      }) : () -> ()
      %scan3A_311 = arith.constant 0 : i32
      %scan3A_312 = arith.constant 0 : i32
      %scan3A_313 = arith.constant 256 : i32
      %scan3A_314 = arith.addi %scan3A_312, %scan3A_313 : i32
      %scan3A_315 = arith.constant 1 : i32
      scf.for %scan3A_366 = %scan3A_312 to %scan3A_314 step %scan3A_315  : i32 {
        %mul3A_367 = arith.constant 16 : i32
        %mul3A_368 = arith.muli %scan3A_366, %mul3A_367 : i32
        %get3A = arith.index_cast %mul3A_368 : i32 to index
        %get3A_369 = tpu.vector_load %arg12[%get3A] {strides = array<i32>} : memref<4096xf32, #tpu.memory_space<vmem>>, vector<16xf32>,
        %mul3A_370 = arith.constant 3.125000e-02 : f32
        %mul3A_371 = vector.broadcast %mul3A_370 : f32 to vector<16xf32>
        %mul3A_372 = arith.mulf %get3A_369, %mul3A_371 : vector<16xf32>
        %get3A_373 = arith.index_cast %mul3A_368 : i32 to index
        %get3A_374 = tpu.vector_load %arg13[%get3A_373] {strides = array<i32>} : memref<4096xf32, #tpu.memory_space<vmem>>, vector<16xf32>,
        %mul3A_375 = arith.constant 3.125000e-02 : f32
        %mul3A_376 = vector.broadcast %mul3A_375 : f32 to vector<16xf32>
        %mul3A_377 = arith.mulf %get3A_374, %mul3A_376 : vector<16xf32>
        %mul3A_378 = arith.mulf %mul3A_372, %mul3A_372 : vector<16xf32>
        %sub3A_379 = arith.subf %mul3A_377, %mul3A_378 : vector<16xf32>
        %swap3A = arith.index_cast %mul3A_368 : i32 to index
        %swap3A_380 = tpu.vector_load %arg12[%swap3A] {strides = array<i32>} : memref<4096xf32, #tpu.memory_space<vmem>>, vector<16xf32>,
        tpu.vector_store %arg12[%swap3A], %mul3A_372 {strides = array<i32>} : memref<4096xf32, #tpu.memory_space<vmem>>, vector<16xf32>,
        %add3A_381 = arith.constant 9.99999974E-6 : f32
        %add3A_382 = vector.broadcast %add3A_381 : f32 to vector<16xf32>
        %add3A_383 = arith.addf %sub3A_379, %add3A_382 : vector<16xf32>
        %bitcast3A = vector.bitcast %add3A_383 : vector<16xf32> to vector<16xi32>
        %shift_right_arithmetic3A = arith.constant 1 : i32
        %shift_right_arithmetic3A_384 = vector.broadcast %shift_right_arithmetic3A : i32 to vector<16xi32>
        %shift_right_arithmetic3A_385 = arith.shrsi %bitcast3A, %shift_right_arithmetic3A_384 : vector<16xi32>
        %sub3A_386 = arith.constant 1597463007 : i32
        %sub3A_387 = vector.broadcast %sub3A_386 : i32 to vector<16xi32>
        %sub3A_388 = arith.subi %sub3A_387, %shift_right_arithmetic3A_385 : vector<16xi32>
        %bitcast3A_389 = vector.bitcast %sub3A_388 : vector<16xi32> to vector<16xf32>
        %mul3A_390 = arith.constant 5.000000e-01 : f32
        %mul3A_391 = vector.broadcast %mul3A_390 : f32 to vector<16xf32>
        %mul3A_392 = arith.mulf %mul3A_391, %add3A_383 : vector<16xf32>
        %mul3A_393 = arith.mulf %mul3A_392, %bitcast3A_389 : vector<16xf32>
        %mul3A_394 = arith.mulf %mul3A_393, %bitcast3A_389 : vector<16xf32>
        %sub3A_395 = arith.constant 1.500000e+00 : f32
        %sub3A_396 = vector.broadcast %sub3A_395 : f32 to vector<16xf32>
        %sub3A_397 = arith.subf %sub3A_396, %mul3A_394 : vector<16xf32>
        %mul3A_398 = arith.mulf %bitcast3A_389, %sub3A_397 : vector<16xf32>
        %mul3A_399 = arith.constant 5.000000e-01 : f32
        %mul3A_400 = vector.broadcast %mul3A_399 : f32 to vector<16xf32>
        %mul3A_401 = arith.mulf %mul3A_400, %add3A_383 : vector<16xf32>
        %mul3A_402 = arith.mulf %mul3A_401, %mul3A_398 : vector<16xf32>
        %mul3A_403 = arith.mulf %mul3A_402, %mul3A_398 : vector<16xf32>
        %sub3A_404 = arith.constant 1.500000e+00 : f32
        %sub3A_405 = vector.broadcast %sub3A_404 : f32 to vector<16xf32>
        %sub3A_406 = arith.subf %sub3A_405, %mul3A_403 : vector<16xf32>
        %mul3A_407 = arith.mulf %mul3A_398, %sub3A_406 : vector<16xf32>
        %mul3A_408 = arith.constant 5.000000e-01 : f32
        %mul3A_409 = vector.broadcast %mul3A_408 : f32 to vector<16xf32>
        %mul3A_410 = arith.mulf %mul3A_409, %add3A_383 : vector<16xf32>
        %mul3A_411 = arith.mulf %mul3A_410, %mul3A_407 : vector<16xf32>
        %mul3A_412 = arith.mulf %mul3A_411, %mul3A_407 : vector<16xf32>
        %sub3A_413 = arith.constant 1.500000e+00 : f32
        %sub3A_414 = vector.broadcast %sub3A_413 : f32 to vector<16xf32>
        %sub3A_415 = arith.subf %sub3A_414, %mul3A_412 : vector<16xf32>
        %mul3A_416 = arith.mulf %mul3A_407, %sub3A_415 : vector<16xf32>
        %swap3A_417 = arith.index_cast %mul3A_368 : i32 to index
        %swap3A_418 = tpu.vector_load %arg13[%swap3A_417] {strides = array<i32>} : memref<4096xf32, #tpu.memory_space<vmem>>, vector<16xf32>,
        tpu.vector_store %arg13[%swap3A_417], %mul3A_416 {strides = array<i32>} : memref<4096xf32, #tpu.memory_space<vmem>>, vector<16xf32>,
      }
      %scan3A_316 = arith.constant 256 : i32
      %dma_start3A_317 = arith.constant 0 : i32
      %dma_start3A_318 = arith.constant 0 : i32
      %dma_start3A_319 = tpu.memref_slice %arg8[%dma_start3A_318] : memref<50048xf32, #tpu.memory_space<vmem>> -> memref<4096xf32, #tpu.memory_space<vmem>>
      %dma_start3A_320 = arith.constant 0 : i32
      %dma_start3A_321 = tpu.memref_slice %arg6[%add3A_135, %dma_start3A_317, %dma_start3A_320] : memref<26x32x4096xf32, #tpu.memory_space<hbm>> -> memref<1x1x4096xf32, #tpu.memory_space<hbm>>
      %dma_start3A_322 = tpu.memref_squeeze %dma_start3A_321 : memref<1x1x4096xf32, #tpu.memory_space<hbm>> -> memref<4096xf32, #tpu.memory_space<hbm>>
      %dma_start3A_323 = arith.constant 0 : i32
      %dma_start3A_324 = tpu.memref_slice %arg8[%dma_start3A_323] : memref<50048xf32, #tpu.memory_space<vmem>> -> memref<4096xf32, #tpu.memory_space<vmem>>
      %dma_start3A_325 = arith.constant 0 : i32
      %dma_start3A_326 = tpu.memref_slice %arg6[%add3A_135, %dma_start3A_317, %dma_start3A_325] : memref<26x32x4096xf32, #tpu.memory_space<hbm>> -> memref<1x1x4096xf32, #tpu.memory_space<hbm>>
      %dma_start3A_327 = tpu.memref_squeeze %dma_start3A_326 : memref<1x1x4096xf32, #tpu.memory_space<hbm>> -> memref<4096xf32, #tpu.memory_space<hbm>>
      tpu.enqueue_dma source(%dma_start3A_327 : memref<4096xf32, #tpu.memory_space<hbm>>) target(%dma_start3A_324 : memref<4096xf32, #tpu.memory_space<vmem>>) target_semaphore(%arg16 : memref<!tpu.dma_semaphore, #tpu.memory_space<semaphore_mem>>)
      %dma_start3A_328 = arith.constant 1 : i32
      %dma_start3A_329 = arith.constant 0 : i32
      %dma_start3A_330 = tpu.memref_slice %arg9[%dma_start3A_329] : memref<49952xf32, #tpu.memory_space<vmem>> -> memref<4096xf32, #tpu.memory_space<vmem>>
      %dma_start3A_331 = arith.constant 0 : i32
      %dma_start3A_332 = tpu.memref_slice %arg6[%add3A_135, %dma_start3A_328, %dma_start3A_331] : memref<26x32x4096xf32, #tpu.memory_space<hbm>> -> memref<1x1x4096xf32, #tpu.memory_space<hbm>>
      %dma_start3A_333 = tpu.memref_squeeze %dma_start3A_332 : memref<1x1x4096xf32, #tpu.memory_space<hbm>> -> memref<4096xf32, #tpu.memory_space<hbm>>
      %dma_start3A_334 = arith.constant 0 : i32
      %dma_start3A_335 = tpu.memref_slice %arg9[%dma_start3A_334] : memref<49952xf32, #tpu.memory_space<vmem>> -> memref<4096xf32, #tpu.memory_space<vmem>>
      %dma_start3A_336 = arith.constant 0 : i32
      %dma_start3A_337 = tpu.memref_slice %arg6[%add3A_135, %dma_start3A_328, %dma_start3A_336] : memref<26x32x4096xf32, #tpu.memory_space<hbm>> -> memref<1x1x4096xf32, #tpu.memory_space<hbm>>
      %dma_start3A_338 = tpu.memref_squeeze %dma_start3A_337 : memref<1x1x4096xf32, #tpu.memory_space<hbm>> -> memref<4096xf32, #tpu.memory_space<hbm>>
      tpu.enqueue_dma source(%dma_start3A_338 : memref<4096xf32, #tpu.memory_space<hbm>>) target(%dma_start3A_335 : memref<4096xf32, #tpu.memory_space<vmem>>) target_semaphore(%arg17 : memref<!tpu.dma_semaphore, #tpu.memory_space<semaphore_mem>>)
      %scan3A_339 = arith.constant 0 : i32
      %scan3A_340 = arith.constant 0 : i32
      %scan3A_341 = arith.constant 16 : i32
      %scan3A_342 = arith.addi %scan3A_340, %scan3A_341 : i32
      %scan3A_343 = arith.constant 1 : i32
      scf.for %scan3A_366 = %scan3A_340 to %scan3A_342 step %scan3A_343  : i32 {
        %mul3A_367 = arith.constant 2 : i32
        %mul3A_368 = arith.muli %scan3A_366, %mul3A_367 : i32
        %dma_wait3A_369 = arith.constant 0 : i32
        %dma_wait3A_370 = arith.constant 0 : i32
        %dma_wait3A_371 = tpu.memref_slice %arg8[%dma_wait3A_370] : memref<50048xf32, #tpu.memory_space<vmem>> -> memref<4096xf32, #tpu.memory_space<vmem>>
        %dma_wait3A_372 = arith.constant 0 : i32
        %dma_wait3A_373 = tpu.memref_slice %arg6[%add3A_135, %dma_wait3A_369, %dma_wait3A_372] : memref<26x32x4096xf32, #tpu.memory_space<hbm>> -> memref<1x1x4096xf32, #tpu.memory_space<hbm>>
        %dma_wait3A_374 = tpu.memref_squeeze %dma_wait3A_373 : memref<1x1x4096xf32, #tpu.memory_space<hbm>> -> memref<4096xf32, #tpu.memory_space<hbm>>
        %dma_wait3A_375 = arith.constant 0 : i32
        %dma_wait3A_376 = tpu.memref_slice %arg8[%dma_wait3A_375] : memref<50048xf32, #tpu.memory_space<vmem>> -> memref<4096xf32, #tpu.memory_space<vmem>>
        %dma_wait3A_377 = arith.constant 0 : i32
        %dma_wait3A_378 = tpu.memref_slice %arg6[%add3A_135, %dma_wait3A_369, %dma_wait3A_377] : memref<26x32x4096xf32, #tpu.memory_space<hbm>> -> memref<1x1x4096xf32, #tpu.memory_space<hbm>>
        %dma_wait3A_379 = tpu.memref_squeeze %dma_wait3A_378 : memref<1x1x4096xf32, #tpu.memory_space<hbm>> -> memref<4096xf32, #tpu.memory_space<hbm>>
        tpu.wait_dma2 semaphore(%arg16 : memref<!tpu.dma_semaphore, #tpu.memory_space<semaphore_mem>>) src(%dma_wait3A_379 : memref<4096xf32, #tpu.memory_space<hbm>>) dst(%dma_wait3A_376 : memref<4096xf32, #tpu.memory_space<vmem>>)
        %broadcast_in_dim3A_380 = arith.constant 0 : i32
        %broadcast_in_dim3A_381 = vector.broadcast %broadcast_in_dim3A_380 : i32 to vector<16xi32>
        %add3A_382 = vector.broadcast %mul3A_368 : i32 to vector<16xi32>
        %add3A_383 = arith.addi %broadcast_in_dim3A_381, %add3A_382 : vector<16xi32>
        %gather3A = tpu.vector_load_idx %arg14[%add3A_383] : memref<32xf32, #tpu.memory_space<vmem>>[vector<16xi32>], vector<16xf32>,
        %gather3A_384 = tpu.vector_load_idx %arg15[%add3A_383] : memref<32xf32, #tpu.memory_space<vmem>>[vector<16xi32>], vector<16xf32>,
        %scan3A_385 = arith.constant 0 : i32
        %scan3A_386 = arith.constant 0 : i32
        %scan3A_387 = arith.constant 64 : i32
        %scan3A_388 = arith.addi %scan3A_386, %scan3A_387 : i32
        %scan3A_389 = arith.constant 1 : i32
        scf.for %scan3A_443 = %scan3A_386 to %scan3A_388 step %scan3A_389  : i32 {
          %mul3A_444 = arith.constant 64 : i32
          %mul3A_445 = arith.muli %scan3A_443, %mul3A_444 : i32
          %add3A_446 = arith.constant 0 : i32
          %add3A_447 = arith.addi %mul3A_445, %add3A_446 : i32
          %get3A = arith.constant 0 : i32
          %get3A_448 = tpu.memref_slice %arg8[%get3A] : memref<50048xf32, #tpu.memory_space<vmem>> -> memref<4096xf32, #tpu.memory_space<vmem>>
          %get3A_449 = arith.index_cast %add3A_447 : i32 to index
          %get3A_450 = tpu.vector_load %get3A_448[%get3A_449] {strides = array<i32>} : memref<4096xf32, #tpu.memory_space<vmem>>, vector<16xf32>,
          %get3A_451 = arith.index_cast %add3A_447 : i32 to index
          %get3A_452 = tpu.vector_load %arg12[%get3A_451] {strides = array<i32>} : memref<4096xf32, #tpu.memory_space<vmem>>, vector<16xf32>,
          %sub3A_453 = arith.subf %get3A_450, %get3A_452 : vector<16xf32>
          %get3A_454 = arith.index_cast %add3A_447 : i32 to index
          %get3A_455 = tpu.vector_load %arg13[%get3A_454] {strides = array<i32>} : memref<4096xf32, #tpu.memory_space<vmem>>, vector<16xf32>,
          %mul3A_456 = arith.mulf %sub3A_453, %get3A_455 : vector<16xf32>
          %mul3A_457 = arith.mulf %mul3A_456, %gather3A : vector<16xf32>
          %add3A_458 = arith.addf %mul3A_457, %gather3A_384 : vector<16xf32>
          %swap3A = arith.constant 0 : i32
          %swap3A_459 = tpu.memref_slice %arg8[%swap3A] : memref<50048xf32, #tpu.memory_space<vmem>> -> memref<4096xf32, #tpu.memory_space<vmem>>
          %swap3A_460 = arith.index_cast %add3A_447 : i32 to index
          %swap3A_461 = tpu.vector_load %swap3A_459[%swap3A_460] {strides = array<i32>} : memref<4096xf32, #tpu.memory_space<vmem>>, vector<16xf32>,
          tpu.vector_store %swap3A_459[%swap3A_460], %add3A_458 {strides = array<i32>} : memref<4096xf32, #tpu.memory_space<vmem>>, vector<16xf32>,
          %mul3A_462 = arith.constant 64 : i32
          %mul3A_463 = arith.muli %scan3A_443, %mul3A_462 : i32
          %add3A_464 = arith.constant 16 : i32
          %add3A_465 = arith.addi %mul3A_463, %add3A_464 : i32
          %get3A_466 = arith.constant 0 : i32
          %get3A_467 = tpu.memref_slice %arg8[%get3A_466] : memref<50048xf32, #tpu.memory_space<vmem>> -> memref<4096xf32, #tpu.memory_space<vmem>>
          %get3A_468 = arith.index_cast %add3A_465 : i32 to index
          %get3A_469 = tpu.vector_load %get3A_467[%get3A_468] {strides = array<i32>} : memref<4096xf32, #tpu.memory_space<vmem>>, vector<16xf32>,
          %get3A_470 = arith.index_cast %add3A_465 : i32 to index
          %get3A_471 = tpu.vector_load %arg12[%get3A_470] {strides = array<i32>} : memref<4096xf32, #tpu.memory_space<vmem>>, vector<16xf32>,
          %sub3A_472 = arith.subf %get3A_469, %get3A_471 : vector<16xf32>
          %get3A_473 = arith.index_cast %add3A_465 : i32 to index
          %get3A_474 = tpu.vector_load %arg13[%get3A_473] {strides = array<i32>} : memref<4096xf32, #tpu.memory_space<vmem>>, vector<16xf32>,
          %mul3A_475 = arith.mulf %sub3A_472, %get3A_474 : vector<16xf32>
          %mul3A_476 = arith.mulf %mul3A_475, %gather3A : vector<16xf32>
          %add3A_477 = arith.addf %mul3A_476, %gather3A_384 : vector<16xf32>
          %swap3A_478 = arith.constant 0 : i32
          %swap3A_479 = tpu.memref_slice %arg8[%swap3A_478] : memref<50048xf32, #tpu.memory_space<vmem>> -> memref<4096xf32, #tpu.memory_space<vmem>>
          %swap3A_480 = arith.index_cast %add3A_465 : i32 to index
          %swap3A_481 = tpu.vector_load %swap3A_479[%swap3A_480] {strides = array<i32>} : memref<4096xf32, #tpu.memory_space<vmem>>, vector<16xf32>,
          tpu.vector_store %swap3A_479[%swap3A_480], %add3A_477 {strides = array<i32>} : memref<4096xf32, #tpu.memory_space<vmem>>, vector<16xf32>,
          %mul3A_482 = arith.constant 64 : i32
          %mul3A_483 = arith.muli %scan3A_443, %mul3A_482 : i32
          %add3A_484 = arith.constant 32 : i32
          %add3A_485 = arith.addi %mul3A_483, %add3A_484 : i32
          %get3A_486 = arith.constant 0 : i32
          %get3A_487 = tpu.memref_slice %arg8[%get3A_486] : memref<50048xf32, #tpu.memory_space<vmem>> -> memref<4096xf32, #tpu.memory_space<vmem>>
          %get3A_488 = arith.index_cast %add3A_485 : i32 to index
          %get3A_489 = tpu.vector_load %get3A_487[%get3A_488] {strides = array<i32>} : memref<4096xf32, #tpu.memory_space<vmem>>, vector<16xf32>,
          %get3A_490 = arith.index_cast %add3A_485 : i32 to index
          %get3A_491 = tpu.vector_load %arg12[%get3A_490] {strides = array<i32>} : memref<4096xf32, #tpu.memory_space<vmem>>, vector<16xf32>,
          %sub3A_492 = arith.subf %get3A_489, %get3A_491 : vector<16xf32>
          %get3A_493 = arith.index_cast %add3A_485 : i32 to index
          %get3A_494 = tpu.vector_load %arg13[%get3A_493] {strides = array<i32>} : memref<4096xf32, #tpu.memory_space<vmem>>, vector<16xf32>,
          %mul3A_495 = arith.mulf %sub3A_492, %get3A_494 : vector<16xf32>
          %mul3A_496 = arith.mulf %mul3A_495, %gather3A : vector<16xf32>
          %add3A_497 = arith.addf %mul3A_496, %gather3A_384 : vector<16xf32>
          %swap3A_498 = arith.constant 0 : i32
          %swap3A_499 = tpu.memref_slice %arg8[%swap3A_498] : memref<50048xf32, #tpu.memory_space<vmem>> -> memref<4096xf32, #tpu.memory_space<vmem>>
          %swap3A_500 = arith.index_cast %add3A_485 : i32 to index
          %swap3A_501 = tpu.vector_load %swap3A_499[%swap3A_500] {strides = array<i32>} : memref<4096xf32, #tpu.memory_space<vmem>>, vector<16xf32>,
          tpu.vector_store %swap3A_499[%swap3A_500], %add3A_497 {strides = array<i32>} : memref<4096xf32, #tpu.memory_space<vmem>>, vector<16xf32>,
          %mul3A_502 = arith.constant 64 : i32
          %mul3A_503 = arith.muli %scan3A_443, %mul3A_502 : i32
          %add3A_504 = arith.constant 48 : i32
          %add3A_505 = arith.addi %mul3A_503, %add3A_504 : i32
          %get3A_506 = arith.constant 0 : i32
          %get3A_507 = tpu.memref_slice %arg8[%get3A_506] : memref<50048xf32, #tpu.memory_space<vmem>> -> memref<4096xf32, #tpu.memory_space<vmem>>
          %get3A_508 = arith.index_cast %add3A_505 : i32 to index
          %get3A_509 = tpu.vector_load %get3A_507[%get3A_508] {strides = array<i32>} : memref<4096xf32, #tpu.memory_space<vmem>>, vector<16xf32>,
          %get3A_510 = arith.index_cast %add3A_505 : i32 to index
          %get3A_511 = tpu.vector_load %arg12[%get3A_510] {strides = array<i32>} : memref<4096xf32, #tpu.memory_space<vmem>>, vector<16xf32>,
          %sub3A_512 = arith.subf %get3A_509, %get3A_511 : vector<16xf32>
          %get3A_513 = arith.index_cast %add3A_505 : i32 to index
          %get3A_514 = tpu.vector_load %arg13[%get3A_513] {strides = array<i32>} : memref<4096xf32, #tpu.memory_space<vmem>>, vector<16xf32>,
          %mul3A_515 = arith.mulf %sub3A_512, %get3A_514 : vector<16xf32>
          %mul3A_516 = arith.mulf %mul3A_515, %gather3A : vector<16xf32>
          %add3A_517 = arith.addf %mul3A_516, %gather3A_384 : vector<16xf32>
          %swap3A_518 = arith.constant 0 : i32
          %swap3A_519 = tpu.memref_slice %arg8[%swap3A_518] : memref<50048xf32, #tpu.memory_space<vmem>> -> memref<4096xf32, #tpu.memory_space<vmem>>
          %swap3A_520 = arith.index_cast %add3A_505 : i32 to index
          %swap3A_521 = tpu.vector_load %swap3A_519[%swap3A_520] {strides = array<i32>} : memref<4096xf32, #tpu.memory_space<vmem>>, vector<16xf32>,
          tpu.vector_store %swap3A_519[%swap3A_520], %add3A_517 {strides = array<i32>} : memref<4096xf32, #tpu.memory_space<vmem>>, vector<16xf32>,
        }
        %scan3A_390 = arith.constant 64 : i32
        %dma_start3A_391 = arith.constant 0 : i32
        %dma_start3A_392 = tpu.memref_slice %arg8[%dma_start3A_391] : memref<50048xf32, #tpu.memory_space<vmem>> -> memref<4096xf32, #tpu.memory_space<vmem>>
        %dma_start3A_393 = arith.constant 0 : i32
        %dma_start3A_394 = tpu.memref_slice %arg6[%add3A_135, %mul3A_368, %dma_start3A_393] : memref<26x32x4096xf32, #tpu.memory_space<hbm>> -> memref<1x1x4096xf32, #tpu.memory_space<hbm>>
        %dma_start3A_395 = tpu.memref_squeeze %dma_start3A_394 : memref<1x1x4096xf32, #tpu.memory_space<hbm>> -> memref<4096xf32, #tpu.memory_space<hbm>>
        %dma_start3A_396 = arith.constant 0 : i32
        %dma_start3A_397 = tpu.memref_slice %arg6[%add3A_135, %mul3A_368, %dma_start3A_396] : memref<26x32x4096xf32, #tpu.memory_space<hbm>> -> memref<1x1x4096xf32, #tpu.memory_space<hbm>>
        %dma_start3A_398 = tpu.memref_squeeze %dma_start3A_397 : memref<1x1x4096xf32, #tpu.memory_space<hbm>> -> memref<4096xf32, #tpu.memory_space<hbm>>
        %dma_start3A_399 = arith.constant 0 : i32
        %dma_start3A_400 = tpu.memref_slice %arg8[%dma_start3A_399] : memref<50048xf32, #tpu.memory_space<vmem>> -> memref<4096xf32, #tpu.memory_space<vmem>>
        tpu.enqueue_dma source(%dma_start3A_400 : memref<4096xf32, #tpu.memory_space<vmem>>) target(%dma_start3A_398 : memref<4096xf32, #tpu.memory_space<hbm>>) target_semaphore(%arg16 : memref<!tpu.dma_semaphore, #tpu.memory_space<semaphore_mem>>)
        %dma_wait3A_401 = arith.constant 0 : i32
        %dma_wait3A_402 = arith.constant 0 : i32
        %dma_wait3A_403 = tpu.memref_slice %arg9[%dma_wait3A_402] : memref<49952xf32, #tpu.memory_space<vmem>> -> memref<4096xf32, #tpu.memory_space<vmem>>
        %dma_wait3A_404 = arith.constant 0 : i32
        %dma_wait3A_405 = tpu.memref_slice %arg6[%add3A_135, %dma_wait3A_401, %dma_wait3A_404] : memref<26x32x4096xf32, #tpu.memory_space<hbm>> -> memref<1x1x4096xf32, #tpu.memory_space<hbm>>
        %dma_wait3A_406 = tpu.memref_squeeze %dma_wait3A_405 : memref<1x1x4096xf32, #tpu.memory_space<hbm>> -> memref<4096xf32, #tpu.memory_space<hbm>>
        %dma_wait3A_407 = arith.constant 0 : i32
        %dma_wait3A_408 = tpu.memref_slice %arg9[%dma_wait3A_407] : memref<49952xf32, #tpu.memory_space<vmem>> -> memref<4096xf32, #tpu.memory_space<vmem>>
        %dma_wait3A_409 = arith.constant 0 : i32
        %dma_wait3A_410 = tpu.memref_slice %arg6[%add3A_135, %dma_wait3A_401, %dma_wait3A_409] : memref<26x32x4096xf32, #tpu.memory_space<hbm>> -> memref<1x1x4096xf32, #tpu.memory_space<hbm>>
        %dma_wait3A_411 = tpu.memref_squeeze %dma_wait3A_410 : memref<1x1x4096xf32, #tpu.memory_space<hbm>> -> memref<4096xf32, #tpu.memory_space<hbm>>
        tpu.wait_dma2 semaphore(%arg17 : memref<!tpu.dma_semaphore, #tpu.memory_space<semaphore_mem>>) src(%dma_wait3A_411 : memref<4096xf32, #tpu.memory_space<hbm>>) dst(%dma_wait3A_408 : memref<4096xf32, #tpu.memory_space<vmem>>)
        %add3A_412 = arith.constant 1 : i32
        %add3A_413 = arith.addi %mul3A_368, %add3A_412 : i32
        %broadcast_in_dim3A_414 = arith.constant 0 : i32
        %broadcast_in_dim3A_415 = vector.broadcast %broadcast_in_dim3A_414 : i32 to vector<16xi32>
        %add3A_416 = vector.broadcast %add3A_413 : i32 to vector<16xi32>
        %add3A_417 = arith.addi %broadcast_in_dim3A_415, %add3A_416 : vector<16xi32>
        %gather3A_418 = tpu.vector_load_idx %arg14[%add3A_417] : memref<32xf32, #tpu.memory_space<vmem>>[vector<16xi32>], vector<16xf32>,
        %gather3A_419 = tpu.vector_load_idx %arg15[%add3A_417] : memref<32xf32, #tpu.memory_space<vmem>>[vector<16xi32>], vector<16xf32>,
        %scan3A_420 = arith.constant 0 : i32
        %scan3A_421 = arith.constant 0 : i32
        %scan3A_422 = arith.constant 64 : i32
        %scan3A_423 = arith.addi %scan3A_421, %scan3A_422 : i32
        %scan3A_424 = arith.constant 1 : i32
        scf.for %scan3A_443 = %scan3A_421 to %scan3A_423 step %scan3A_424  : i32 {
          %mul3A_444 = arith.constant 64 : i32
          %mul3A_445 = arith.muli %scan3A_443, %mul3A_444 : i32
          %add3A_446 = arith.constant 0 : i32
          %add3A_447 = arith.addi %mul3A_445, %add3A_446 : i32
          %get3A = arith.constant 0 : i32
          %get3A_448 = tpu.memref_slice %arg9[%get3A] : memref<49952xf32, #tpu.memory_space<vmem>> -> memref<4096xf32, #tpu.memory_space<vmem>>
          %get3A_449 = arith.index_cast %add3A_447 : i32 to index
          %get3A_450 = tpu.vector_load %get3A_448[%get3A_449] {strides = array<i32>} : memref<4096xf32, #tpu.memory_space<vmem>>, vector<16xf32>,
          %get3A_451 = arith.index_cast %add3A_447 : i32 to index
          %get3A_452 = tpu.vector_load %arg12[%get3A_451] {strides = array<i32>} : memref<4096xf32, #tpu.memory_space<vmem>>, vector<16xf32>,
          %sub3A_453 = arith.subf %get3A_450, %get3A_452 : vector<16xf32>
          %get3A_454 = arith.index_cast %add3A_447 : i32 to index
          %get3A_455 = tpu.vector_load %arg13[%get3A_454] {strides = array<i32>} : memref<4096xf32, #tpu.memory_space<vmem>>, vector<16xf32>,
          %mul3A_456 = arith.mulf %sub3A_453, %get3A_455 : vector<16xf32>
          %mul3A_457 = arith.mulf %mul3A_456, %gather3A_418 : vector<16xf32>
          %add3A_458 = arith.addf %mul3A_457, %gather3A_419 : vector<16xf32>
          %swap3A = arith.constant 0 : i32
          %swap3A_459 = tpu.memref_slice %arg9[%swap3A] : memref<49952xf32, #tpu.memory_space<vmem>> -> memref<4096xf32, #tpu.memory_space<vmem>>
          %swap3A_460 = arith.index_cast %add3A_447 : i32 to index
          %swap3A_461 = tpu.vector_load %swap3A_459[%swap3A_460] {strides = array<i32>} : memref<4096xf32, #tpu.memory_space<vmem>>, vector<16xf32>,
          tpu.vector_store %swap3A_459[%swap3A_460], %add3A_458 {strides = array<i32>} : memref<4096xf32, #tpu.memory_space<vmem>>, vector<16xf32>,
          %mul3A_462 = arith.constant 64 : i32
          %mul3A_463 = arith.muli %scan3A_443, %mul3A_462 : i32
          %add3A_464 = arith.constant 16 : i32
          %add3A_465 = arith.addi %mul3A_463, %add3A_464 : i32
          %get3A_466 = arith.constant 0 : i32
          %get3A_467 = tpu.memref_slice %arg9[%get3A_466] : memref<49952xf32, #tpu.memory_space<vmem>> -> memref<4096xf32, #tpu.memory_space<vmem>>
          %get3A_468 = arith.index_cast %add3A_465 : i32 to index
          %get3A_469 = tpu.vector_load %get3A_467[%get3A_468] {strides = array<i32>} : memref<4096xf32, #tpu.memory_space<vmem>>, vector<16xf32>,
          %get3A_470 = arith.index_cast %add3A_465 : i32 to index
          %get3A_471 = tpu.vector_load %arg12[%get3A_470] {strides = array<i32>} : memref<4096xf32, #tpu.memory_space<vmem>>, vector<16xf32>,
          %sub3A_472 = arith.subf %get3A_469, %get3A_471 : vector<16xf32>
          %get3A_473 = arith.index_cast %add3A_465 : i32 to index
          %get3A_474 = tpu.vector_load %arg13[%get3A_473] {strides = array<i32>} : memref<4096xf32, #tpu.memory_space<vmem>>, vector<16xf32>,
          %mul3A_475 = arith.mulf %sub3A_472, %get3A_474 : vector<16xf32>
          %mul3A_476 = arith.mulf %mul3A_475, %gather3A_418 : vector<16xf32>
          %add3A_477 = arith.addf %mul3A_476, %gather3A_419 : vector<16xf32>
          %swap3A_478 = arith.constant 0 : i32
          %swap3A_479 = tpu.memref_slice %arg9[%swap3A_478] : memref<49952xf32, #tpu.memory_space<vmem>> -> memref<4096xf32, #tpu.memory_space<vmem>>
          %swap3A_480 = arith.index_cast %add3A_465 : i32 to index
          %swap3A_481 = tpu.vector_load %swap3A_479[%swap3A_480] {strides = array<i32>} : memref<4096xf32, #tpu.memory_space<vmem>>, vector<16xf32>,
          tpu.vector_store %swap3A_479[%swap3A_480], %add3A_477 {strides = array<i32>} : memref<4096xf32, #tpu.memory_space<vmem>>, vector<16xf32>,
          %mul3A_482 = arith.constant 64 : i32
          %mul3A_483 = arith.muli %scan3A_443, %mul3A_482 : i32
          %add3A_484 = arith.constant 32 : i32
          %add3A_485 = arith.addi %mul3A_483, %add3A_484 : i32
          %get3A_486 = arith.constant 0 : i32
          %get3A_487 = tpu.memref_slice %arg9[%get3A_486] : memref<49952xf32, #tpu.memory_space<vmem>> -> memref<4096xf32, #tpu.memory_space<vmem>>
          %get3A_488 = arith.index_cast %add3A_485 : i32 to index
          %get3A_489 = tpu.vector_load %get3A_487[%get3A_488] {strides = array<i32>} : memref<4096xf32, #tpu.memory_space<vmem>>, vector<16xf32>,
          %get3A_490 = arith.index_cast %add3A_485 : i32 to index
          %get3A_491 = tpu.vector_load %arg12[%get3A_490] {strides = array<i32>} : memref<4096xf32, #tpu.memory_space<vmem>>, vector<16xf32>,
          %sub3A_492 = arith.subf %get3A_489, %get3A_491 : vector<16xf32>
          %get3A_493 = arith.index_cast %add3A_485 : i32 to index
          %get3A_494 = tpu.vector_load %arg13[%get3A_493] {strides = array<i32>} : memref<4096xf32, #tpu.memory_space<vmem>>, vector<16xf32>,
          %mul3A_495 = arith.mulf %sub3A_492, %get3A_494 : vector<16xf32>
          %mul3A_496 = arith.mulf %mul3A_495, %gather3A_418 : vector<16xf32>
          %add3A_497 = arith.addf %mul3A_496, %gather3A_419 : vector<16xf32>
          %swap3A_498 = arith.constant 0 : i32
          %swap3A_499 = tpu.memref_slice %arg9[%swap3A_498] : memref<49952xf32, #tpu.memory_space<vmem>> -> memref<4096xf32, #tpu.memory_space<vmem>>
          %swap3A_500 = arith.index_cast %add3A_485 : i32 to index
          %swap3A_501 = tpu.vector_load %swap3A_499[%swap3A_500] {strides = array<i32>} : memref<4096xf32, #tpu.memory_space<vmem>>, vector<16xf32>,
          tpu.vector_store %swap3A_499[%swap3A_500], %add3A_497 {strides = array<i32>} : memref<4096xf32, #tpu.memory_space<vmem>>, vector<16xf32>,
          %mul3A_502 = arith.constant 64 : i32
          %mul3A_503 = arith.muli %scan3A_443, %mul3A_502 : i32
          %add3A_504 = arith.constant 48 : i32
          %add3A_505 = arith.addi %mul3A_503, %add3A_504 : i32
          %get3A_506 = arith.constant 0 : i32
          %get3A_507 = tpu.memref_slice %arg9[%get3A_506] : memref<49952xf32, #tpu.memory_space<vmem>> -> memref<4096xf32, #tpu.memory_space<vmem>>
          %get3A_508 = arith.index_cast %add3A_505 : i32 to index
          %get3A_509 = tpu.vector_load %get3A_507[%get3A_508] {strides = array<i32>} : memref<4096xf32, #tpu.memory_space<vmem>>, vector<16xf32>,
          %get3A_510 = arith.index_cast %add3A_505 : i32 to index
          %get3A_511 = tpu.vector_load %arg12[%get3A_510] {strides = array<i32>} : memref<4096xf32, #tpu.memory_space<vmem>>, vector<16xf32>,
          %sub3A_512 = arith.subf %get3A_509, %get3A_511 : vector<16xf32>
          %get3A_513 = arith.index_cast %add3A_505 : i32 to index
          %get3A_514 = tpu.vector_load %arg13[%get3A_513] {strides = array<i32>} : memref<4096xf32, #tpu.memory_space<vmem>>, vector<16xf32>,
          %mul3A_515 = arith.mulf %sub3A_512, %get3A_514 : vector<16xf32>
          %mul3A_516 = arith.mulf %mul3A_515, %gather3A_418 : vector<16xf32>
          %add3A_517 = arith.addf %mul3A_516, %gather3A_419 : vector<16xf32>
          %swap3A_518 = arith.constant 0 : i32
          %swap3A_519 = tpu.memref_slice %arg9[%swap3A_518] : memref<49952xf32, #tpu.memory_space<vmem>> -> memref<4096xf32, #tpu.memory_space<vmem>>
          %swap3A_520 = arith.index_cast %add3A_505 : i32 to index
          %swap3A_521 = tpu.vector_load %swap3A_519[%swap3A_520] {strides = array<i32>} : memref<4096xf32, #tpu.memory_space<vmem>>, vector<16xf32>,
          tpu.vector_store %swap3A_519[%swap3A_520], %add3A_517 {strides = array<i32>} : memref<4096xf32, #tpu.memory_space<vmem>>, vector<16xf32>,
        }
        %scan3A_425 = arith.constant 64 : i32
        %add3A_426 = arith.constant 1 : i32
        %add3A_427 = arith.addi %mul3A_368, %add3A_426 : i32
        %dma_start3A_428 = arith.constant 0 : i32
        %dma_start3A_429 = tpu.memref_slice %arg9[%dma_start3A_428] : memref<49952xf32, #tpu.memory_space<vmem>> -> memref<4096xf32, #tpu.memory_space<vmem>>
        %dma_start3A_430 = arith.constant 0 : i32
        %dma_start3A_431 = tpu.memref_slice %arg6[%add3A_135, %add3A_427, %dma_start3A_430] : memref<26x32x4096xf32, #tpu.memory_space<hbm>> -> memref<1x1x4096xf32, #tpu.memory_space<hbm>>
        %dma_start3A_432 = tpu.memref_squeeze %dma_start3A_431 : memref<1x1x4096xf32, #tpu.memory_space<hbm>> -> memref<4096xf32, #tpu.memory_space<hbm>>
        %dma_start3A_433 = arith.constant 0 : i32
        %dma_start3A_434 = tpu.memref_slice %arg6[%add3A_135, %add3A_427, %dma_start3A_433] : memref<26x32x4096xf32, #tpu.memory_space<hbm>> -> memref<1x1x4096xf32, #tpu.memory_space<hbm>>
        %dma_start3A_435 = tpu.memref_squeeze %dma_start3A_434 : memref<1x1x4096xf32, #tpu.memory_space<hbm>> -> memref<4096xf32, #tpu.memory_space<hbm>>
        %dma_start3A_436 = arith.constant 0 : i32
        %dma_start3A_437 = tpu.memref_slice %arg9[%dma_start3A_436] : memref<49952xf32, #tpu.memory_space<vmem>> -> memref<4096xf32, #tpu.memory_space<vmem>>
        tpu.enqueue_dma source(%dma_start3A_437 : memref<4096xf32, #tpu.memory_space<vmem>>) target(%dma_start3A_435 : memref<4096xf32, #tpu.memory_space<hbm>>) target_semaphore(%arg17 : memref<!tpu.dma_semaphore, #tpu.memory_space<semaphore_mem>>)
        %lt3A_438 = arith.constant 15 : i32
        %lt3A_439 = arith.cmpi slt, %scan3A_366, %lt3A_438 : i32
        %convert_element_type3A_440 = arith.extui %lt3A_439 : i1 to i32
        %cond3A_441 = arith.constant 0 : i32
        %cond3A_442 = arith.cmpi ne, %convert_element_type3A_440, %cond3A_441 : i32
        scf.if %cond3A_442 {
          %dma_wait3A_443 = arith.constant 0 : i32
          %dma_wait3A_444 = arith.constant 0 : i32
          %dma_wait3A_445 = tpu.memref_slice %arg8[%dma_wait3A_444] : memref<50048xf32, #tpu.memory_space<vmem>> -> memref<4096xf32, #tpu.memory_space<vmem>>
          %dma_wait3A_446 = arith.constant 0 : i32
          %dma_wait3A_447 = tpu.memref_slice %arg6[%add3A_135, %dma_wait3A_443, %dma_wait3A_446] : memref<26x32x4096xf32, #tpu.memory_space<hbm>> -> memref<1x1x4096xf32, #tpu.memory_space<hbm>>
          %dma_wait3A_448 = tpu.memref_squeeze %dma_wait3A_447 : memref<1x1x4096xf32, #tpu.memory_space<hbm>> -> memref<4096xf32, #tpu.memory_space<hbm>>
          %dma_wait3A_449 = arith.constant 0 : i32
          %dma_wait3A_450 = tpu.memref_slice %arg8[%dma_wait3A_449] : memref<50048xf32, #tpu.memory_space<vmem>> -> memref<4096xf32, #tpu.memory_space<vmem>>
          %dma_wait3A_451 = arith.constant 0 : i32
          %dma_wait3A_452 = tpu.memref_slice %arg6[%add3A_135, %dma_wait3A_443, %dma_wait3A_451] : memref<26x32x4096xf32, #tpu.memory_space<hbm>> -> memref<1x1x4096xf32, #tpu.memory_space<hbm>>
          %dma_wait3A_453 = tpu.memref_squeeze %dma_wait3A_452 : memref<1x1x4096xf32, #tpu.memory_space<hbm>> -> memref<4096xf32, #tpu.memory_space<hbm>>
          tpu.wait_dma2 semaphore(%arg16 : memref<!tpu.dma_semaphore, #tpu.memory_space<semaphore_mem>>) src(%dma_wait3A_453 : memref<4096xf32, #tpu.memory_space<hbm>>) dst(%dma_wait3A_450 : memref<4096xf32, #tpu.memory_space<vmem>>)
          %add3A_454 = arith.constant 2 : i32
          %add3A_455 = arith.addi %mul3A_368, %add3A_454 : i32
          %dma_start3A_456 = arith.constant 0 : i32
          %dma_start3A_457 = tpu.memref_slice %arg8[%dma_start3A_456] : memref<50048xf32, #tpu.memory_space<vmem>> -> memref<4096xf32, #tpu.memory_space<vmem>>
          %dma_start3A_458 = arith.constant 0 : i32
          %dma_start3A_459 = tpu.memref_slice %arg6[%add3A_135, %add3A_455, %dma_start3A_458] : memref<26x32x4096xf32, #tpu.memory_space<hbm>> -> memref<1x1x4096xf32, #tpu.memory_space<hbm>>
          %dma_start3A_460 = tpu.memref_squeeze %dma_start3A_459 : memref<1x1x4096xf32, #tpu.memory_space<hbm>> -> memref<4096xf32, #tpu.memory_space<hbm>>
          %dma_start3A_461 = arith.constant 0 : i32
          %dma_start3A_462 = tpu.memref_slice %arg8[%dma_start3A_461] : memref<50048xf32, #tpu.memory_space<vmem>> -> memref<4096xf32, #tpu.memory_space<vmem>>
          %dma_start3A_463 = arith.constant 0 : i32
          %dma_start3A_464 = tpu.memref_slice %arg6[%add3A_135, %add3A_455, %dma_start3A_463] : memref<26x32x4096xf32, #tpu.memory_space<hbm>> -> memref<1x1x4096xf32, #tpu.memory_space<hbm>>
          %dma_start3A_465 = tpu.memref_squeeze %dma_start3A_464 : memref<1x1x4096xf32, #tpu.memory_space<hbm>> -> memref<4096xf32, #tpu.memory_space<hbm>>
          tpu.enqueue_dma source(%dma_start3A_465 : memref<4096xf32, #tpu.memory_space<hbm>>) target(%dma_start3A_462 : memref<4096xf32, #tpu.memory_space<vmem>>) target_semaphore(%arg16 : memref<!tpu.dma_semaphore, #tpu.memory_space<semaphore_mem>>)
          %dma_wait3A_466 = arith.constant 0 : i32
          %dma_wait3A_467 = arith.constant 0 : i32
          %dma_wait3A_468 = tpu.memref_slice %arg9[%dma_wait3A_467] : memref<49952xf32, #tpu.memory_space<vmem>> -> memref<4096xf32, #tpu.memory_space<vmem>>
          %dma_wait3A_469 = arith.constant 0 : i32
          %dma_wait3A_470 = tpu.memref_slice %arg6[%add3A_135, %dma_wait3A_466, %dma_wait3A_469] : memref<26x32x4096xf32, #tpu.memory_space<hbm>> -> memref<1x1x4096xf32, #tpu.memory_space<hbm>>
          %dma_wait3A_471 = tpu.memref_squeeze %dma_wait3A_470 : memref<1x1x4096xf32, #tpu.memory_space<hbm>> -> memref<4096xf32, #tpu.memory_space<hbm>>
          %dma_wait3A_472 = arith.constant 0 : i32
          %dma_wait3A_473 = tpu.memref_slice %arg9[%dma_wait3A_472] : memref<49952xf32, #tpu.memory_space<vmem>> -> memref<4096xf32, #tpu.memory_space<vmem>>
          %dma_wait3A_474 = arith.constant 0 : i32
          %dma_wait3A_475 = tpu.memref_slice %arg6[%add3A_135, %dma_wait3A_466, %dma_wait3A_474] : memref<26x32x4096xf32, #tpu.memory_space<hbm>> -> memref<1x1x4096xf32, #tpu.memory_space<hbm>>
          %dma_wait3A_476 = tpu.memref_squeeze %dma_wait3A_475 : memref<1x1x4096xf32, #tpu.memory_space<hbm>> -> memref<4096xf32, #tpu.memory_space<hbm>>
          tpu.wait_dma2 semaphore(%arg17 : memref<!tpu.dma_semaphore, #tpu.memory_space<semaphore_mem>>) src(%dma_wait3A_476 : memref<4096xf32, #tpu.memory_space<hbm>>) dst(%dma_wait3A_473 : memref<4096xf32, #tpu.memory_space<vmem>>)
          %add3A_477 = arith.constant 3 : i32
          %add3A_478 = arith.addi %mul3A_368, %add3A_477 : i32
          %dma_start3A_479 = arith.constant 0 : i32
          %dma_start3A_480 = tpu.memref_slice %arg9[%dma_start3A_479] : memref<49952xf32, #tpu.memory_space<vmem>> -> memref<4096xf32, #tpu.memory_space<vmem>>
          %dma_start3A_481 = arith.constant 0 : i32
          %dma_start3A_482 = tpu.memref_slice %arg6[%add3A_135, %add3A_478, %dma_start3A_481] : memref<26x32x4096xf32, #tpu.memory_space<hbm>> -> memref<1x1x4096xf32, #tpu.memory_space<hbm>>
          %dma_start3A_483 = tpu.memref_squeeze %dma_start3A_482 : memref<1x1x4096xf32, #tpu.memory_space<hbm>> -> memref<4096xf32, #tpu.memory_space<hbm>>
          %dma_start3A_484 = arith.constant 0 : i32
          %dma_start3A_485 = tpu.memref_slice %arg9[%dma_start3A_484] : memref<49952xf32, #tpu.memory_space<vmem>> -> memref<4096xf32, #tpu.memory_space<vmem>>
          %dma_start3A_486 = arith.constant 0 : i32
          %dma_start3A_487 = tpu.memref_slice %arg6[%add3A_135, %add3A_478, %dma_start3A_486] : memref<26x32x4096xf32, #tpu.memory_space<hbm>> -> memref<1x1x4096xf32, #tpu.memory_space<hbm>>
          %dma_start3A_488 = tpu.memref_squeeze %dma_start3A_487 : memref<1x1x4096xf32, #tpu.memory_space<hbm>> -> memref<4096xf32, #tpu.memory_space<hbm>>
          tpu.enqueue_dma source(%dma_start3A_488 : memref<4096xf32, #tpu.memory_space<hbm>>) target(%dma_start3A_485 : memref<4096xf32, #tpu.memory_space<vmem>>) target_semaphore(%arg17 : memref<!tpu.dma_semaphore, #tpu.memory_space<semaphore_mem>>)
        } else {
        }
      }
      %scan3A_344 = arith.constant 16 : i32
      %dma_wait3A = arith.constant 0 : i32
      %dma_wait3A_345 = arith.constant 0 : i32
      %dma_wait3A_346 = tpu.memref_slice %arg8[%dma_wait3A_345] : memref<50048xf32, #tpu.memory_space<vmem>> -> memref<4096xf32, #tpu.memory_space<vmem>>
      %dma_wait3A_347 = arith.constant 0 : i32
      %dma_wait3A_348 = tpu.memref_slice %arg6[%add3A_135, %dma_wait3A, %dma_wait3A_347] : memref<26x32x4096xf32, #tpu.memory_space<hbm>> -> memref<1x1x4096xf32, #tpu.memory_space<hbm>>
      %dma_wait3A_349 = tpu.memref_squeeze %dma_wait3A_348 : memref<1x1x4096xf32, #tpu.memory_space<hbm>> -> memref<4096xf32, #tpu.memory_space<hbm>>
      %dma_wait3A_350 = arith.constant 0 : i32
      %dma_wait3A_351 = tpu.memref_slice %arg8[%dma_wait3A_350] : memref<50048xf32, #tpu.memory_space<vmem>> -> memref<4096xf32, #tpu.memory_space<vmem>>
      %dma_wait3A_352 = arith.constant 0 : i32
      %dma_wait3A_353 = tpu.memref_slice %arg6[%add3A_135, %dma_wait3A, %dma_wait3A_352] : memref<26x32x4096xf32, #tpu.memory_space<hbm>> -> memref<1x1x4096xf32, #tpu.memory_space<hbm>>
      %dma_wait3A_354 = tpu.memref_squeeze %dma_wait3A_353 : memref<1x1x4096xf32, #tpu.memory_space<hbm>> -> memref<4096xf32, #tpu.memory_space<hbm>>
      tpu.wait_dma2 semaphore(%arg16 : memref<!tpu.dma_semaphore, #tpu.memory_space<semaphore_mem>>) src(%dma_wait3A_354 : memref<4096xf32, #tpu.memory_space<hbm>>) dst(%dma_wait3A_351 : memref<4096xf32, #tpu.memory_space<vmem>>)
      %dma_wait3A_355 = arith.constant 0 : i32
      %dma_wait3A_356 = arith.constant 0 : i32
      %dma_wait3A_357 = tpu.memref_slice %arg9[%dma_wait3A_356] : memref<49952xf32, #tpu.memory_space<vmem>> -> memref<4096xf32, #tpu.memory_space<vmem>>
      %dma_wait3A_358 = arith.constant 0 : i32
      %dma_wait3A_359 = tpu.memref_slice %arg6[%add3A_135, %dma_wait3A_355, %dma_wait3A_358] : memref<26x32x4096xf32, #tpu.memory_space<hbm>> -> memref<1x1x4096xf32, #tpu.memory_space<hbm>>
      %dma_wait3A_360 = tpu.memref_squeeze %dma_wait3A_359 : memref<1x1x4096xf32, #tpu.memory_space<hbm>> -> memref<4096xf32, #tpu.memory_space<hbm>>
      %dma_wait3A_361 = arith.constant 0 : i32
      %dma_wait3A_362 = tpu.memref_slice %arg9[%dma_wait3A_361] : memref<49952xf32, #tpu.memory_space<vmem>> -> memref<4096xf32, #tpu.memory_space<vmem>>
      %dma_wait3A_363 = arith.constant 0 : i32
      %dma_wait3A_364 = tpu.memref_slice %arg6[%add3A_135, %dma_wait3A_355, %dma_wait3A_363] : memref<26x32x4096xf32, #tpu.memory_space<hbm>> -> memref<1x1x4096xf32, #tpu.memory_space<hbm>>
      %dma_wait3A_365 = tpu.memref_squeeze %dma_wait3A_364 : memref<1x1x4096xf32, #tpu.memory_space<hbm>> -> memref<4096xf32, #tpu.memory_space<hbm>>
      tpu.wait_dma2 semaphore(%arg17 : memref<!tpu.dma_semaphore, #tpu.memory_space<semaphore_mem>>) src(%dma_wait3A_365 : memref<4096xf32, #tpu.memory_space<hbm>>) dst(%dma_wait3A_362 : memref<4096xf32, #tpu.memory_space<vmem>>)
    } else {
    }
    return
  }
}

</mosaic_0001>

<sc_bundles>
// kernel: kernel.3.cloned.1.call-start
scs
__scs_entry_jumppad:
0x0: {  	(pc) =	sbr.rel $0x88, $3  }
0x1: {  	(tag) =	ssettag $0x0;
	lr =	simm.s32 $0x1  }
0x2: {  	[smem:$0x3F9D] =	sst lr;
	_ =	strace $0xD0000000  }
0x3: {  	_ = 	snop  }
0x4: {  	_ = 	snop  }
0x5: {  	_ = 	snop  }
0x6: {  	_ = 	snop  }
0x7: {  	_ = 	snop  }
__scs_overlays_trampoline_lowered:
0x8: {  	[smem:$0x3FAC] =	sst s0  }
0x9: {  	[smem:$0x3FAD] =	sst s1  }
0xa: {  	[smem:$0x3FAE] =	sst s2  }
0xb: {  	[smem:$0x3FAF] =	sst s3  }
0xc: {  	[smem:$0x3FB0] =	sst s4  }
0xd: {  	[smem:$0x3FB1] =	sst s5  }
0xe: {  	[smem:$0x3FB2] =	sst s6  }
0xf: {  	[smem:$0x3FB3] =	sst s7  }
0x10: {  	[smem:$0x3FB4] =	sst s8  }
0x11: {  	[smem:$0x3FB5] =	sst s9;
	s0 =	simm.s32 @!p0 $0x0  }
0x12: {  	s1 =	sld [smem:$0x3F9B];
	s0 =	simm.s32 @p0 $0x1  }
0x13: {  	[smem:$0x3FB6] =	sst s0;
	s0 =	simm.s32 @!p1 $0x0  }
0x14: {  	s2 =	sld [smem:$0x3F9A];
	s0 =	simm.s32 @p1 $0x1  }
0x15: {  	[smem:$0x3FB7] =	sst s0;
	s0 =	simm.s32 @!p2 $0x0  }
0x16: {  	s3 =	sld [smem:$0x3FDB];
	s0 =	simm.s32 @p2 $0x1  }
0x17: {  	s4 =	simm.s32 $0x1BF5;
	[smem:$0x3FB9] =	sst s0  }
0x18: {  	s0 =	sld [smem:$0x3F9C];
	_ =	swait.ge [sflag:s4], $0x0  }
0x19: {  	s7 =	sld [smem:$0x3F9D]  }
0x1a: {  	s8 =	sadd.s32 $0xFFFFE003, lr  }
0x1b: {  	s9 =	sadd.s32 $0xFFFFFEF7, lr;
	s5 =	simm.s32 $0xFFFFFFFF;
	p2 =	slt.u32 s8, $0xFFFFF086  }
0x1c: {  	p1 =	slt.u32 s9, $0xF7A;
	s5 =	simm.s32 @!p2 $0x0  }
0x1d: {  	s5 =	simm.s32 @p1 $0x1;
	p0 =	seq.s32 s7, s2  }
0x1e: {  	s7 =	smul.u32 @!p0 $0xF7A, s2;
	p2 =	seq.s32 @!p0 s5, $0x0  }
0x1f: {  	s9 =	smul.u32 $0xF7A, s1;
	s8 =	simm.s32 @!p0 $0x1BF5;
	p2 =	por !p2, p0  }
0x20: {  	[sflag:s8] =	ssyncset.s32 @!p0 $0xFFFFF086;
	s6 =	sadd.s32 @!p0 s3, s7;
	s7 =	simm.s32 @!p0 $0x108  }
0x21: {  	s3 =	sadd.s32 s3, s9;
	s6 =	sadd.s32 @!p0 $0x88, s6;
	s7 =	simm.s32 @p2 $0x1082  }
0x22: {  	[simem:s7], [sflag:s8] =	dma.local @!p0 [hbm:s6], $0xF7A  }
0x23: {  	s9 =	sor.u32 $0xD0000000, s2;
	s6 =	simm.s32 $0x108;
	_ =	swait.ge @!p0 [sflag:s8], $0x0  }
0x24: {  	s3 =	sadd.s32 $0x88, s3;
	s6 =	simm.s32 @!p1 $0x1082;
	[sflag:s4] =	ssyncset.s32 $0xFFFFF086  }
0x25: {  	[simem:s6], [sflag:s4] =	dma.local [hbm:s3], $0xF7A  }
0x26: {  	[smem:$0x3F9D] =	sst s1;
	(tag) =	ssettag s2;
	_ =	strace s9  }
0x27: {  	s1 =	sld [smem:$0x3FAD]  }
0x28: {  	s2 =	sld [smem:$0x3FAE]  }
0x29: {  	s4 =	sld [smem:$0x3FB0]  }
0x2a: {  	p0 =	seq.s32 s5, $0x0;
	s5 =	sld [smem:$0x3FB1]  }
0x2b: {  	s6 =	sld [smem:$0x3FB2]  }
0x2c: {  	s7 =	sld [smem:$0x3FB3]  }
0x2d: {  	s3 =	simm.s32 $0x108;
	s8 =	sld [smem:$0x3FB4]  }
0x2e: {  	s3 =	simm.s32 @!p0 $0x1082;
	s9 =	sld [smem:$0x3FB5]  }
0x2f: {  	lr =	sadd.s32 s0, s3;
	s0 =	sld [smem:$0x3FAC]  }
0x30: {  	s3 =	sld [smem:$0x3FAF]  }
0x31: {  	[smem:$0x3FB8] =	sst s10  }
0x32: {  	s10 =	sld [smem:$0x3FB6];
	_ =	sdelay $0x3  }
0x33: {  	p0 =	seq.s32 s10, $0x1;
	s10 =	sld [smem:$0x3FB8];
	_ =	sdelay $0x3  }
0x34: {  	[smem:$0x3FB8] =	sst s10  }
0x35: {  	s10 =	sld [smem:$0x3FB7];
	_ =	sdelay $0x3  }
0x36: {  	p1 =	seq.s32 s10, $0x1;
	s10 =	sld [smem:$0x3FB8];
	_ =	sdelay $0x3  }
0x37: {  	[smem:$0x3FB8] =	sst s10  }
0x38: {  	s10 =	sld [smem:$0x3FB9]  }
0x39: {  	_ = 	snop;
	(pc) =	sbr.ind lr, $3  }
0x3a: {  	_ = 	snop  }
0x3b: {  	_ = 	snop  }
0x3c: {  	p2 =	seq.s32 s10, $0x1;
	s10 =	sld [smem:$0x3FB8]  }
0x3d: {  	_ =	shalt  }
0x3e: {  	_ =	shalt  }
0x3f: {  	_ =	shalt  }
0x40: {  	_ =	shalt  }
0x41: {  	_ =	shalt  }
0x42: {  	_ =	shalt  }
0x43: {  	_ =	shalt  }
0x44: {  	_ =	shalt  }
0x45: {  	_ =	shalt  }
0x46: {  	_ =	shalt  }
0x47: {  	_ =	shalt  }
0x48: {  	_ =	shalt  }
0x49: {  	_ =	shalt  }
0x4a: {  	_ =	shalt  }
0x4b: {  	_ =	shalt  }
0x4c: {  	_ =	shalt  }
0x4d: {  	_ =	shalt  }
0x4e: {  	_ =	shalt  }
0x4f: {  	_ =	shalt  }
0x50: {  	_ =	shalt  }
0x51: {  	_ =	shalt  }
0x52: {  	_ =	shalt  }
0x53: {  	_ =	shalt  }
0x54: {  	_ =	shalt  }
0x55: {  	_ =	shalt  }
0x56: {  	_ =	shalt  }
0x57: {  	_ =	shalt  }
0x58: {  	_ =	shalt  }
0x59: {  	_ =	shalt  }
0x5a: {  	_ =	shalt  }
0x5b: {  	_ =	shalt  }
0x5c: {  	_ =	shalt  }
0x5d: {  	_ =	shalt  }
0x5e: {  	_ =	shalt  }
0x5f: {  	_ =	shalt  }
0x60: {  	_ =	shalt  }
0x61: {  	_ =	shalt  }
0x62: {  	_ =	shalt  }
0x63: {  	_ =	shalt  }
0x64: {  	_ =	shalt  }
0x65: {  	_ =	shalt  }
0x66: {  	_ =	shalt  }
0x67: {  	_ =	shalt  }
0x68: {  	_ =	shalt  }
0x69: {  	_ =	shalt  }
0x6a: {  	_ =	shalt  }
0x6b: {  	_ =	shalt  }
0x6c: {  	_ =	shalt  }
0x6d: {  	_ =	shalt  }
0x6e: {  	_ =	shalt  }
0x6f: {  	_ =	shalt  }
0x70: {  	_ =	shalt  }
0x71: {  	_ =	shalt  }
0x72: {  	_ =	shalt  }
0x73: {  	_ =	shalt  }
0x74: {  	_ =	shalt  }
0x75: {  	_ =	shalt  }
0x76: {  	_ =	shalt  }
0x77: {  	_ =	shalt  }
0x78: {  	_ =	shalt  }
0x79: {  	_ =	shalt  }
0x7a: {  	_ =	shalt  }
0x7b: {  	_ =	shalt  }
0x7c: {  	_ =	shalt  }
0x7d: {  	_ =	shalt  }
0x7e: {  	_ =	shalt  }
0x7f: {  	_ =	shalt  }
0x80: {  	_ =	shalt  }
0x81: {  	_ =	shalt  }
0x82: {  	_ =	shalt  }
0x83: {  	_ =	shalt  }
0x84: {  	_ =	shalt  }
0x85: {  	_ =	shalt  }
0x86: {  	_ =	shalt  }
0x87: {  	_ =	shalt  }
.Lfunc_end0:
.L_simem_size_0:
called_computation_lowered:
.L_overlay_start_0:
0x88: {  	s2 =	sld [smem:$0x3FD9]  }
0x89: {  	s3 =	sld [smem:$0x3FFE];
	_ =	sdelay $0x1  }
0x8a: {  	s1 =	srdreg.scid  }
0x8b: {  	s0 =	sand.u32 $0x1, s1  }
0x8c: {  	s17 =	sshll.u32 s0, $0xA;
	s2 =	sadd.s32 s3, s2  }
0x8d: {  	s2 =	sadd.s32 s2, s17  }
0x8e: {  	[smem:$0x3FC4] =	sst s2  }
0x8f: {  	_ = 	snop  }
0x90: {  	s2 =	sld [smem:$0x3FC9]  }
0x91: {  	s18 =	sld [smem:$0x3FC8]  }
0x92: {  	s4 =	sld [smem:$0x3FC7]  }
0x93: {  	s5 =	sld [smem:$0x3FC6]  }
0x94: {  	s6 =	sld [smem:$0x3FD0];
	(tm) =	ssettm $0x1  }
0x95: {  	s7 =	sld [smem:$0x3FFB];
	_ =	sdelay $0x3  }
0x96: {  	_ =	strace s7  }
0x97: {  	s7 =	sld [smem:$0x3FFC];
	_ =	sdelay $0x3  }
0x98: {  	_ =	strace s7  }
0x99: {  	s7 =	sld [smem:$0x3FFD];
	_ =	sdelay $0x3  }
0x9a: {  	_ =	strace s7  }
0x9b: {  	_ =	strace $0x8FFFFFFF  }
0x9c: {  	s19 =	sld [smem:$0x3FDB];
	_ =	sdelay $0x1  }
0x9d: {  	s8 =	simm.s32 $_scs_section_size  }
0x9e: {  	s9 =	simm.s32 $_size__tile_overlayer_lowered;
	s10 =	simm.s32 $_tile_overlayer_lowered  }
0x9f: {  	s22 =	simm.s32 $0x1BFF;
	s21 =	sshll.u32 s10, $0x1;
	s7 =	sadd.s32 s8, s19  }
0xa0: {  	s11 =	simm.s32 $0x0;
	s20 =	sshll.u32 s9, $0x1;
	s9 =	sadd.s32 s21, s7  }
0xa1: {  	[timem:s11], [sflag:s22] =	dma.local [hbm:s9], s20  }
0xa2: {  	_ =	swait.ge [sflag:s22], s20  }
0xa3: {  	s8 =	ssub.s32 $0x0, s20;
	[sflag:s22] =	ssyncset.done $0x0  }
0xa4: {  	[sflag:s22] =	ssyncadd.s32 s8;
	_ =	sdelay $0x1  }
0xa5: {  	s23 =	simm.s32 $0x1B8B  }
0xa6: {  	_ =	swait.ge [sflag:s23], $0x1  }
0xa7: {  	[sflag:s23] =	ssyncset.done $0x0  }
0xa8: {  	s25 =	simm.s32 $0x1B8E;
	s24 =	sld [smem:$0x3FFE];
	[sflag:s23] =	ssyncadd.s32 $0xFFFFFFFF  }
0xa9: {  	s26 =	simm.s32 $execute0_lowered;
	[smem:$0x3FD2] =	sst s25  }
0xaa: {  	s9 =	sshll.u32 s26, $0x1;
	_ =	strace $0x80000046;
	[dreg:$0x1] =	wrdreg $0xFFFFFFFF  }
0xab: {  	s28 =	simm.s32 $_size_execute0_lowered;
	s7 =	sadd.s32 s7, s9;
	[dreg:$0x0] =	wrdreg $0x0  }
0xac: {  	s9 =	sshll.u32 s28, $0x1;
	[dreg:$0x2] =	wrdreg s7  }
0xad: {  	[dreg:$0x3] =	wrdreg s9  }
0xae: {  	[dreg:$0x4] =	wrdreg $0xC0  }
0xaf: {  	_ =	task [dreg:s11], $0x5FFFF  }
0xb0: {  	[dreg:$0x1] =	wrdreg $0xFFFFFFFF  }
0xb1: {  	[dreg:$0x0] =	wrdreg $0x60  }
0xb2: {  	[dreg:$0x2] =	wrdreg s2  }
0xb3: {  	[dreg:$0x3] =	wrdreg s18  }
0xb4: {  	[dreg:$0x4] =	wrdreg s4  }
0xb5: {  	[dreg:$0x5] =	wrdreg s5  }
0xb6: {  	[dreg:$0x6] =	wrdreg s6  }
0xb7: {  	[dreg:$0x7] =	wrdreg s24  }
0xb8: {  	[dreg:$0x8] =	wrdreg $0x9  }
0xb9: {  	_ =	task.clear_ibuf [dreg:s11], $0x9FFFF;
	_ =	strace $0x90000046  }
0xba: {  	s29 =	simm.s32 $0x9;
	_ =	strace $0x80000048  }
0xbb: {  	_ =	swait.ge [sflag:s29], $0x1  }
0xbc: {  	[sflag:s29] =	ssyncadd.s32 $0xFFFFFFFF  }
0xbd: {  	_ =	strace $0x90000048  }
0xbe: {  	_ =	sfence  }
0xbf: {  	s30 =	sld [smem:$0x0];
	_ =	sdelay $0x2  }
0xc0: {  	s31 =	sshll.u32 s1, $0xD;
	s1 =	sshrl.u32 s1, $0x2  }
0xc1: {  	s3 =	sand.u32 $0x4000, s31;
	s1 =	sadd.s32 s1, s30  }
0xc2: {  	s0 =	sor.u32 s3, s0;
	s1 =	sshll.u32 s1, $0x11  }
0xc3: {  	s0 =	sor.u32 s1, s0  }
0xc4: {  	s0 =	sadd.s32 $0x8F2B, s0  }
0xc5: {  	[sflag:s0] =	ssyncadd.remote.s32 $0x1  }
0xc6: {  	_ =	sfence.sel $0xFFFF  }
0xc7: {  	[dreg:$0x0] =	wrdreg $0xFFFFFFFF;
	(pc) =	sbr.abs _section_cstart, $3  }
0xc8: {  	[dreg:$0x1] =	wrdreg $0xFFFFFFFF  }
0xc9: {  	_ =	task.clear_ibuf [dreg:s11], $0x2FFFF;
	_ =	strace $0x9FFFFFFF  }
0xca: {  	(tm) =	ssettm $0x7FFFFFFF  }
0xcb: {  	_ =	shalt  }
tec
execute0_lowered:
.L_overlay_start_1:
0x0: {  	(tag) =	ssettag $0x1  }
0x1: {  	s15 =	rddreg [dreg:$0x0]  }
0x2: {  	s2 =	rddreg [dreg:$0x1]  }
0x3: {  	s5 =	rddreg [dreg:$0x4]  }
0x4: {  	s3 =	rddreg [dreg:$0x5];
	s0 =	srdreg.scid  }
0x5: {  	s7 =	simm.s32 $0x0;
	s18 =	stileid.u32;
	s29 =	simm.s32 $0x80  }
0x6: {  	s30 =	simm.s32 $0x400;
	s0 =	sand.u32 $0x1, s0;
	[smem:$0x7FF] =	sst s7  }
0x7: {  	s9 =	sadd.s32 $0x800, s3;
	s1 =	sshll.u32 s0, $0x4;
	s14 =	smul.u32 $0xD, s0  }
0x8: {  	s3 =	sadd.s32 $0xC00, s3;
	s6 =	ssub.s32 $0x2, s0;
	s4 =	sor.u32 s18, s1  }
0x9: {  	s11 =	sshrl.u32 s6, $0x1;
	s8 =	smul.u32 $0x1A, s4;
	s0 =	sadd.s32 s18, s14  }
0xa: {  	_ =	strace $0x80000047;
	s1 =	ssub.s32 s6, s11;
	s13 =	smul.u32 $0x13B20, s0  }
0xb: {  	p0 =	seq.s32 s0, $0x0;
	s26 =	sshll.u32 s0, $0x5;
	s1 =	smax.u32 s1, $0x1  }
0xc: {  	s10 =	sshrl.u32 s8, $0x5;
	s12 =	sand.u32 $0x18, s8;
	s19 =	sshrl.u32 s8, $0x1  }
0xd: {  	s14 =	sshll.u32 s8, $0x4;
	s20 =	sshll.u32 s8, $0x7;
	s31 =	sadd.s32 $0x20, s26  }
0xe: {  	[dreg:$0x11] =	wrdreg s1;
	s1 =	simm.s32 $0x3;
	s16 =	smul.u32 $0x30E000, s10  }
0xf: {  	s17 =	sshrl.u32 s12, $0x3;
	s13 =	sshrl.u32 s13, $0x10;
	s12 =	sand.u32 $0x70, s19  }
0x10: {  	s14 =	sand.u32 $0x3000, s14;
	s21 =	sand.u32 $0x300, s20;
	s11 =	smul.u32 $0xC3800, s17  }
0x11: {  	s17 =	smul.u32 $0x1A, s13;
	s12 =	sadd.s32 s15, s12;
	s13 =	sshll.u32 s13, $0xB  }
0x12: {  	s23 =	sadd.s32 s14, s12;
	s14 =	sshll.u32 s4, $0xE;
	s6 =	sadd.s32 s16, s11  }
0x13: {  	s22 =	sand.u32 $0x1E, s17;
	[dreg:$0x7] =	wrdreg s23;
	s25 =	sshrl.u32 s17, $0x5  }
0x14: {  	p2 =	slt.u32 s17, s31;
	s15 =	sor.u32 $0x2000, s14;
	s19 =	sadd.s32 $0x1A, s17  }
0x15: {  	s16 =	sor.u32 $0x1, s8;
	s23 =	sadd.s32 $0x34, s17;
	s17 =	simm.s32 $0x100  }
0x16: {  	s6 =	sor.u32 s21, s6;
	p1 =	sne.s32 s22, $0x0;
	s20 =	sshrl.u32 s19, $0x5  }
0x17: {  	p4 =	slt.u32 s19, s31;
	p5 =	slt.u32 s23, s31;
	s4 =	sshrl.u32 s23, $0x5  }
0x18: {  	s23 =	sshll.u32 s0, $0x11;
	s19 =	simm.s32 $0x1B700;
	s24 =	sshrl.u32 s6, $0x3  }
0x19: {  	p0 =	por !p0, !p1;
	s6 =	sadd.s32 $0x61C00, s6;
	s12 =	ssub.s32 s0, s20  }
0x1a: {  	s4 =	ssub.s32 s0, s4;
	s20 =	simm.s32 $0x1C700;
	s11 =	sadd.s32 s2, s24  }
0x1b: {  	p0 =	por !p0, !p0;
	[dreg:$0x8] =	wrdreg s11;
	s11 =	simm.s32 $0x1  }
0x1c: {  	s6 =	sshrl.u32 s6, $0x3;
	s24 =	sshll.u32 s12, $0x4;
	s11 =	simm.s32 @!p0 $0x0  }
0x1d: {  	p6 =	slt.u32 s4, $0x2;
	s6 =	sadd.s32 s2, s6;
	s11 =	ssub.s32 s11, s25  }
0x1e: {  	[dreg:$0x9] =	wrdreg s6;
	s25 =	sshll.u32 s4, $0x4;
	s28 =	sadd.s32 s0, s11  }
0x1f: {  	s26 =	sadd.s32 s25, s13;
	s11 =	simm.s32 $0x0;
	p3 =	slt.u32 s28, $0x2  }
0x20: {  	s6 =	sshll.u32 s28, $0x4;
	s4 =	sadd.s32 $0x1000, s26;
	s26 =	simm.s32 $0x1  }
0x21: {  	p0 =	por !p2, !p3;
	s6 =	sadd.s32 s13, s6;
	p2 =	slt.u32 s12, $0x2  }
0x22: {  	p3 =	slt.u32 s0, $0x19;
	s31 =	sadd.s32 s9, s4;
	s0 =	sshll.u32 s0, $0xE  }
0x23: {  	p0 =	por !p0, !p0;
	s21 =	sadd.s32 s9, s6;
	p1 =	por !p4, !p2  }
0x24: {  	s22 =	sadd.s32 s6, s3;
	s6 =	sadd.s32 s24, s13;
	[dreg:$0xe] =	wrdreg s31  }
0x25: {  	p2 =	por !p3, !p5;
	s0 =	sadd.s32 s5, s0;
	[dreg:$0xa] =	wrdreg s21  }
0x26: {  	p3 =	sgt.u32 s18, $0xC;
	[dreg:$0xb] =	wrdreg s22;
	p1 =	por !p1, !p1  }
0x27: {  	s6 =	sadd.s32 $0x800, s6;
	p2 =	por !p2, !p2;
	[dreg:$0x10] =	wrdreg s0  }
.Ltmp0:
0x28: {  	s0 =	sadd.s32 $0x10, s0;
	s21 =	simm.s32 $0x1C780;
	(pc) =	sbr.rel .LBB2_1-.Ltmp0, $4  }
0x29: {  	s28 =	sadd.s32 s9, s6;
	p2 =	por !p2, !p6;
	[dreg:$0x12] =	wrdreg s0  }
0x2a: {  	s6 =	sadd.s32 s6, s3;
	s3 =	sadd.s32 s4, s3;
	[dreg:$0xc] =	wrdreg s28  }
0x2b: {  	s4 =	simm.s32 $0x19700;
	[dreg:$0xd] =	wrdreg s6;
	p2 =	por !p2, !p2  }
0x2c: {  	v0 =	vimm.f32 $0.0e+00;
	[dreg:$0xf] =	wrdreg s3;
	s6 =	simm.s32 $0xC380;
	s3 =	simm.s32 $0x2  }
.LBB2_43:
0x2d: {  	_ =	swait.ge [sflag:s3], $0x1000  }
0x2e: {  	[sflag:s3] =	ssyncset.done $0x0  }
0x2f: {  	s11 =	rddreg [dreg:$0x13];
	[sflag:s3] =	ssyncadd.s32 $0xFFFFF000  }
.LBB2_44:
0x30: {  	s11 =	sadd.s32 $0x1, s11;
	s0 =	rddreg [dreg:$0x11]  }
0x31: {  	p4 =	sne.s32 s11, s0  }
.Ltmp1:
0x32: {  	_ = 	snop;
	(pc) =	sbr.rel @!p4 .LBB2_45-.Ltmp1, $1  }
0x33: {  	_ =	sdelay $0x3  }
.LBB2_1:
0x34: {  	[dreg:$0x13] =	wrdreg s11;
	s0 =	simm.s32 $0x40;
	s11 =	simm.s32 $0x0  }
.LBB2_2:
0x35: {  	p4 =	sne.s32 s0, $0x3FC0;
	[tilespmem:s11+$0x1A700] =	vst v0;
	s12 =	smov.u32 s0;
	s0 =	sadd.s32 $0x40, s0  }
.Ltmp2:
0x36: {  	[tilespmem:s11+$0x1B700] =	vst v0;
	(pc) =	sbr.rel @p4 .LBB2_2-.Ltmp2, $2  }
0x37: {  	_ =	sdelay $0x2  }
0x38: {  	s11 =	sshra.s32 s12, $0x2  }
0x39: {  	[tilespmem:s11+$0x1A700] =	vst v0  }
0x3a: {  	[tilespmem:s11+$0x1B700] =	vst v0;
	s0 =	rddreg [dreg:$0x7];
	s24 =	simm.s32 $0x18700  }
0x3b: {  	[tilespmem:s24], [sflag:$0x3] =	stream.strided.gather [hbm4b:s0+s29], $0x1000, s30, s29, $0x38;
	[tilespmem:$0x1C800] =	vst v63  }
0x3c: {  	_ =	swait.ge [sflag:s1], $0x1000  }
0x3d: {  	[sflag:s1] =	ssyncset.done $0x0  }
0x3e: {  	s28 =	simm.s32 $0x0;
	s25 =	rddreg [dreg:$0x8];
	[sflag:s1] =	ssyncadd.s32 $0xFFFFF000  }
0x3f: {  	[tilespmem:s28], [sflag:$0x1] =	stream.strided.gather [hbm4b:s25+s29], $0xC380, s30, s29, $0x38;
	[tilespmem:$0x1C800] =	vst v63  }
0x40: {  	s0 =	smov.u32 s10;
	s31 =	rddreg [dreg:$0x9]  }
0x41: {  	[tilespmem:s6], [sflag:$0x2] =	stream.strided.gather [hbm4b:s31+s29], $0xC380, s30, s29, $0x38;
	[tilespmem:$0x1C800] =	vst v63  }
.LBB2_4:
0x42: {  	s11 =	sadd.s32 s8, s28  }
0x43: {  	s24 =	sshrl.u32 s11, $0x5  }
0x44: {  	p4 =	seq.s32 s24, s0  }
.Ltmp3:
0x45: {  	_ = 	snop;
	(pc) =	sbr.rel @p4 .LBB2_8-.Ltmp3, $1  }
0x46: {  	_ =	sdelay $0x3  }
0x47: {  	s0 =	ssub.s32 s0, s10  }
0x48: {  	s12 =	sshll.u32 s0, $0xC  }
0x49: {  	s0 =	sshll.u32 s0, $0x7;
	s12 =	sand.u32 $0xFFFFE000, s12  }
0x4a: {  	s0 =	sand.u32 $0x80, s0;
	s13 =	sadd.s32 s14, s12  }
0x4b: {  	s13 =	sor.u32 s0, s13  }
0x4c: {  	s13 =	sshrl.u32 s13, $0x3  }
0x4d: {  	s18 =	simm.s32 $0x1A700;
	s12 =	sadd.s32 s12, s15;
	s13 =	sadd.s32 s9, s13  }
0x4e: {  	[hbm4b:s13+s29] =	stream.strided.scatter [tilespmem:s18], [sflag:$0x3], $0x1000, s17, s29, $0x38;
	[tilespmem:$0x1C800] =	vst v63  }
0x4f: {  	s0 =	sor.u32 s0, s12;
	_ =	swait.ge [sflag:s1], $0x1000  }
0x50: {  	s0 =	sshrl.u32 s0, $0x3;
	[sflag:s1] =	ssyncset.done $0x0  }
0x51: {  	s0 =	sadd.s32 s9, s0;
	[sflag:s1] =	ssyncadd.s32 $0xFFFFF000  }
0x52: {  	[hbm4b:s0+s29] =	stream.strided.scatter [tilespmem:s19], [sflag:$0x3], $0x1000, s17, s29, $0x38;
	[tilespmem:$0x1C800] =	vst v63  }
0x53: {  	_ =	swait.ge [sflag:s1], $0x1000  }
0x54: {  	s18 =	sshll.u32 s24, $0x4;
	[sflag:s1] =	ssyncset.done $0x0  }
0x55: {  	s22 =	sshll.u32 s24, $0x9;
	s0 =	sand.u32 $0x70, s18;
	s25 =	rddreg [dreg:$0x0]  }
0x56: {  	s12 =	sand.u32 $0xFFFF000, s22;
	s0 =	sadd.s32 s25, s0  }
0x57: {  	s31 =	simm.s32 $0x18700;
	[sflag:s1] =	ssyncadd.s32 $0xFFFFF000;
	s0 =	sadd.s32 s12, s0  }
0x58: {  	[tilespmem:s31], [sflag:$0x3] =	stream.strided.gather [hbm4b:s0+s29], $0x1000, s30, s29, $0x38;
	[tilespmem:$0x1C800] =	vst v63  }
0x59: {  	_ =	swait.ge [sflag:s1], $0x1000  }
0x5a: {  	[sflag:s1] =	ssyncset.done $0x0  }
0x5b: {  	s12 =	simm.s32 $0x0;
	s0 =	simm.s32 $0x40;
	[sflag:s1] =	ssyncadd.s32 $0xFFFFF000  }
.LBB2_6:
0x5c: {  	p4 =	sne.s32 s0, $0x3FC0;
	[tilespmem:s12+$0x1A700] =	vst v0;
	s13 =	smov.u32 s0;
	s0 =	sadd.s32 $0x40, s0  }
.Ltmp4:
0x5d: {  	[tilespmem:s12+$0x1B700] =	vst v0;
	(pc) =	sbr.rel @p4 .LBB2_6-.Ltmp4, $2  }
0x5e: {  	_ =	sdelay $0x2  }
0x5f: {  	s12 =	sshra.s32 s13, $0x2  }
0x60: {  	[tilespmem:s12+$0x1A700] =	vst v0  }
0x61: {  	[tilespmem:s12+$0x1B700] =	vst v0  }
.LBB2_8:
0x62: {  	_ =	swait.ge [sflag:s26], $0xC380  }
0x63: {  	[sflag:s26] =	ssyncset.done $0x0  }
0x64: {  	s0 =	simm.s32 $0x0;
	[sflag:s26] =	ssyncadd.s32 $0xFFFF3C80  }
0x65: {  	v1 =	vld [tilespmem:s0+$0x18700];
	_ =	sdelay $0x4  }
0x66: {  	vm0 =	vlt.s32 v1, $0xC380;
	_ =	sdelay $0x4  }
0x67: {  	v2 =	vld [tilespmem:s0+$0x18710]  }
0x68: {  	v1 =	vld.idx.msk [tilespmem:v1+s7+$0x0], vm0;
	_ =	sdelay $0x1  }
0x69: {  	v3 =	vld [tilespmem:s0+$0x1A700]  }
0x6a: {  	v4 =	vld [tilespmem:s0+$0x1B700];
	_ =	sdelay $0x1  }
0x6b: {  	v1 =	vnsel vm0, $0x0, v1;
	vm0 =	vlt.s32 v2, $0xC380  }
0x6c: {  	v5 =	vmul.f32 v1, v1  }
0x6d: {  	v3 =	vadd.f32 v1, v3  }
0x6e: {  	[tilespmem:s0+$0x19700] =	vst v1;
	v4 =	vadd.f32 v4, v5  }
0x6f: {  	[tilespmem:s0+$0x1A700] =	vst v3  }
0x70: {  	[tilespmem:s0+$0x1B700] =	vst v4  }
0x71: {  	v1 =	vld.idx.msk [tilespmem:v2+s7+$0x0], vm0  }
0x72: {  	v2 =	vld [tilespmem:s0+$0x18720];
	_ =	sdelay $0x1  }
0x73: {  	v3 =	vld [tilespmem:s0+$0x1A710]  }
0x74: {  	v60 =	vld [tilespmem:s0+$0x1B710];
	_ =	sdelay $0x1  }
0x75: {  	v1 =	vnsel vm0, $0x0, v1;
	vm0 =	vlt.s32 v2, $0xC380  }
0x76: {  	v61 =	vmul.f32 v1, v1  }
0x77: {  	v3 =	vadd.f32 v1, v3  }
0x78: {  	[tilespmem:s0+$0x19710] =	vst v1;
	v4 =	vadd.f32 v60, v61  }
0x79: {  	[tilespmem:s0+$0x1A710] =	vst v3  }
0x7a: {  	[tilespmem:s0+$0x1B710] =	vst v4  }
0x7b: {  	v1 =	vld.idx.msk [tilespmem:v2+s7+$0x0], vm0  }
0x7c: {  	v2 =	vld [tilespmem:s0+$0x18730];
	_ =	sdelay $0x1  }
0x7d: {  	v3 =	vld [tilespmem:s0+$0x1A720]  }
0x7e: {  	v62 =	vld [tilespmem:s0+$0x1B720];
	_ =	sdelay $0x1  }
0x7f: {  	v1 =	vnsel vm0, $0x0, v1;
	vm0 =	vlt.s32 v2, $0xC380  }
0x80: {  	v63 =	vmul.f32 v1, v1  }
0x81: {  	v3 =	vadd.f32 v1, v3  }
0x82: {  	[tilespmem:s0+$0x19720] =	vst v1;
	v1 =	vadd.f32 v62, v63  }
0x83: {  	[tilespmem:s0+$0x1A720] =	vst v3  }
0x84: {  	[tilespmem:s0+$0x1B720] =	vst v1  }
0x85: {  	s11 =	sand.u32 $0x1F, s11;
	s18 =	simm.s32 $0x40;
	s12 =	simm.s32 $0x200;
	v1 =	vld.idx.msk [tilespmem:v2+s7+$0x0], vm0  }
.LBB2_9:
0x86: {  	p4 =	sne.s32 s12, $0x3F00;
	v2 =	vld [tilespmem:s18+$0x18700]  }
0x87: {  	v3 =	vld [tilespmem:s0+$0x1A730];
	_ =	sdelay $0x1  }
0x88: {  	v4 =	vld [tilespmem:s0+$0x1B730];
	_ =	sdelay $0x1  }
0x89: {  	v1 =	vnsel vm0, $0x0, v1;
	vm1 =	vlt.s32 v2, $0xC380  }
0x8a: {  	v5 =	vmul.f32 v1, v1;
	v3 =	vadd.f32 v1, v3;
	[tilespmem:s0+$0x19730] =	vst v1;
	_ =	sdelay $0x1  }
0x8b: {  	[tilespmem:s0+$0x1A730] =	vst v3;
	v1 =	vadd.f32 v4, v5;
	_ =	sdelay $0x1  }
0x8c: {  	[tilespmem:s0+$0x1B730] =	vst v1;
	s0 =	smov.u32 s18  }
0x8d: {  	v1 =	vld.idx.msk [tilespmem:v2+s7+$0x0], vm1  }
0x8e: {  	v2 =	vld [tilespmem:s0+$0x18710];
	_ =	sdelay $0x1  }
0x8f: {  	v3 =	vld [tilespmem:s0+$0x1A700]  }
0x90: {  	v4 =	vld [tilespmem:s0+$0x1B700];
	_ =	sdelay $0x1  }
0x91: {  	v1 =	vnsel vm1, $0x0, v1;
	vm0 =	vlt.s32 v2, $0xC380  }
0x92: {  	v5 =	vmul.f32 v1, v1  }
0x93: {  	v3 =	vadd.f32 v1, v3  }
0x94: {  	v4 =	vadd.f32 v4, v5;
	[tilespmem:s0+$0x19700] =	vst v1  }
0x95: {  	[tilespmem:s0+$0x1A700] =	vst v3  }
0x96: {  	[tilespmem:s0+$0x1B700] =	vst v4  }
0x97: {  	v1 =	vld.idx.msk [tilespmem:v2+s7+$0x0], vm0  }
0x98: {  	v2 =	vld [tilespmem:s0+$0x18720];
	_ =	sdelay $0x1  }
0x99: {  	v3 =	vld [tilespmem:s0+$0x1A710]  }
0x9a: {  	v4 =	vld [tilespmem:s0+$0x1B710];
	_ =	sdelay $0x1  }
0x9b: {  	v1 =	vnsel vm0, $0x0, v1;
	vm0 =	vlt.s32 v2, $0xC380  }
0x9c: {  	v5 =	vmul.f32 v1, v1  }
0x9d: {  	v3 =	vadd.f32 v1, v3  }
0x9e: {  	v4 =	vadd.f32 v4, v5;
	[tilespmem:s0+$0x19710] =	vst v1  }
0x9f: {  	[tilespmem:s0+$0x1A710] =	vst v3  }
0xa0: {  	[tilespmem:s0+$0x1B710] =	vst v4  }
0xa1: {  	v1 =	vld.idx.msk [tilespmem:v2+s7+$0x0], vm0  }
0xa2: {  	v2 =	vld [tilespmem:s0+$0x18730]  }
0xa3: {  	v3 =	vld [tilespmem:s0+$0x1A720];
	_ =	sdelay $0x1  }
0xa4: {  	v4 =	vld [tilespmem:s0+$0x1B720];
	_ =	sdelay $0x1  }
0xa5: {  	v1 =	vnsel vm0, $0x0, v1;
	vm0 =	vlt.s32 v2, $0xC380  }
0xa6: {  	v5 =	vmul.f32 v1, v1;
	v3 =	vadd.f32 v1, v3;
	[tilespmem:s0+$0x19720] =	vst v1  }
.Ltmp5:
0xa7: {  	(pc) =	sbr.rel @p4 .LBB2_9-.Ltmp5, $3  }
0xa8: {  	[tilespmem:s0+$0x1A720] =	vst v3;
	v1 =	vadd.f32 v4, v5;
	_ =	sdelay $0x1  }
0xa9: {  	[tilespmem:s0+$0x1B720] =	vst v1  }
0xaa: {  	s18 =	sshra.s32 s12, $0x2;
	s12 =	sadd.s32 $0x100, s12;
	v1 =	vld.idx.msk [tilespmem:v2+s7+$0x0], vm0  }
0xab: {  	v2 =	vld [tilespmem:s18+$0x18700];
	_ =	sdelay $0x1  }
0xac: {  	v3 =	vld [tilespmem:s0+$0x1A730]  }
0xad: {  	v4 =	vld [tilespmem:s0+$0x1B730];
	_ =	sdelay $0x1  }
0xae: {  	v1 =	vnsel vm0, $0x0, v1;
	vm1 =	vlt.s32 v2, $0xC380  }
0xaf: {  	v5 =	vmul.f32 v1, v1  }
0xb0: {  	v3 =	vadd.f32 v1, v3  }
0xb1: {  	[tilespmem:s0+$0x19730] =	vst v1;
	v1 =	vadd.f32 v4, v5  }
0xb2: {  	[tilespmem:s0+$0x1A730] =	vst v3  }
0xb3: {  	[tilespmem:s0+$0x1B730] =	vst v1  }
0xb4: {  	v1 =	vld.idx.msk [tilespmem:v2+s7+$0x0], vm1  }
0xb5: {  	v2 =	vld [tilespmem:s18+$0x18710];
	_ =	sdelay $0x1  }
0xb6: {  	v3 =	vld [tilespmem:s18+$0x1A700]  }
0xb7: {  	v49 =	vld [tilespmem:s18+$0x1B700];
	_ =	sdelay $0x1  }
0xb8: {  	v1 =	vnsel vm1, $0x0, v1;
	vm0 =	vlt.s32 v2, $0xC380  }
0xb9: {  	v50 =	vmul.f32 v1, v1  }
0xba: {  	v3 =	vadd.f32 v1, v3  }
0xbb: {  	[tilespmem:s18+$0x19700] =	vst v1;
	v4 =	vadd.f32 v49, v50  }
0xbc: {  	[tilespmem:s18+$0x1A700] =	vst v3  }
0xbd: {  	[tilespmem:s18+$0x1B700] =	vst v4  }
0xbe: {  	v1 =	vld.idx.msk [tilespmem:v2+s7+$0x0], vm0  }
0xbf: {  	v2 =	vld [tilespmem:s18+$0x18720];
	_ =	sdelay $0x1  }
0xc0: {  	v3 =	vld [tilespmem:s18+$0x1A710]  }
0xc1: {  	v51 =	vld [tilespmem:s18+$0x1B710];
	_ =	sdelay $0x1  }
0xc2: {  	v1 =	vnsel vm0, $0x0, v1;
	vm0 =	vlt.s32 v2, $0xC380  }
0xc3: {  	v52 =	vmul.f32 v1, v1  }
0xc4: {  	v3 =	vadd.f32 v1, v3  }
0xc5: {  	[tilespmem:s18+$0x19710] =	vst v1;
	v4 =	vadd.f32 v51, v52  }
0xc6: {  	[tilespmem:s18+$0x1A710] =	vst v3  }
0xc7: {  	[tilespmem:s18+$0x1B710] =	vst v4  }
0xc8: {  	v1 =	vld.idx.msk [tilespmem:v2+s7+$0x0], vm0  }
0xc9: {  	v2 =	vld [tilespmem:s18+$0x18730];
	_ =	sdelay $0x1  }
0xca: {  	v3 =	vld [tilespmem:s18+$0x1A720]  }
0xcb: {  	v53 =	vld [tilespmem:s18+$0x1B720];
	_ =	sdelay $0x1  }
0xcc: {  	v1 =	vnsel vm0, $0x0, v1;
	vm0 =	vlt.s32 v2, $0xC380  }
0xcd: {  	v54 =	vmul.f32 v1, v1  }
0xce: {  	v3 =	vadd.f32 v1, v3  }
0xcf: {  	[tilespmem:s18+$0x19720] =	vst v1;
	v1 =	vadd.f32 v53, v54  }
0xd0: {  	[tilespmem:s18+$0x1A720] =	vst v3  }
0xd1: {  	[tilespmem:s18+$0x1B720] =	vst v1  }
0xd2: {  	v1 =	vld.idx.msk [tilespmem:v2+s7+$0x0], vm0  }
0xd3: {  	p4 =	seq.s32 s28, $0x19  }
0xd4: {  	s0 =	sadd.s32 @!p4 s28, s16;
	v2 =	vld [tilespmem:s18+$0x1A730]  }
0xd5: {  	s12 =	sshrl.u32 @!p4 s0, $0x5;
	s22 =	sshrl.u32 @!p4 s0, $0x3;
	v3 =	vld [tilespmem:s18+$0x1B730]  }
0xd6: {  	s13 =	smul.u32 @!p4 $0x30E000, s12;
	s12 =	sand.u32 @!p4 $0x3, s22  }
0xd7: {  	s12 =	smul.u32 @!p4 $0xC3800, s12;
	v1 =	vnsel vm0, $0x0, v1  }
0xd8: {  	s0 =	sshll.u32 @!p4 s0, $0x7;
	v55 =	vmul.f32 v1, v1  }
0xd9: {  	s25 =	sand.u32 @!p4 $0x380, s0;
	s22 =	sadd.s32 @!p4 s13, s12;
	v2 =	vadd.f32 v1, v2  }
0xda: {  	s0 =	sor.u32 @!p4 s25, s22;
	[tilespmem:s18+$0x19730] =	vst v1;
	v1 =	vadd.f32 v3, v55  }
0xdb: {  	s31 =	simm.s32 @!p4 $0x0;
	s0 =	sshrl.u32 @!p4 s0, $0x3;
	[tilespmem:s18+$0x1A730] =	vst v2  }
0xdc: {  	s22 =	simm.s32 @!p4 $0x400;
	s0 =	sadd.s32 @!p4 s2, s0;
	[tilespmem:s18+$0x1B730] =	vst v1;
	s18 =	simm.s32 @!p4 $0x80  }
0xdd: {  	[tilespmem:s31], [sflag:$0x1] =	stream.strided.gather @!p4 [hbm4b:s0+s18], $0xC380, s22, s18, $0x38;
	[tilespmem:$0x1C800] =	vst v63  }
0xde: {  	_ =	swait.ge [sflag:s3], $0xC380  }
0xdf: {  	[sflag:s3] =	ssyncset.done $0x0  }
0xe0: {  	s0 =	simm.s32 $0x0;
	[sflag:s3] =	ssyncadd.s32 $0xFFFF3C80  }
0xe1: {  	v1 =	vld [tilespmem:s0+$0x18700];
	_ =	sdelay $0x4  }
0xe2: {  	vm0 =	vgt.s32 v1, $0xC37F  }
0xe3: {  	v1 =	vadd.s32 $0xFFFF3C80, v1;
	_ =	sdelay $0x3  }
0xe4: {  	v2 =	vld [tilespmem:s0+$0x18710]  }
0xe5: {  	v1 =	vld.idx.msk [tilespmem:v1+s6+$0x0], vm0  }
0xe6: {  	v3 =	vld [tilespmem:s0+$0x1A700]  }
0xe7: {  	v56 =	vld [tilespmem:s0+$0x19700]  }
0xe8: {  	v57 =	vld [tilespmem:s0+$0x1B700];
	_ =	sdelay $0x1  }
0xe9: {  	v1 =	vnsel vm0, $0x0, v1;
	vm0 =	vgt.s32 v2, $0xC37F  }
0xea: {  	v2 =	vadd.s32 $0xFFFF3C80, v2;
	v3 =	vadd.f32 v1, v3;
	v6 =	vmul.f32 v1, v1  }
0xeb: {  	v1 =	vadd.f32 v56, v1  }
0xec: {  	[tilespmem:s0+$0x1A700] =	vst v3;
	v3 =	vadd.f32 v57, v6  }
0xed: {  	[tilespmem:s0+$0x19700] =	vst v1  }
0xee: {  	[tilespmem:s0+$0x1B700] =	vst v3  }
0xef: {  	v1 =	vld.idx.msk [tilespmem:v2+s6+$0x0], vm0  }
0xf0: {  	v2 =	vld [tilespmem:s0+$0x18720]  }
0xf1: {  	v3 =	vld [tilespmem:s0+$0x1A710]  }
0xf2: {  	v58 =	vld [tilespmem:s0+$0x19710]  }
0xf3: {  	v59 =	vld [tilespmem:s0+$0x1B710];
	_ =	sdelay $0x1  }
0xf4: {  	v1 =	vnsel vm0, $0x0, v1;
	vm0 =	vgt.s32 v2, $0xC37F  }
0xf5: {  	v2 =	vadd.s32 $0xFFFF3C80, v2;
	v3 =	vadd.f32 v1, v3;
	v60 =	vmul.f32 v1, v1  }
0xf6: {  	v1 =	vadd.f32 v58, v1  }
0xf7: {  	[tilespmem:s0+$0x1A710] =	vst v3;
	v3 =	vadd.f32 v59, v60  }
0xf8: {  	v61 =	vld [tilespmem:s0+$0x1A720];
	[tilespmem:s0+$0x19710] =	vst v1  }
0xf9: {  	v1 =	vld [tilespmem:s0+$0x18730];
	[tilespmem:s0+$0x1B710] =	vst v3  }
0xfa: {  	v2 =	vld.idx.msk [tilespmem:v2+s6+$0x0], vm0  }
0xfb: {  	v3 =	vld [tilespmem:s0+$0x19720];
	_ =	sdelay $0x1  }
0xfc: {  	v62 =	vld [tilespmem:s0+$0x1B720];
	_ =	sdelay $0x1  }
0xfd: {  	v63 =	vadd.s32 $0xFFFF3C80, v1;
	v2 =	vnsel vm0, $0x0, v2;
	vm0 =	vgt.s32 v1, $0xC37F  }
0xfe: {  	v3 =	vadd.f32 v3, v2;
	v1 =	vadd.f32 v2, v61;
	v2 =	vmul.f32 v2, v2;
	_ =	sdelay $0x1  }
0xff: {  	[tilespmem:s0+$0x19720] =	vst v3;
	v2 =	vadd.f32 v62, v2  }
0x100: {  	s31 =	simm.s32 $0x40;
	[tilespmem:s0+$0x1A720] =	vst v1  }
0x101: {  	s22 =	sshll.u32 s11, $0x4;
	v1 =	vld [tilespmem:s31+$0x18700];
	[tilespmem:s0+$0x1B720] =	vst v2  }
0x102: {  	s18 =	simm.s32 $0x200;
	s22 =	sand.u32 $0x70, s22;
	v2 =	vld.idx.msk [tilespmem:v63+s6+$0x0], vm0  }
.LBB2_11:
0x103: {  	p5 =	sne.s32 s18, $0x3F00;
	v3 =	vld [tilespmem:s0+$0x19730]  }
0x104: {  	v4 =	vld [tilespmem:s0+$0x1A730];
	_ =	sdelay $0x1  }
0x105: {  	v5 =	vld [tilespmem:s0+$0x1B730];
	_ =	sdelay $0x1  }
0x106: {  	vm1 =	vgt.s32 v1, $0xC37F;
	v1 =	vadd.s32 $0xFFFF3C80, v1;
	v2 =	vnsel vm0, $0x0, v2  }
0x107: {  	v6 =	vmul.f32 v2, v2;
	v4 =	vadd.f32 v2, v4;
	v2 =	vadd.f32 v3, v2;
	_ =	sdelay $0x1  }
0x108: {  	[tilespmem:s0+$0x1A730] =	vst v4;
	v3 =	vadd.f32 v5, v6  }
0x109: {  	[tilespmem:s0+$0x19730] =	vst v2  }
0x10a: {  	[tilespmem:s0+$0x1B730] =	vst v3;
	s0 =	smov.u32 s31  }
0x10b: {  	v1 =	vld.idx.msk [tilespmem:v1+s6+$0x0], vm1  }
0x10c: {  	v2 =	vld [tilespmem:s0+$0x18710]  }
0x10d: {  	v3 =	vld [tilespmem:s0+$0x1A700]  }
0x10e: {  	v4 =	vld [tilespmem:s0+$0x19700]  }
0x10f: {  	v5 =	vld [tilespmem:s0+$0x1B700];
	_ =	sdelay $0x1  }
0x110: {  	v1 =	vnsel vm1, $0x0, v1;
	vm0 =	vgt.s32 v2, $0xC37F  }
0x111: {  	v6 =	vmul.f32 v1, v1;
	v2 =	vadd.s32 $0xFFFF3C80, v2;
	v3 =	vadd.f32 v1, v3  }
0x112: {  	v1 =	vadd.f32 v4, v1  }
0x113: {  	[tilespmem:s0+$0x1A700] =	vst v3;
	v3 =	vadd.f32 v5, v6  }
0x114: {  	[tilespmem:s0+$0x19700] =	vst v1  }
0x115: {  	[tilespmem:s0+$0x1B700] =	vst v3  }
0x116: {  	v1 =	vld.idx.msk [tilespmem:v2+s6+$0x0], vm0  }
0x117: {  	v2 =	vld [tilespmem:s0+$0x18720]  }
0x118: {  	v3 =	vld [tilespmem:s0+$0x1A710]  }
0x119: {  	v4 =	vld [tilespmem:s0+$0x19710]  }
0x11a: {  	v5 =	vld [tilespmem:s0+$0x1B710];
	_ =	sdelay $0x1  }
0x11b: {  	v1 =	vnsel vm0, $0x0, v1;
	vm0 =	vgt.s32 v2, $0xC37F  }
0x11c: {  	v6 =	vmul.f32 v1, v1;
	v2 =	vadd.s32 $0xFFFF3C80, v2;
	v3 =	vadd.f32 v1, v3  }
0x11d: {  	v1 =	vadd.f32 v4, v1  }
0x11e: {  	[tilespmem:s0+$0x1A710] =	vst v3;
	v3 =	vadd.f32 v5, v6  }
0x11f: {  	[tilespmem:s0+$0x19710] =	vst v1  }
0x120: {  	[tilespmem:s0+$0x1B710] =	vst v3;
	v1 =	vld [tilespmem:s0+$0x18730]  }
0x121: {  	v2 =	vld.idx.msk [tilespmem:v2+s6+$0x0], vm0  }
0x122: {  	v3 =	vld [tilespmem:s0+$0x19720]  }
0x123: {  	v4 =	vld [tilespmem:s0+$0x1A720];
	_ =	sdelay $0x1  }
0x124: {  	v5 =	vld [tilespmem:s0+$0x1B720];
	_ =	sdelay $0x1  }
0x125: {  	v6 =	vadd.s32 $0xFFFF3C80, v1;
	v2 =	vnsel vm0, $0x0, v2;
	vm0 =	vgt.s32 v1, $0xC37F  }
0x126: {  	v1 =	vadd.f32 v2, v4;
	v4 =	vmul.f32 v2, v2;
	v2 =	vadd.f32 v3, v2  }
.Ltmp6:
0x127: {  	(pc) =	sbr.rel @p5 .LBB2_11-.Ltmp6, $4  }
0x128: {  	v3 =	vadd.f32 v5, v4;
	[tilespmem:s0+$0x19720] =	vst v2  }
0x129: {  	s31 =	sshra.s32 s18, $0x2;
	[tilespmem:s0+$0x1A720] =	vst v1  }
0x12a: {  	v1 =	vld [tilespmem:s31+$0x18700];
	[tilespmem:s0+$0x1B720] =	vst v3  }
0x12b: {  	s18 =	sadd.s32 $0x100, s18;
	v2 =	vld.idx.msk [tilespmem:v6+s6+$0x0], vm0  }
0x12c: {  	v3 =	vld [tilespmem:s0+$0x1A730]  }
0x12d: {  	v4 =	vld [tilespmem:s0+$0x19730]  }
0x12e: {  	v5 =	vld [tilespmem:s0+$0x1B730];
	_ =	sdelay $0x1  }
0x12f: {  	vm1 =	vgt.s32 v1, $0xC37F;
	v2 =	vnsel vm0, $0x0, v2  }
0x130: {  	v1 =	vadd.s32 $0xFFFF3C80, v1;
	v3 =	vadd.f32 v2, v3;
	v6 =	vmul.f32 v2, v2  }
0x131: {  	v2 =	vadd.f32 v4, v2  }
0x132: {  	[tilespmem:s0+$0x1A730] =	vst v3;
	v3 =	vadd.f32 v5, v6  }
0x133: {  	[tilespmem:s0+$0x19730] =	vst v2  }
0x134: {  	[tilespmem:s0+$0x1B730] =	vst v3  }
0x135: {  	v1 =	vld.idx.msk [tilespmem:v1+s6+$0x0], vm1  }
0x136: {  	v2 =	vld [tilespmem:s31+$0x18710]  }
0x137: {  	v3 =	vld [tilespmem:s31+$0x1A700]  }
0x138: {  	v52 =	vld [tilespmem:s31+$0x19700]  }
0x139: {  	v53 =	vld [tilespmem:s31+$0x1B700];
	_ =	sdelay $0x1  }
0x13a: {  	v1 =	vnsel vm1, $0x0, v1;
	vm13 =	vgt.s32 v2, $0xC37F  }
0x13b: {  	v2 =	vadd.s32 $0xFFFF3C80, v2;
	v3 =	vadd.f32 v1, v3;
	v54 =	vmul.f32 v1, v1  }
0x13c: {  	v1 =	vadd.f32 v52, v1  }
0x13d: {  	[tilespmem:s31+$0x1A700] =	vst v3;
	v3 =	vadd.f32 v53, v54  }
0x13e: {  	[tilespmem:s31+$0x19700] =	vst v1  }
0x13f: {  	[tilespmem:s31+$0x1B700] =	vst v3  }
0x140: {  	v1 =	vld.idx.msk [tilespmem:v2+s6+$0x0], vm13  }
0x141: {  	v2 =	vld [tilespmem:s31+$0x18720]  }
0x142: {  	v3 =	vld [tilespmem:s31+$0x1A710]  }
0x143: {  	v55 =	vld [tilespmem:s31+$0x19710]  }
0x144: {  	v56 =	vld [tilespmem:s31+$0x1B710];
	_ =	sdelay $0x1  }
0x145: {  	v1 =	vnsel vm13, $0x0, v1;
	vm14 =	vgt.s32 v2, $0xC37F  }
0x146: {  	v2 =	vadd.s32 $0xFFFF3C80, v2;
	v3 =	vadd.f32 v1, v3;
	v57 =	vmul.f32 v1, v1  }
0x147: {  	v1 =	vadd.f32 v55, v1  }
0x148: {  	[tilespmem:s31+$0x1A710] =	vst v3;
	v3 =	vadd.f32 v56, v57  }
0x149: {  	[tilespmem:s31+$0x19710] =	vst v1  }
0x14a: {  	v1 =	vld [tilespmem:s31+$0x18730];
	[tilespmem:s31+$0x1B710] =	vst v3  }
0x14b: {  	v2 =	vld.idx.msk [tilespmem:v2+s6+$0x0], vm14  }
0x14c: {  	v3 =	vld [tilespmem:s31+$0x19720]  }
0x14d: {  	v58 =	vld [tilespmem:s31+$0x1A720]  }
0x14e: {  	v59 =	vld [tilespmem:s31+$0x1B720];
	_ =	sdelay $0x1  }
0x14f: {  	vm15 =	vgt.s32 v1, $0xC37F;
	v2 =	vnsel vm14, $0x0, v2  }
0x150: {  	v1 =	vadd.s32 $0xFFFF3C80, v1;
	v60 =	vmul.f32 v2, v2;
	v3 =	vadd.f32 v3, v2  }
0x151: {  	v2 =	vadd.f32 v2, v58  }
0x152: {  	v61 =	vadd.f32 v59, v60;
	[tilespmem:s31+$0x19720] =	vst v3  }
0x153: {  	[tilespmem:s31+$0x1A720] =	vst v2  }
0x154: {  	[tilespmem:s31+$0x1B720] =	vst v61  }
0x155: {  	v1 =	vld.idx.msk [tilespmem:v1+s6+$0x0], vm15  }
0x156: {  	v2 =	vld [tilespmem:s31+$0x1A730]  }
0x157: {  	v3 =	vld [tilespmem:s31+$0x19730]  }
0x158: {  	v62 =	vld [tilespmem:s31+$0x1B730];
	_ =	sdelay $0x1  }
0x159: {  	v1 =	vnsel vm15, $0x0, v1  }
0x15a: {  	s0 =	sor.u32 @!p4 s25, s13;
	v2 =	vadd.f32 v1, v2;
	v63 =	vmul.f32 v1, v1  }
0x15b: {  	s0 =	sadd.s32 @!p4 s12, s0;
	v1 =	vadd.f32 v3, v1  }
0x15c: {  	s18 =	simm.s32 @!p4 $0xC380;
	s0 =	sadd.s32 @!p4 $0x61C00, s0;
	[tilespmem:s31+$0x1A730] =	vst v2;
	v2 =	vadd.f32 v62, v63  }
0x15d: {  	s11 =	sshll.u32 s11, $0x9;
	s13 =	simm.s32 @!p4 $0x400;
	s0 =	sshrl.u32 @!p4 s0, $0x3;
	[tilespmem:s31+$0x19730] =	vst v1  }
0x15e: {  	s12 =	simm.s32 @!p4 $0x80;
	s0 =	sadd.s32 @!p4 s2, s0;
	[tilespmem:s31+$0x1B730] =	vst v2;
	s31 =	sshll.u32 s24, $0xE  }
0x15f: {  	[tilespmem:s18], [sflag:$0x2] =	stream.strided.gather @!p4 [hbm4b:s0+s12], $0xC380, s13, s12, $0x38;
	[tilespmem:$0x1C800] =	vst v63  }
0x160: {  	s28 =	sadd.s32 $0x1, s28;
	s11 =	sand.u32 $0x3000, s11;
	s0 =	sadd.s32 s5, s31  }
0x161: {  	p4 =	sne.s32 s28, $0x1A;
	s0 =	sadd.s32 s11, s0  }
.Ltmp7:
0x162: {  	s0 =	sadd.s32 s22, s0;
	(pc) =	sbr.rel @p4 .LBB2_4-.Ltmp7, $4  }
0x163: {  	[hbm4b:s0+s29] =	stream.strided.scatter [tilespmem:s4], [sflag:$0x3], $0x1000, s30, s29, $0x38;
	[tilespmem:$0x1C800] =	vst v63  }
0x164: {  	_ =	swait.ge [sflag:s1], $0x1000  }
0x165: {  	[sflag:s1] =	ssyncset.done $0x0  }
0x166: {  	s0 =	smov.u32 s24;
	[sflag:s1] =	ssyncadd.s32 $0xFFFFF000  }
0x167: {  	s0 =	ssub.s32 s24, s10  }
0x168: {  	s11 =	sshll.u32 s0, $0xC  }
0x169: {  	s0 =	sshll.u32 s0, $0x7;
	s11 =	sand.u32 $0xFFFFE000, s11  }
0x16a: {  	s0 =	sand.u32 $0x80, s0;
	s12 =	sadd.s32 s14, s11  }
0x16b: {  	s12 =	sor.u32 s0, s12  }
0x16c: {  	s12 =	sshrl.u32 s12, $0x3  }
0x16d: {  	s13 =	simm.s32 $0x1A700;
	s11 =	sadd.s32 s11, s15;
	s12 =	sadd.s32 s9, s12  }
0x16e: {  	[hbm4b:s12+s29] =	stream.strided.scatter [tilespmem:s13], [sflag:$0x3], $0x1000, s17, s29, $0x38;
	[tilespmem:$0x1C800] =	vst v63  }
0x16f: {  	s0 =	sor.u32 s0, s11;
	_ =	swait.ge [sflag:s1], $0x1000  }
0x170: {  	s0 =	sshrl.u32 s0, $0x3;
	[sflag:s1] =	ssyncset.done $0x0  }
0x171: {  	s0 =	sadd.s32 s9, s0;
	[sflag:s1] =	ssyncadd.s32 $0xFFFFF000  }
0x172: {  	[hbm4b:s0+s29] =	stream.strided.scatter [tilespmem:s19], [sflag:$0x3], $0x1000, s17, s29, $0x38;
	[tilespmem:$0x1C800] =	vst v63  }
.Ltmp8:
0x173: {  	_ =	swait.ge [sflag:s1], $0x1000;
	(pc) =	sbr.rel @p3 .LBB2_44-.Ltmp8, $4  }
0x174: {  	[sflag:s1] =	ssyncset.done $0x0  }
0x175: {  	[sflag:s1] =	ssyncadd.s32 $0xFFFFF000  }
0x176: {  	[bflag:$0x0] =	sbarrier.arrive $0xFFFF  }
0x177: {  	s11 =	rddreg [dreg:$0x13]  }
0x178: {  	s0 =	simm.s32 $0x40;
	s11 =	simm.s32 $0x0  }
.LBB2_15:
0x179: {  	p4 =	sne.s32 s0, $0x3FC0;
	[tilespmem:s11+$0x1A700] =	vst v0;
	s12 =	smov.u32 s0;
	s0 =	sadd.s32 $0x40, s0  }
.Ltmp9:
0x17a: {  	[tilespmem:s11+$0x1B700] =	vst v0;
	(pc) =	sbr.rel @p4 .LBB2_15-.Ltmp9, $2  }
0x17b: {  	_ =	sdelay $0x2  }
0x17c: {  	s11 =	sshra.s32 s12, $0x2  }
.Ltmp10:
0x17d: {  	(pc) =	sbr.rel @!p0 .LBB2_22-.Ltmp10, $3  }
0x17e: {  	_ =	sdelay $0x1  }
0x17f: {  	[tilespmem:s11+$0x1A700] =	vst v0  }
0x180: {  	[tilespmem:s11+$0x1B700] =	vst v0  }
0x181: {  	s0 =	rddreg [dreg:$0xa]  }
0x182: {  	[tilespmem:s4], [sflag:$0x3] =	stream.strided.gather [hbm4b:s0+s29], $0x1000, s17, s29, $0x38;
	[tilespmem:$0x1C800] =	vst v63  }
0x183: {  	_ =	swait.ge [sflag:s1], $0x1000  }
0x184: {  	[sflag:s1] =	ssyncset.done $0x0  }
0x185: {  	s0 =	simm.s32 $0x0;
	[sflag:s1] =	ssyncadd.s32 $0xFFFFF000  }
0x186: {  	s11 =	simm.s32 $0x40;
	v1 =	vld [tilespmem:s0+$0x19700]  }
.LBB2_18:
0x187: {  	p4 =	sne.s32 s11, $0x3FC0;
	v2 =	vld [tilespmem:s0+$0x1A700];
	_ =	sdelay $0x2  }
.Ltmp11:
0x188: {  	(pc) =	sbr.rel @p4 .LBB2_18-.Ltmp11, $4  }
0x189: {  	_ = 	snop  }
0x18a: {  	v2 =	vadd.f32 v1, v2  }
0x18b: {  	s12 =	sshra.s32 s11, $0x2  }
0x18c: {  	s11 =	sadd.s32 $0x40, s11;
	v1 =	vld [tilespmem:s12+$0x19700];
	[tilespmem:s0+$0x1A700] =	vst v2;
	s0 =	smov.u32 s12  }
0x18d: {  	v2 =	vld [tilespmem:s0+$0x1A700];
	_ =	sdelay $0x4  }
0x18e: {  	v1 =	vadd.f32 v1, v2;
	_ =	sdelay $0x1  }
0x18f: {  	s31 =	rddreg [dreg:$0xb];
	[tilespmem:s0+$0x1A700] =	vst v1  }
0x190: {  	[tilespmem:s4], [sflag:$0x3] =	stream.strided.gather [hbm4b:s31+s29], $0x1000, s17, s29, $0x38;
	[tilespmem:$0x1C800] =	vst v63  }
0x191: {  	_ =	swait.ge [sflag:s1], $0x1000  }
0x192: {  	[sflag:s1] =	ssyncset.done $0x0  }
0x193: {  	s0 =	simm.s32 $0x0;
	[sflag:s1] =	ssyncadd.s32 $0xFFFFF000  }
0x194: {  	s11 =	simm.s32 $0x40;
	v1 =	vld [tilespmem:s0+$0x19700]  }
.LBB2_20:
0x195: {  	p4 =	sne.s32 s11, $0x3FC0;
	v2 =	vld [tilespmem:s0+$0x1B700];
	_ =	sdelay $0x2  }
.Ltmp12:
0x196: {  	(pc) =	sbr.rel @p4 .LBB2_20-.Ltmp12, $4  }
0x197: {  	_ = 	snop  }
0x198: {  	v2 =	vadd.f32 v1, v2  }
0x199: {  	s12 =	sshra.s32 s11, $0x2  }
0x19a: {  	s11 =	sadd.s32 $0x40, s11;
	v1 =	vld [tilespmem:s12+$0x19700];
	[tilespmem:s0+$0x1B700] =	vst v2;
	s0 =	smov.u32 s12  }
0x19b: {  	v2 =	vld [tilespmem:s0+$0x1B700];
	_ =	sdelay $0x4  }
0x19c: {  	v1 =	vadd.f32 v1, v2;
	_ =	sdelay $0x1  }
0x19d: {  	[tilespmem:s0+$0x1B700] =	vst v1  }
.LBB2_22:
.Ltmp13:
0x19e: {  	(pc) =	sbr.rel @!p1 .LBB2_28-.Ltmp13, $1  }
0x19f: {  	_ =	sdelay $0x3  }
0x1a0: {  	s0 =	rddreg [dreg:$0xc]  }
0x1a1: {  	[tilespmem:s4], [sflag:$0x3] =	stream.strided.gather [hbm4b:s0+s29], $0x1000, s17, s29, $0x38;
	[tilespmem:$0x1C800] =	vst v63  }
0x1a2: {  	_ =	swait.ge [sflag:s1], $0x1000  }
0x1a3: {  	[sflag:s1] =	ssyncset.done $0x0  }
0x1a4: {  	s0 =	simm.s32 $0x0;
	[sflag:s1] =	ssyncadd.s32 $0xFFFFF000  }
0x1a5: {  	s11 =	simm.s32 $0x40;
	v1 =	vld [tilespmem:s0+$0x19700]  }
.LBB2_24:
0x1a6: {  	p4 =	sne.s32 s11, $0x3FC0;
	v2 =	vld [tilespmem:s0+$0x1A700];
	_ =	sdelay $0x2  }
.Ltmp14:
0x1a7: {  	(pc) =	sbr.rel @p4 .LBB2_24-.Ltmp14, $4  }
0x1a8: {  	_ = 	snop  }
0x1a9: {  	v2 =	vadd.f32 v1, v2  }
0x1aa: {  	s12 =	sshra.s32 s11, $0x2  }
0x1ab: {  	s11 =	sadd.s32 $0x40, s11;
	v1 =	vld [tilespmem:s12+$0x19700];
	[tilespmem:s0+$0x1A700] =	vst v2;
	s0 =	smov.u32 s12  }
0x1ac: {  	v2 =	vld [tilespmem:s0+$0x1A700];
	_ =	sdelay $0x4  }
0x1ad: {  	v1 =	vadd.f32 v1, v2;
	_ =	sdelay $0x1  }
0x1ae: {  	s31 =	rddreg [dreg:$0xd];
	[tilespmem:s0+$0x1A700] =	vst v1  }
0x1af: {  	[tilespmem:s4], [sflag:$0x3] =	stream.strided.gather [hbm4b:s31+s29], $0x1000, s17, s29, $0x38;
	[tilespmem:$0x1C800] =	vst v63  }
0x1b0: {  	_ =	swait.ge [sflag:s1], $0x1000  }
0x1b1: {  	[sflag:s1] =	ssyncset.done $0x0  }
0x1b2: {  	s0 =	simm.s32 $0x0;
	[sflag:s1] =	ssyncadd.s32 $0xFFFFF000  }
0x1b3: {  	s11 =	simm.s32 $0x40;
	v1 =	vld [tilespmem:s0+$0x19700]  }
.LBB2_26:
0x1b4: {  	p4 =	sne.s32 s11, $0x3FC0;
	v2 =	vld [tilespmem:s0+$0x1B700];
	_ =	sdelay $0x2  }
.Ltmp15:
0x1b5: {  	(pc) =	sbr.rel @p4 .LBB2_26-.Ltmp15, $4  }
0x1b6: {  	_ = 	snop  }
0x1b7: {  	v2 =	vadd.f32 v1, v2  }
0x1b8: {  	s12 =	sshra.s32 s11, $0x2  }
0x1b9: {  	s11 =	sadd.s32 $0x40, s11;
	v1 =	vld [tilespmem:s12+$0x19700];
	[tilespmem:s0+$0x1B700] =	vst v2;
	s0 =	smov.u32 s12  }
0x1ba: {  	v2 =	vld [tilespmem:s0+$0x1B700];
	_ =	sdelay $0x4  }
0x1bb: {  	v1 =	vadd.f32 v1, v2;
	_ =	sdelay $0x1  }
0x1bc: {  	[tilespmem:s0+$0x1B700] =	vst v1  }
.LBB2_28:
.Ltmp16:
0x1bd: {  	(pc) =	sbr.rel @!p2 .LBB2_34-.Ltmp16, $1  }
0x1be: {  	_ =	sdelay $0x3  }
0x1bf: {  	s0 =	rddreg [dreg:$0xe]  }
0x1c0: {  	[tilespmem:s4], [sflag:$0x3] =	stream.strided.gather [hbm4b:s0+s29], $0x1000, s17, s29, $0x38;
	[tilespmem:$0x1C800] =	vst v63  }
0x1c1: {  	_ =	swait.ge [sflag:s1], $0x1000  }
0x1c2: {  	[sflag:s1] =	ssyncset.done $0x0  }
0x1c3: {  	s0 =	simm.s32 $0x0;
	[sflag:s1] =	ssyncadd.s32 $0xFFFFF000  }
0x1c4: {  	s11 =	simm.s32 $0x40;
	v1 =	vld [tilespmem:s0+$0x19700]  }
.LBB2_30:
0x1c5: {  	p4 =	sne.s32 s11, $0x3FC0;
	v2 =	vld [tilespmem:s0+$0x1A700];
	_ =	sdelay $0x2  }
.Ltmp17:
0x1c6: {  	(pc) =	sbr.rel @p4 .LBB2_30-.Ltmp17, $4  }
0x1c7: {  	_ = 	snop  }
0x1c8: {  	v2 =	vadd.f32 v1, v2  }
0x1c9: {  	s12 =	sshra.s32 s11, $0x2  }
0x1ca: {  	s11 =	sadd.s32 $0x40, s11;
	v1 =	vld [tilespmem:s12+$0x19700];
	[tilespmem:s0+$0x1A700] =	vst v2;
	s0 =	smov.u32 s12  }
0x1cb: {  	v2 =	vld [tilespmem:s0+$0x1A700];
	_ =	sdelay $0x4  }
0x1cc: {  	v1 =	vadd.f32 v1, v2;
	_ =	sdelay $0x1  }
0x1cd: {  	s31 =	rddreg [dreg:$0xf];
	[tilespmem:s0+$0x1A700] =	vst v1  }
0x1ce: {  	[tilespmem:s4], [sflag:$0x3] =	stream.strided.gather [hbm4b:s31+s29], $0x1000, s17, s29, $0x38;
	[tilespmem:$0x1C800] =	vst v63  }
0x1cf: {  	_ =	swait.ge [sflag:s1], $0x1000  }
0x1d0: {  	[sflag:s1] =	ssyncset.done $0x0  }
0x1d1: {  	s0 =	simm.s32 $0x0;
	[sflag:s1] =	ssyncadd.s32 $0xFFFFF000  }
0x1d2: {  	s11 =	simm.s32 $0x40;
	v1 =	vld [tilespmem:s0+$0x19700]  }
.LBB2_32:
0x1d3: {  	p4 =	sne.s32 s11, $0x3FC0;
	v2 =	vld [tilespmem:s0+$0x1B700];
	_ =	sdelay $0x2  }
.Ltmp18:
0x1d4: {  	(pc) =	sbr.rel @p4 .LBB2_32-.Ltmp18, $4  }
0x1d5: {  	_ = 	snop  }
0x1d6: {  	v2 =	vadd.f32 v1, v2  }
0x1d7: {  	s12 =	sshra.s32 s11, $0x2  }
0x1d8: {  	s11 =	sadd.s32 $0x40, s11;
	v1 =	vld [tilespmem:s12+$0x19700];
	[tilespmem:s0+$0x1B700] =	vst v2;
	s0 =	smov.u32 s12  }
0x1d9: {  	v2 =	vld [tilespmem:s0+$0x1B700];
	_ =	sdelay $0x4  }
0x1da: {  	v1 =	vadd.f32 v1, v2;
	_ =	sdelay $0x1  }
0x1db: {  	[tilespmem:s0+$0x1B700] =	vst v1  }
.LBB2_34:
0x1dc: {  	s0 =	simm.s32 $0x0;
	s11 =	rddreg [dreg:$0x2]  }
0x1dd: {  	[tilespmem:s20], [sflag:$0x3] =	stream.linear.gather [hbm4b:s11+s0], $0x80, $0x38;
	[tilespmem:$0x1C800] =	vst v63  }
0x1de: {  	_ =	swait.ge [sflag:s1], $0x80  }
0x1df: {  	[sflag:s1] =	ssyncset.done $0x0  }
0x1e0: {  	[sflag:s1] =	ssyncadd.s32 $0xFFFFFF80  }
0x1e1: {  	s31 =	rddreg [dreg:$0x3]  }
0x1e2: {  	[tilespmem:s21], [sflag:$0x3] =	stream.linear.gather [hbm4b:s31+s0], $0x80, $0x38;
	[tilespmem:$0x1C800] =	vst v63  }
0x1e3: {  	_ =	swait.ge [sflag:s1], $0x80  }
0x1e4: {  	[sflag:s1] =	ssyncset.done $0x0  }
0x1e5: {  	s0 =	simm.s32 $0x0;
	[sflag:s1] =	ssyncadd.s32 $0xFFFFFF80  }
0x1e6: {  	v1 =	vld [tilespmem:s0+$0x1A700];
	_ =	sdelay $0x1  }
0x1e7: {  	v2 =	vld [tilespmem:s0+$0x1B700];
	_ =	sdelay $0x2  }
0x1e8: {  	v1 =	vmul.f32 $3.125000000e-02, v1;
	_ =	sdelay $0x1  }
0x1e9: {  	v2 =	vmul.f32 $3.125000000e-02, v2;
	v3 =	vmul.f32 v1, v1;
	_ =	sdelay $0x1  }
0x1ea: {  	v2 =	vsub.f32 v2, v3;
	_ =	sdelay $0x1  }
0x1eb: {  	v2 =	vadd.f32 $9.999999740e-06, v2;
	_ =	sdelay $0x1  }
0x1ec: {  	v3 =	vshra.s32 v2, $0x1;
	v2 =	vmul.f32 $5.000000000e-01, v2  }
0x1ed: {  	v3 =	vsub.s32 $0x5F3759DF, v3  }
0x1ee: {  	v4 =	vmul.f32 v3, v2;
	_ =	sdelay $0x1  }
0x1ef: {  	v4 =	vmul.f32 v3, v4;
	_ =	sdelay $0x1  }
0x1f0: {  	v4 =	vsub.f32 $1.500000000e+00, v4;
	_ =	sdelay $0x1  }
0x1f1: {  	v3 =	vmul.f32 v3, v4;
	_ =	sdelay $0x1  }
0x1f2: {  	v4 =	vmul.f32 v3, v2;
	_ =	sdelay $0x1  }
0x1f3: {  	v4 =	vmul.f32 v4, v3;
	_ =	sdelay $0x1  }
0x1f4: {  	v4 =	vsub.f32 $1.500000000e+00, v4;
	_ =	sdelay $0x1  }
0x1f5: {  	v3 =	vmul.f32 v4, v3;
	_ =	sdelay $0x1  }
0x1f6: {  	v2 =	vmul.f32 v3, v2;
	_ =	sdelay $0x1  }
0x1f7: {  	v2 =	vmul.f32 v2, v3;
	_ =	sdelay $0x1  }
0x1f8: {  	v2 =	vsub.f32 $1.500000000e+00, v2;
	_ =	sdelay $0x1  }
0x1f9: {  	s12 =	simm.s32 $0x10;
	[tilespmem:s0+$0x1A700] =	vst v1;
	v2 =	vmul.f32 v2, v3  }
0x1fa: {  	s11 =	simm.s32 $0x80;
	v1 =	vld [tilespmem:s12+$0x1A700]  }
.LBB2_35:
0x1fb: {  	p4 =	sne.s32 s11, $0x3FC0;
	[tilespmem:s0+$0x1B700] =	vst v2;
	s13 =	smov.u32 s11;
	s11 =	sadd.s32 $0x40, s11  }
0x1fc: {  	s0 =	smov.u32 s12;
	v2 =	vld [tilespmem:s12+$0x1B700];
	_ =	sdelay $0x2  }
0x1fd: {  	v1 =	vmul.f32 $3.125000000e-02, v1;
	_ =	sdelay $0x1  }
0x1fe: {  	v2 =	vmul.f32 $3.125000000e-02, v2;
	v3 =	vmul.f32 v1, v1;
	[tilespmem:s0+$0x1A700] =	vst v1;
	_ =	sdelay $0x1  }
0x1ff: {  	v1 =	vsub.f32 v2, v3;
	_ =	sdelay $0x1  }
0x200: {  	v1 =	vadd.f32 $9.999999740e-06, v1;
	_ =	sdelay $0x1  }
0x201: {  	v2 =	vshra.s32 v1, $0x1;
	v1 =	vmul.f32 $5.000000000e-01, v1  }
0x202: {  	v2 =	vsub.s32 $0x5F3759DF, v2  }
0x203: {  	v3 =	vmul.f32 v2, v1;
	_ =	sdelay $0x1  }
0x204: {  	v3 =	vmul.f32 v2, v3;
	_ =	sdelay $0x1  }
0x205: {  	v3 =	vsub.f32 $1.500000000e+00, v3;
	_ =	sdelay $0x1  }
0x206: {  	v2 =	vmul.f32 v2, v3;
	_ =	sdelay $0x1  }
0x207: {  	v3 =	vmul.f32 v2, v1;
	_ =	sdelay $0x1  }
0x208: {  	v3 =	vmul.f32 v3, v2;
	_ =	sdelay $0x1  }
0x209: {  	v3 =	vsub.f32 $1.500000000e+00, v3;
	_ =	sdelay $0x1  }
0x20a: {  	v2 =	vmul.f32 v3, v2;
	_ =	sdelay $0x1  }
0x20b: {  	v1 =	vmul.f32 v2, v1;
	_ =	sdelay $0x1  }
0x20c: {  	v1 =	vmul.f32 v1, v2  }
.Ltmp19:
0x20d: {  	(pc) =	sbr.rel @p4 .LBB2_35-.Ltmp19, $3  }
0x20e: {  	v1 =	vsub.f32 $1.500000000e+00, v1;
	_ =	sdelay $0x1  }
0x20f: {  	s12 =	sshra.s32 s13, $0x2;
	v2 =	vmul.f32 v1, v2  }
0x210: {  	v1 =	vld [tilespmem:s12+$0x1A700]  }
0x211: {  	[tilespmem:s0+$0x1B700] =	vst v2  }
0x212: {  	v2 =	vld [tilespmem:s12+$0x1B700];
	_ =	sdelay $0x2  }
0x213: {  	v1 =	vmul.f32 $3.125000000e-02, v1;
	_ =	sdelay $0x1  }
0x214: {  	v2 =	vmul.f32 $3.125000000e-02, v2;
	v3 =	vmul.f32 v1, v1;
	_ =	sdelay $0x1  }
0x215: {  	v2 =	vsub.f32 v2, v3;
	_ =	sdelay $0x1  }
0x216: {  	v2 =	vadd.f32 $9.999999740e-06, v2;
	_ =	sdelay $0x1  }
0x217: {  	v3 =	vshra.s32 v2, $0x1;
	v2 =	vmul.f32 $5.000000000e-01, v2  }
0x218: {  	v3 =	vsub.s32 $0x5F3759DF, v3  }
0x219: {  	v4 =	vmul.f32 v3, v2;
	_ =	sdelay $0x1  }
0x21a: {  	v4 =	vmul.f32 v3, v4;
	_ =	sdelay $0x1  }
0x21b: {  	v4 =	vsub.f32 $1.500000000e+00, v4;
	_ =	sdelay $0x1  }
0x21c: {  	v3 =	vmul.f32 v3, v4;
	_ =	sdelay $0x1  }
0x21d: {  	v4 =	vmul.f32 v3, v2;
	_ =	sdelay $0x1  }
0x21e: {  	v4 =	vmul.f32 v4, v3;
	_ =	sdelay $0x1  }
0x21f: {  	v4 =	vsub.f32 $1.500000000e+00, v4;
	_ =	sdelay $0x1  }
0x220: {  	v3 =	vmul.f32 v4, v3;
	_ =	sdelay $0x1  }
0x221: {  	v2 =	vmul.f32 v3, v2;
	_ =	sdelay $0x1  }
0x222: {  	v2 =	vmul.f32 v2, v3;
	_ =	sdelay $0x1  }
0x223: {  	v2 =	vsub.f32 $1.500000000e+00, v2;
	_ =	sdelay $0x1  }
0x224: {  	v2 =	vmul.f32 v2, v3  }
0x225: {  	[tilespmem:s12+$0x1A700] =	vst v1  }
0x226: {  	s11 =	simm.s32 $0x0;
	s28 =	rddreg [dreg:$0x10];
	[tilespmem:s12+$0x1B700] =	vst v2  }
0x227: {  	[tilespmem:s11], [sflag:$0x1] =	stream.strided.gather [hbm4b:s28+s29], $0x1000, s30, s29, $0x38;
	[tilespmem:$0x1C800] =	vst v63  }
0x228: {  	s31 =	rddreg [dreg:$0x12]  }
0x229: {  	[tilespmem:s6], [sflag:$0x2] =	stream.strided.gather [hbm4b:s31+s29], $0x1000, s30, s29, $0x38;
	[tilespmem:$0x1C800] =	vst v63  }
.LBB2_37:
0x22a: {  	_ =	swait.ge [sflag:s26], $0x1000  }
0x22b: {  	[sflag:s26] =	ssyncset.done $0x0  }
0x22c: {  	s13 =	simm.s32 $0x0;
	[sflag:s26] =	ssyncadd.s32 $0xFFFFF000  }
0x22d: {  	v4 =	vld [tilespmem:s13+$0x1B700]  }
0x22e: {  	s12 =	sshll.u32 s11, $0x1;
	v3 =	vld [tilespmem:s13+$0x1B710]  }
0x22f: {  	v1 =	vmov s12;
	v7 =	vld [tilespmem:s13+$0x1A700]  }
0x230: {  	v1 =	vbroadcast v1, $0x0;
	v8 =	vld [tilespmem:s13+$0x1A710]  }
0x231: {  	v6 =	vld [tilespmem:s13+$0x1A720]  }
0x232: {  	v5 =	vld [tilespmem:s13+$0x1A730]  }
0x233: {  	v10 =	vld [tilespmem:s13+$0x0]  }
0x234: {  	v11 =	vld [tilespmem:s13+$0x10]  }
0x235: {  	v9 =	vld [tilespmem:s13+$0x20]  }
0x236: {  	v2 =	vld.idx.msk [tilespmem:v1+s20+$0x0], $0xffff  }
0x237: {  	s0 =	simm.s32 $0x100;
	v1 =	vld.idx.msk [tilespmem:v1+s21+$0x0], $0xffff  }
.LBB2_38:
0x238: {  	p4 =	sne.s32 s0, $0x3F00;
	v12 =	vld [tilespmem:s13+$0x30]  }
0x239: {  	v13 =	vld [tilespmem:s13+$0x1B720]  }
0x23a: {  	v7 =	vsub.f32 v10, v7;
	v10 =	vld [tilespmem:s13+$0x1B730]  }
0x23b: {  	v8 =	vsub.f32 v11, v8  }
0x23c: {  	s18 =	sshra.s32 s0, $0x2;
	v7 =	vmul.f32 v4, v7;
	v6 =	vsub.f32 v9, v6  }
0x23d: {  	v4 =	vld [tilespmem:s18+$0x1B700];
	v8 =	vmul.f32 v3, v8;
	v5 =	vsub.f32 v12, v5  }
0x23e: {  	v3 =	vld [tilespmem:s18+$0x1B710];
	v9 =	vmul.f32 v7, v2;
	v6 =	vmul.f32 v13, v6  }
0x23f: {  	v7 =	vld [tilespmem:s18+$0x1A700];
	v11 =	vmul.f32 v8, v2;
	v5 =	vmul.f32 v10, v5  }
0x240: {  	v8 =	vld [tilespmem:s18+$0x1A710];
	v9 =	vadd.f32 v9, v1;
	v10 =	vmul.f32 v6, v2  }
.Ltmp20:
0x241: {  	v6 =	vld [tilespmem:s18+$0x1A720];
	v11 =	vadd.f32 v11, v1;
	v12 =	vmul.f32 v5, v2;
	(pc) =	sbr.rel @p4 .LBB2_38-.Ltmp20, $4  }
0x242: {  	v5 =	vld [tilespmem:s18+$0x1A730];
	[tilespmem:s13+$0x0] =	vst v9;
	v9 =	vadd.f32 v10, v1  }
0x243: {  	v10 =	vld [tilespmem:s18+$0x0];
	[tilespmem:s13+$0x10] =	vst v11;
	v12 =	vadd.f32 v12, v1  }
0x244: {  	v11 =	vld [tilespmem:s18+$0x10];
	[tilespmem:s13+$0x20] =	vst v9  }
0x245: {  	s0 =	sadd.s32 $0x100, s0;
	v9 =	vld [tilespmem:s18+$0x20];
	[tilespmem:s13+$0x30] =	vst v12;
	s13 =	smov.u32 s18  }
0x246: {  	v12 =	vld [tilespmem:s13+$0x30]  }
0x247: {  	v13 =	vld [tilespmem:s13+$0x1B720]  }
0x248: {  	v7 =	vsub.f32 v10, v7;
	v10 =	vld [tilespmem:s13+$0x1B730]  }
0x249: {  	v8 =	vsub.f32 v11, v8  }
0x24a: {  	v4 =	vmul.f32 v4, v7;
	v6 =	vsub.f32 v9, v6  }
0x24b: {  	v3 =	vmul.f32 v3, v8;
	v5 =	vsub.f32 v12, v5  }
0x24c: {  	v4 =	vmul.f32 v4, v2;
	v6 =	vmul.f32 v13, v6  }
0x24d: {  	v3 =	vmul.f32 v3, v2;
	v5 =	vmul.f32 v10, v5  }
0x24e: {  	s0 =	sshll.u32 s11, $0x8;
	v4 =	vadd.f32 v4, v1;
	v6 =	vmul.f32 v6, v2  }
0x24f: {  	s25 =	sshll.u32 s11, $0xD;
	s18 =	sand.u32 $0x300, s0;
	v3 =	vadd.f32 v3, v1;
	v2 =	vmul.f32 v5, v2  }
0x250: {  	s0 =	sand.u32 $0x18000, s25;
	s18 =	sor.u32 s18, s23;
	[tilespmem:s13+$0x0] =	vst v4;
	v4 =	vadd.f32 v6, v1  }
0x251: {  	s18 =	sor.u32 s0, s18;
	[tilespmem:s13+$0x10] =	vst v3;
	v1 =	vadd.f32 v2, v1  }
0x252: {  	s22 =	sshrl.u32 s18, $0x3;
	s18 =	sor.u32 $0x1, s12;
	[tilespmem:s13+$0x20] =	vst v4  }
0x253: {  	s31 =	simm.s32 $0x0;
	s28 =	sadd.s32 s5, s22;
	[tilespmem:s13+$0x30] =	vst v1;
	v1 =	vmov s18  }
0x254: {  	[hbm4b:s28+s29] =	stream.strided.scatter [tilespmem:s31], [sflag:$0x1], $0x1000, s30, s29, $0x38;
	[tilespmem:$0x1C800] =	vst v63  }
0x255: {  	_ =	swait.ge [sflag:s3], $0x1000  }
0x256: {  	[sflag:s3] =	ssyncset.done $0x0  }
0x257: {  	[sflag:s3] =	ssyncadd.s32 $0xFFFFF000  }
0x258: {  	v2 =	vld.idx.msk [tilespmem:v1+s20+$0x0], $0xffff  }
0x259: {  	s13 =	simm.s32 $0x0;
	v1 =	vld.idx.msk [tilespmem:v1+s21+$0x0], $0xffff  }
0x25a: {  	v4 =	vld [tilespmem:s13+$0x1B700]  }
0x25b: {  	v3 =	vld [tilespmem:s13+$0x1B710]  }
0x25c: {  	v7 =	vld [tilespmem:s13+$0x1A700]  }
0x25d: {  	v8 =	vld [tilespmem:s13+$0x1A710]  }
0x25e: {  	v6 =	vld [tilespmem:s13+$0x1A720]  }
0x25f: {  	v5 =	vld [tilespmem:s13+$0x1A730]  }
0x260: {  	v10 =	vld [tilespmem:s13+$0xC380]  }
0x261: {  	v11 =	vld [tilespmem:s13+$0xC390]  }
0x262: {  	s22 =	simm.s32 $0x100;
	v9 =	vld [tilespmem:s13+$0xC3A0]  }
.LBB2_40:
0x263: {  	p4 =	sne.s32 s22, $0x3F00;
	v12 =	vld [tilespmem:s13+$0xC3B0]  }
0x264: {  	v13 =	vld [tilespmem:s13+$0x1B720]  }
0x265: {  	v7 =	vsub.f32 v10, v7;
	v10 =	vld [tilespmem:s13+$0x1B730]  }
0x266: {  	v8 =	vsub.f32 v11, v8  }
0x267: {  	s24 =	sshra.s32 s22, $0x2;
	v7 =	vmul.f32 v4, v7;
	v6 =	vsub.f32 v9, v6  }
0x268: {  	v4 =	vld [tilespmem:s24+$0x1B700];
	v8 =	vmul.f32 v3, v8;
	v5 =	vsub.f32 v12, v5  }
0x269: {  	v3 =	vld [tilespmem:s24+$0x1B710];
	v9 =	vmul.f32 v7, v2;
	v6 =	vmul.f32 v13, v6  }
0x26a: {  	v7 =	vld [tilespmem:s24+$0x1A700];
	v11 =	vmul.f32 v8, v2;
	v5 =	vmul.f32 v10, v5  }
0x26b: {  	v8 =	vld [tilespmem:s24+$0x1A710];
	v9 =	vadd.f32 v9, v1;
	v10 =	vmul.f32 v6, v2  }
.Ltmp21:
0x26c: {  	v6 =	vld [tilespmem:s24+$0x1A720];
	v11 =	vadd.f32 v11, v1;
	v12 =	vmul.f32 v5, v2;
	(pc) =	sbr.rel @p4 .LBB2_40-.Ltmp21, $4  }
0x26d: {  	v5 =	vld [tilespmem:s24+$0x1A730];
	[tilespmem:s13+$0xC380] =	vst v9;
	v9 =	vadd.f32 v10, v1  }
0x26e: {  	v10 =	vld [tilespmem:s24+$0xC380];
	[tilespmem:s13+$0xC390] =	vst v11;
	v12 =	vadd.f32 v12, v1  }
0x26f: {  	v11 =	vld [tilespmem:s24+$0xC390];
	[tilespmem:s13+$0xC3A0] =	vst v9  }
0x270: {  	s22 =	sadd.s32 $0x100, s22;
	v9 =	vld [tilespmem:s24+$0xC3A0];
	[tilespmem:s13+$0xC3B0] =	vst v12;
	s13 =	smov.u32 s24  }
0x271: {  	v12 =	vld [tilespmem:s13+$0xC3B0]  }
0x272: {  	v13 =	vld [tilespmem:s13+$0x1B720]  }
0x273: {  	v62 =	vld [tilespmem:s13+$0x1B730];
	v7 =	vsub.f32 v10, v7  }
0x274: {  	v8 =	vsub.f32 v11, v8  }
0x275: {  	v4 =	vmul.f32 v4, v7;
	v6 =	vsub.f32 v9, v6  }
0x276: {  	v3 =	vmul.f32 v3, v8;
	v5 =	vsub.f32 v12, v5  }
0x277: {  	v4 =	vmul.f32 v4, v2;
	v6 =	vmul.f32 v13, v6  }
0x278: {  	v3 =	vmul.f32 v3, v2;
	v5 =	vmul.f32 v62, v5  }
0x279: {  	s18 =	sshll.u32 s18, $0x7;
	v4 =	vadd.f32 v4, v1;
	v6 =	vmul.f32 v6, v2  }
0x27a: {  	s18 =	sand.u32 $0x380, s18;
	v3 =	vadd.f32 v3, v1;
	v2 =	vmul.f32 v5, v2  }
0x27b: {  	s18 =	sor.u32 s18, s23;
	[tilespmem:s13+$0xC380] =	vst v4;
	v63 =	vadd.f32 v6, v1  }
0x27c: {  	s0 =	sor.u32 s0, s18;
	[tilespmem:s13+$0xC390] =	vst v3;
	v1 =	vadd.f32 v2, v1  }
0x27d: {  	p4 =	seq.s32 s11, $0xF;
	s0 =	sshrl.u32 s0, $0x3;
	[tilespmem:s13+$0xC3A0] =	vst v63  }
.Ltmp22:
0x27e: {  	s0 =	sadd.s32 s5, s0;
	[tilespmem:s13+$0xC3B0] =	vst v1;
	(pc) =	sbr.rel @p4 .LBB2_43-.Ltmp22, $4  }
0x27f: {  	[hbm4b:s0+s29] =	stream.strided.scatter [tilespmem:s6], [sflag:$0x2], $0x1000, s30, s29, $0x38;
	[tilespmem:$0x1C800] =	vst v63  }
0x280: {  	_ =	swait.ge [sflag:s26], $0x1000  }
0x281: {  	[sflag:s26] =	ssyncset.done $0x0  }
0x282: {  	[sflag:s26] =	ssyncadd.s32 $0xFFFFF000  }
0x283: {  	s0 =	sadd.s32 $0x2, s12  }
0x284: {  	s13 =	sshll.u32 s0, $0xC  }
0x285: {  	s0 =	sshll.u32 s0, $0x7;
	s13 =	sand.u32 $0x38000, s13  }
0x286: {  	s0 =	sand.u32 $0x300, s0;
	s13 =	sadd.s32 s23, s13  }
0x287: {  	s0 =	sor.u32 s0, s13  }
0x288: {  	s31 =	sadd.s32 $0x3, s12;
	s0 =	sshrl.u32 s0, $0x3  }
0x289: {  	s12 =	sshll.u32 s31, $0xC;
	s0 =	sadd.s32 s5, s0  }
0x28a: {  	[tilespmem:s7], [sflag:$0x1] =	stream.strided.gather [hbm4b:s0+s29], $0x1000, s30, s29, $0x38;
	[tilespmem:$0x1C800] =	vst v63  }
0x28b: {  	s12 =	sand.u32 $0x38000, s12;
	s0 =	sshll.u32 s31, $0x7  }
.Ltmp23:
0x28c: {  	s12 =	sadd.s32 s23, s12;
	s0 =	sand.u32 $0x380, s0;
	(pc) =	sbr.rel .LBB2_37-.Ltmp23, $4  }
0x28d: {  	_ =	swait.ge [sflag:s3], $0x1000;
	s0 =	sor.u32 s0, s12  }
0x28e: {  	[sflag:s3] =	ssyncset.done $0x0;
	s0 =	sshrl.u32 s0, $0x3  }
0x28f: {  	s11 =	sadd.s32 $0x1, s11;
	[sflag:s3] =	ssyncadd.s32 $0xFFFFF000;
	s0 =	sadd.s32 s5, s0  }
0x290: {  	[tilespmem:s6], [sflag:$0x2] =	stream.strided.gather [hbm4b:s0+s29], $0x1000, s30, s29, $0x38;
	[tilespmem:$0x1C800] =	vst v63  }
.LBB2_45:
0x291: {  	_ =	sfence.sel $0x180000  }
0x292: {  	[bflag:$0x0] =	sbarrier.arrive $0xFFFF  }
0x293: {  	_ =	strace $0x90000047  }
0x294: {  	s0 =	stileid.u32;
	[bflag:$0x2] =	sbarrier.arrive $0xFFFF  }
0x295: {  	p0 =	sne.s32 s0, $0x0;
	s0 =	rddreg [dreg:$0x6]  }
0x296: {  	s0 =	sadd.s32 @!p0 $0x100000, s0  }
0x297: {  	[sflag:s0] =	ssyncadd.tile.s32 @!p0 $0x1;
	_ =	shalt  }
.Lfunc_end2:
_tile_overlayer_lowered:
.L_overlay_start_2:
0x298: {  	(tag) =	ssettag $0x2  }
0x299: {  	s0 =	rddreg [dreg:$0x0];
	s2 =	stileid.u32  }
0x29a: {  	s1 =	rddreg [dreg:$0x1];
	p0 =	sne.s32 s2, $0x0  }
0x29b: {  	s3 =	rddreg [dreg:$0x2];
	[bflag:$0x3] =	sbarrier.arrive $0xFFFF;
	s2 =	simm.s32 @!p0 $0x1C03  }
0x29c: {  	[timem:s3], [sflag:s2] =	dma.local @!p0 [hbm:s0], s1  }
0x29d: {  	s0 =	simm.s32 @!p0 $0x3  }
0x29e: {  	_ =	swait.ge @!p0 [sflag:s0], s1  }
0x29f: {  	s1 =	ssub.s32 @!p0 $0x0, s1;
	[sflag:s0] =	ssyncset.done @!p0 $0x0  }
0x2a0: {  	[sflag:s0] =	ssyncadd.s32 @!p0 s1  }
0x2a1: {  	[bflag:$0x3] =	sbarrier.arrive $0xFFFF  }
0x2a2: {  	_ =	shalt  }

</sc_bundles>
